<compile_context>
chip_gen: v7x
topology: tpu7x:2x2x1
jax: 0.10.2.dev20260603
libtpu: 0.0.44.dev20260713+nightly
codegen_flags: <defaults>
</compile_context>

<pallas_src>
import functools

import jax
import jax.numpy as jnp
from jax import lax
from jax.experimental import pallas as pl
from jax.experimental.pallas import tpu as pltpu
from jax.experimental.pallas import tpu_sc as plsc

NC = 2
NS = 16
L = 16
NW = NC * NS

NBINS = 4096
COLS = 2048
CROWS = 8
SAMPLE_FRAC = 32
WNBINS = 2048
WCROWS = 16
WUSE = WNBINS - 16


def _scan_loop(x_hbm, buf0, buf1, sem0, sem1, rowbase, nchunks, crows,
               process):
    pltpu.async_copy(x_hbm.at[pl.ds(rowbase, crows)], buf0, sem0)
    pltpu.async_copy(x_hbm.at[pl.ds(rowbase + crows, crows)], buf1, sem1)

    def _outer(g, c):
        row = rowbase + 2 * g * crows
        pltpu.make_async_copy(
            x_hbm.at[pl.ds(row, crows)], buf0, sem0).wait()
        process(buf0)

        @pl.when(2 * g + 2 < nchunks)
        def _():
            pltpu.async_copy(
                x_hbm.at[pl.ds(row + 2 * crows, crows)], buf0, sem0)

        pltpu.make_async_copy(
            x_hbm.at[pl.ds(row + crows, crows)], buf1, sem1).wait()
        process(buf1)

        @pl.when(2 * g + 3 < nchunks)
        def _():
            pltpu.async_copy(
                x_hbm.at[pl.ds(row + 3 * crows, crows)], buf1, sem1)
        return c
    lax.fori_loop(0, nchunks // 2, _outer, 0)


def _finish_hist(hist, outbuf, hist_hbm, wid, nbins):
    @plsc.parallel_loop(0, nbins, step=L)
    def _red(j):
        acc = hist[pl.ds(j, L)]
        for lane in range(1, L):
            acc = acc + hist[pl.ds(lane * nbins + j, L)]
        outbuf[pl.ds(j, L)] = acc

    pltpu.sync_copy(outbuf, hist_hbm.at[pl.ds(wid * nbins, nbins)])


def _zero_hist(hist, nbins):
    @plsc.parallel_loop(0, L * nbins, step=L, unroll=8)
    def _zero(i):
        hist[pl.ds(i, L)] = jnp.zeros((L,), jnp.int32)


def _load_vreg(buf, i):
    return buf[lax.shift_right_logical(i, COLS.bit_length() - 1),
               pl.ds(lax.bitwise_and(i, COLS - 1), L)]


def _radix_body(shift_bin, shift_prefix, frac, nbins, x_hbm, prefix_hbm,
                hist_hbm, buf0, buf1, hist, outbuf, prefix_v, sem0, sem1):
    rows_per_w = x_hbm.shape[0] // NW
    nchunks = rows_per_w // CROWS // frac
    wid = lax.axis_index("s") * NC + lax.axis_index("c")
    rowbase = wid * rows_per_w

    laneoff = lax.iota(jnp.int32, L) * jnp.int32(nbins)
    ones = jnp.ones((L,), jnp.int32)

    _zero_hist(hist, nbins)
    pltpu.sync_copy(prefix_hbm, prefix_v)
    pvec = prefix_v[...]

    def _process(buf):
        @plsc.parallel_loop(0, CROWS * COLS, step=L, unroll=8)
        def _inner(i):
            key = lax.bitcast_convert_type(lax.abs(_load_vreg(buf, i)),
                                           jnp.int32)
            t = lax.shift_right_logical(key, jnp.int32(shift_bin))
            idx = laneoff + lax.bitwise_and(t, jnp.int32(nbins - 1))
            if shift_prefix >= 31:
                plsc.addupdate_scatter(hist, [idx], ones)
            else:
                m = lax.shift_right_logical(
                    t, jnp.int32(shift_prefix - shift_bin)) == pvec
                plsc.addupdate_scatter(hist, [idx], ones, mask=m)

    _scan_loop(x_hbm, buf0, buf1, sem0, sem1, rowbase, nchunks, CROWS,
               _process)
    _finish_hist(hist, outbuf, hist_hbm, wid, nbins)


def _window_body(x_hbm, base_hbm, hist_hbm,
                 buf0, buf1, hist, outbuf, base_v, sem0, sem1):
    rows_per_w = x_hbm.shape[0] // NW
    nchunks = rows_per_w // WCROWS
    wid = lax.axis_index("s") * NC + lax.axis_index("c")
    rowbase = wid * rows_per_w

    laneoff = lax.iota(jnp.int32, L) * jnp.int32(WNBINS)
    ones = jnp.ones((L,), jnp.int32)

    _zero_hist(hist, WNBINS)
    pltpu.sync_copy(base_hbm, base_v)
    bvec = base_v[...]

    def _process(buf):
        @plsc.parallel_loop(0, WCROWS * COLS, step=L, unroll=16)
        def _inner(i):
            key = lax.bitcast_convert_type(lax.abs(_load_vreg(buf, i)),
                                           jnp.int32)
            m = key >= bvec
            clamp = jnp.int32(WUSE) + lax.bitwise_and(
                lax.shift_right_logical(i, jnp.int32(4)), jnp.int32(15))
            binv = lax.min(
                lax.shift_right_logical(key - bvec, jnp.int32(7)), clamp)
            plsc.addupdate_scatter(hist, [laneoff + binv], ones, mask=m)

    _scan_loop(x_hbm, buf0, buf1, sem0, sem1, rowbase, nchunks, WCROWS,
               _process)
    _finish_hist(hist, outbuf, hist_hbm, wid, WNBINS)


def _sc_kernel(body, nbins, crows):
    mesh = plsc.VectorSubcoreMesh(core_axis_name="c", subcore_axis_name="s",
                                  num_cores=NC, num_subcores=NS)
    return pl.kernel(
        body,
        out_type=jax.ShapeDtypeStruct((NW * nbins,), jnp.int32),
        mesh=mesh,
        compiler_params=pltpu.CompilerParams(
            needs_layout_passes=False, use_tc_tiling_on_sc=True),
        scratch_types=[
            pltpu.VMEM((crows, COLS), jnp.float32),
            pltpu.VMEM((crows, COLS), jnp.float32),
            pltpu.VMEM((L * nbins,), jnp.int32),
            pltpu.VMEM((nbins,), jnp.int32),
            pltpu.VMEM((L,), jnp.int32),
            pltpu.SemaphoreType.DMA,
            pltpu.SemaphoreType.DMA,
        ],
    )


def _make_radix_kernel(shift_bin, shift_prefix, frac=1, nbins=NBINS):
    return _sc_kernel(
        functools.partial(_radix_body, shift_bin, shift_prefix, frac, nbins),
        nbins, CROWS)


def _select(hist, r):
    suffix = jnp.cumsum(hist[::-1])[::-1]
    b = jnp.sum(suffix >= r).astype(jnp.int32) - 1
    r_next = r - (suffix[b] - hist[b])
    return b, r_next


def _mask_body(kt_ref, x_ref, o_ref):
    bits = lax.bitcast_convert_type(x_ref[...], jnp.int32)
    key = jnp.bitwise_and(bits, jnp.int32(0x7FFFFFFF))
    o_ref[...] = jnp.where(key >= kt_ref[0], x_ref[...], jnp.float32(0.0))


def kernel(x):
    n = x.size
    k = max(1, int(n * (1.0 - 0.7)))
    rows = n // COLS
    x2d = x.reshape(rows, COLS)
    zeros16 = jnp.zeros((L,), jnp.int32)

    hs = _make_radix_kernel(20, 31, SAMPLE_FRAC, WNBINS)(x2d, zeros16)
    ks = max(1, k // SAMPLE_FRAC)
    hsum = hs.reshape(NW, WNBINS).sum(axis=0)
    bs, rs = _select(hsum, jnp.int32(ks))
    cs = jnp.maximum(hsum[bs], 1)
    off = ((cs - rs).astype(jnp.float32) / cs.astype(jnp.float32)
           * jnp.float32(1 << 20)).astype(jnp.int32)
    t_est = (bs << 20) + jnp.clip(off, 0, (1 << 20) - 1)
    base = jnp.clip(t_est - (WNBINS << 6), 0, 0x7FFFFFFF - (WNBINS << 7))

    hw = _sc_kernel(_window_body, WNBINS, WCROWS)(
        x2d, jnp.full((L,), base, jnp.int32))
    suffix = jnp.cumsum(hw.reshape(NW, WNBINS).sum(axis=0)[::-1])[::-1]
    j = jnp.sum(suffix >= k).astype(jnp.int32) - 1
    key_t_fast = base + (j << 7)
    missed = (j < 0) | (j >= WUSE)

    def _exact(_):
        h1 = _make_radix_kernel(19, 31)(x2d, zeros16)
        b1, r1 = _select(h1.reshape(NW, NBINS).sum(axis=0), jnp.int32(k))
        h2 = _make_radix_kernel(7, 19)(x2d, jnp.full((L,), b1, jnp.int32))
        b2, _ = _select(h2.reshape(NW, NBINS).sum(axis=0), r1)
        return ((b1 << 12) | b2) << 7

    key_t = lax.cond(missed, _exact, lambda _: key_t_fast, None)

    blk = 1024
    out = pl.pallas_call(
        _mask_body,
        grid=(rows // blk,),
        in_specs=[
            pl.BlockSpec(memory_space=pltpu.SMEM),
            pl.BlockSpec((blk, COLS), lambda i: (i, 0)),
        ],
        out_specs=pl.BlockSpec((blk, COLS), lambda i: (i, 0)),
        out_shape=jax.ShapeDtypeStruct((rows, COLS), jnp.float32),
    )(key_t.reshape(1), x2d)
    return out.reshape(x.shape)

# --- scband reference (transcript-rebuilt; emitter-appended) ---
"""Pipeline reference for scband-aggressive-pruner-8040178778306 (READ-ONLY COPY).

The authoritative reference and input builder live on the scoring server;
editing this copy changes nothing except your own understanding.
"""

import jax, jax.numpy as jnp
import numpy as np

PRUNING_RATIO = 0.7  # config.aggressive_pruning_ratio
ENABLED = True       # config.adaptive_pruning; module in eval (inference) mode


def setup_inputs(seed: int = 0) -> dict:
    key = jax.random.key(seed)
    x = jax.random.normal(key, (4, 4096, 2048), dtype=jnp.float32)
    return {"x": x}


def reference(x):
    # Faithful translation of AggressivePruner.forward in eval mode
    if not ENABLED:
        return x
    if PRUNING_RATIO > 0:
        n = x.size
        k = max(1, int(n * (1.0 - PRUNING_RATIO)))
        abs_flat = jnp.abs(x.reshape(-1))
        values, indices = jax.lax.top_k(abs_flat, k)
        threshold = values[-1]
        mask = jnp.abs(x) >= threshold
        return x * mask
    return x

if __name__ == "__main__":
    import jax
    _d = setup_inputs()
    print(jax.jit(kernel)(*tuple(_d.values())))

</pallas_src>

<mosaic_0001>
#map = affine_map<(d0, d1) -> (0, 0)>
#map1 = affine_map<(d0, d1) -> (0)>
module attributes {stable_mosaic.version = 14 : i64} {
  func.func @_radix_body(%arg0: i32, %arg1: i32, %arg2: memref<16384x2048xf32, #tpu.memory_space<hbm>>, %arg3: memref<16xi32, #tpu.memory_space<hbm>>, %arg4: memref<131072xi32, #tpu.memory_space<hbm>>, %arg5: memref<8x2048xf32, #tpu.memory_space<vmem>>, %arg6: memref<8x2048xf32, #tpu.memory_space<vmem>>, %arg7: memref<65536xi32, #tpu.memory_space<vmem>>, %arg8: memref<4096xi32, #tpu.memory_space<vmem>>, %arg9: memref<16xi32, #tpu.memory_space<vmem>>, %arg10: memref<!tpu.dma_semaphore, #tpu.memory_space<semaphore_mem>>, %arg11: memref<!tpu.dma_semaphore, #tpu.memory_space<semaphore_mem>>) attributes {dimension_semantics = [#tpu.dimension_semantics<core_parallel>, #tpu.dimension_semantics<subcore_parallel>], iteration_bounds = array<i64: 2, 16>, scalar_prefetch = 0 : i64, scratch_operands = 7 : i64, tpu.core_type = #tpu.core_type<sc_vector_subcore>, window_params = [{transform_indices = #map}, {transform_indices = #map1}, {transform_indices = #map1}]} {
    %mul3A = arith.constant 2 : i32
    %mul3A_0 = arith.muli %arg1, %mul3A : i32
    %add3A = arith.addi %mul3A_0, %arg0 : i32
    %mul3A_1 = arith.constant 512 : i32
    %mul3A_2 = arith.muli %add3A, %mul3A_1 : i32
    %iota3A = tpu.iota {dimensions = array<i32: 0>} : vector<16xi32>
    %mul3A_3 = arith.constant 4096 : i32
    %mul3A_4 = vector.broadcast %mul3A_3 : i32 to vector<16xi32>
    %mul3A_5 = arith.muli %iota3A, %mul3A_4 : vector<16xi32>
    %broadcast_in_dim3A = arith.constant 1 : i32
    %broadcast_in_dim3A_6 = vector.broadcast %broadcast_in_dim3A : i32 to vector<16xi32>
    %parallel_loop3A = arith.constant 0 : i32
    %parallel_loop3A_7 = arith.constant 65536 : i32
    %parallel_loop3A_8 = arith.constant 16 : i32
    scf.for %parallel_loop3A_29 = %parallel_loop3A to %parallel_loop3A_7 step %parallel_loop3A_8  : i32 {
      %parallel_loop3A_30 = arith.constant 0 : i32
      %parallel_loop3A_31 = vector.broadcast %parallel_loop3A_30 : i32 to vector<16xi32>
      %parallel_loop3A_32 = arith.index_cast %parallel_loop3A_29 : i32 to index
      %parallel_loop3A_33 = tpu.vector_load %arg7[%parallel_loop3A_32] {strides = array<i32>} : memref<65536xi32, #tpu.memory_space<vmem>>, vector<16xi32>,
      tpu.vector_store %arg7[%parallel_loop3A_32], %parallel_loop3A_31 {strides = array<i32>} : memref<65536xi32, #tpu.memory_space<vmem>>, vector<16xi32>,
    } {sc.loop_unroll_factor = 8 : i64, sc.parallel_access}
    "tpu.region"() ({
      %run_scoped3A = tpu.sem_alloc : memref<!tpu.dma_semaphore, #tpu.memory_space<semaphore_mem>>
      tpu.enqueue_dma source(%arg3 : memref<16xi32, #tpu.memory_space<hbm>>) target(%arg9 : memref<16xi32, #tpu.memory_space<vmem>>) target_semaphore(%run_scoped3A : memref<!tpu.dma_semaphore, #tpu.memory_space<semaphore_mem>>)
      tpu.wait_dma2 semaphore(%run_scoped3A : memref<!tpu.dma_semaphore, #tpu.memory_space<semaphore_mem>>) src(%arg3 : memref<16xi32, #tpu.memory_space<hbm>>) dst(%arg9 : memref<16xi32, #tpu.memory_space<vmem>>)
      tpu.yield
    }) : () -> ()
    %get3A = arith.constant 0 : index
    %get3A_9 = tpu.vector_load %arg9[%get3A] {strides = array<i32>} : memref<16xi32, #tpu.memory_space<vmem>>, vector<16xi32>,
    %dma_start3A = arith.constant 0 : i32
    %dma_start3A_10 = tpu.memref_slice %arg2[%mul3A_2, %dma_start3A] : memref<16384x2048xf32, #tpu.memory_space<hbm>> -> memref<8x2048xf32, #tpu.memory_space<hbm>>
    %dma_start3A_11 = arith.constant 0 : i32
    %dma_start3A_12 = tpu.memref_slice %arg2[%mul3A_2, %dma_start3A_11] : memref<16384x2048xf32, #tpu.memory_space<hbm>> -> memref<8x2048xf32, #tpu.memory_space<hbm>>
    tpu.enqueue_dma source(%dma_start3A_12 : memref<8x2048xf32, #tpu.memory_space<hbm>>) target(%arg5 : memref<8x2048xf32, #tpu.memory_space<vmem>>) target_semaphore(%arg10 : memref<!tpu.dma_semaphore, #tpu.memory_space<semaphore_mem>>)
    %add3A_13 = arith.constant 8 : i32
    %add3A_14 = arith.addi %mul3A_2, %add3A_13 : i32
    %dma_start3A_15 = arith.constant 0 : i32
    %dma_start3A_16 = tpu.memref_slice %arg2[%add3A_14, %dma_start3A_15] : memref<16384x2048xf32, #tpu.memory_space<hbm>> -> memref<8x2048xf32, #tpu.memory_space<hbm>>
    %dma_start3A_17 = arith.constant 0 : i32
    %dma_start3A_18 = tpu.memref_slice %arg2[%add3A_14, %dma_start3A_17] : memref<16384x2048xf32, #tpu.memory_space<hbm>> -> memref<8x2048xf32, #tpu.memory_space<hbm>>
    tpu.enqueue_dma source(%dma_start3A_18 : memref<8x2048xf32, #tpu.memory_space<hbm>>) target(%arg6 : memref<8x2048xf32, #tpu.memory_space<vmem>>) target_semaphore(%arg11 : memref<!tpu.dma_semaphore, #tpu.memory_space<semaphore_mem>>)
    %scan3A = arith.constant 0 : i32
    %scan3A_19 = arith.constant 0 : i32
    %scan3A_20 = arith.constant 32 : i32
    %scan3A_21 = arith.addi %scan3A_19, %scan3A_20 : i32
    %scan3A_22 = arith.constant 1 : i32
    scf.for %scan3A_29 = %scan3A_19 to %scan3A_21 step %scan3A_22  : i32 {
      %mul3A_30 = arith.constant 2 : i32
      %mul3A_31 = arith.muli %mul3A_30, %scan3A_29 : i32
      %mul3A_32 = arith.constant 8 : i32
      %mul3A_33 = arith.muli %mul3A_31, %mul3A_32 : i32
      %add3A_34 = arith.addi %mul3A_2, %mul3A_33 : i32
      %dma_wait3A = arith.constant 0 : i32
      %dma_wait3A_35 = tpu.memref_slice %arg2[%add3A_34, %dma_wait3A] : memref<16384x2048xf32, #tpu.memory_space<hbm>> -> memref<8x2048xf32, #tpu.memory_space<hbm>>
      %dma_wait3A_36 = arith.constant 0 : i32
      %dma_wait3A_37 = tpu.memref_slice %arg2[%add3A_34, %dma_wait3A_36] : memref<16384x2048xf32, #tpu.memory_space<hbm>> -> memref<8x2048xf32, #tpu.memory_space<hbm>>
      tpu.wait_dma2 semaphore(%arg10 : memref<!tpu.dma_semaphore, #tpu.memory_space<semaphore_mem>>) src(%dma_wait3A_37 : memref<8x2048xf32, #tpu.memory_space<hbm>>) dst(%arg5 : memref<8x2048xf32, #tpu.memory_space<vmem>>)
      %parallel_loop3A_38 = arith.constant 0 : i32
      %parallel_loop3A_39 = arith.constant 16384 : i32
      %parallel_loop3A_40 = arith.constant 16 : i32
      scf.for %parallel_loop3A_65 = %parallel_loop3A_38 to %parallel_loop3A_39 step %parallel_loop3A_40  : i32 {
        %parallel_loop3A_66 = arith.constant 11 : i32
        %parallel_loop3A_67 = arith.shrui %parallel_loop3A_65, %parallel_loop3A_66 : i32
        %parallel_loop3A_68 = arith.constant 2047 : i32
        %parallel_loop3A_69 = arith.andi %parallel_loop3A_65, %parallel_loop3A_68 : i32
        %parallel_loop3A_70 = arith.index_cast %parallel_loop3A_67 : i32 to index
        %parallel_loop3A_71 = arith.index_cast %parallel_loop3A_69 : i32 to index
        %parallel_loop3A_72 = tpu.vector_load %arg5[%parallel_loop3A_70, %parallel_loop3A_71] {strides = array<i32>} : memref<8x2048xf32, #tpu.memory_space<vmem>>, vector<16xf32>,
        %parallel_loop3A_73 = math.absf %parallel_loop3A_72 : vector<16xf32>
        %parallel_loop3A_74 = tpu.bitcast %parallel_loop3A_73 : vector<16xf32> -> vector<16xi32>
        %parallel_loop3A_75 = arith.constant 19 : i32
        %parallel_loop3A_76 = vector.broadcast %parallel_loop3A_75 : i32 to vector<16xi32>
        %parallel_loop3A_77 = arith.shrui %parallel_loop3A_74, %parallel_loop3A_76 : vector<16xi32>
        %parallel_loop3A_78 = arith.constant 4095 : i32
        %parallel_loop3A_79 = vector.broadcast %parallel_loop3A_78 : i32 to vector<16xi32>
        %parallel_loop3A_80 = arith.andi %parallel_loop3A_77, %parallel_loop3A_79 : vector<16xi32>
        %parallel_loop3A_81 = arith.addi %mul3A_5, %parallel_loop3A_80 : vector<16xi32>
        tpu.vector_store_idx %arg7[%parallel_loop3A_81], %broadcast_in_dim3A_6 {add = true} : memref<65536xi32, #tpu.memory_space<vmem>>[vector<16xi32>], vector<16xi32>,
      } {sc.loop_unroll_factor = 8 : i64, sc.parallel_access}
      %mul3A_41 = arith.constant 2 : i32
      %mul3A_42 = arith.muli %mul3A_41, %scan3A_29 : i32
      %add3A_43 = arith.constant 2 : i32
      %add3A_44 = arith.addi %mul3A_42, %add3A_43 : i32
      %lt3A = arith.constant 64 : i32
      %lt3A_45 = arith.cmpi slt, %add3A_44, %lt3A : i32
      %convert_element_type3A = arith.extui %lt3A_45 : i1 to i32
      %cond3A = arith.constant 0 : i32
      %cond3A_46 = arith.cmpi ne, %convert_element_type3A, %cond3A : i32
      scf.if %cond3A_46 {
        %add3A_65 = arith.constant 16 : i32
        %add3A_66 = arith.addi %add3A_34, %add3A_65 : i32
        %dma_start3A_67 = arith.constant 0 : i32
        %dma_start3A_68 = tpu.memref_slice %arg2[%add3A_66, %dma_start3A_67] : memref<16384x2048xf32, #tpu.memory_space<hbm>> -> memref<8x2048xf32, #tpu.memory_space<hbm>>
        %dma_start3A_69 = arith.constant 0 : i32
        %dma_start3A_70 = tpu.memref_slice %arg2[%add3A_66, %dma_start3A_69] : memref<16384x2048xf32, #tpu.memory_space<hbm>> -> memref<8x2048xf32, #tpu.memory_space<hbm>>
        tpu.enqueue_dma source(%dma_start3A_70 : memref<8x2048xf32, #tpu.memory_space<hbm>>) target(%arg5 : memref<8x2048xf32, #tpu.memory_space<vmem>>) target_semaphore(%arg10 : memref<!tpu.dma_semaphore, #tpu.memory_space<semaphore_mem>>)
      } else {
      }
      %add3A_47 = arith.constant 8 : i32
      %add3A_48 = arith.addi %add3A_34, %add3A_47 : i32
      %dma_wait3A_49 = arith.constant 0 : i32
      %dma_wait3A_50 = tpu.memref_slice %arg2[%add3A_48, %dma_wait3A_49] : memref<16384x2048xf32, #tpu.memory_space<hbm>> -> memref<8x2048xf32, #tpu.memory_space<hbm>>
      %dma_wait3A_51 = arith.constant 0 : i32
      %dma_wait3A_52 = tpu.memref_slice %arg2[%add3A_48, %dma_wait3A_51] : memref<16384x2048xf32, #tpu.memory_space<hbm>> -> memref<8x2048xf32, #tpu.memory_space<hbm>>
      tpu.wait_dma2 semaphore(%arg11 : memref<!tpu.dma_semaphore, #tpu.memory_space<semaphore_mem>>) src(%dma_wait3A_52 : memref<8x2048xf32, #tpu.memory_space<hbm>>) dst(%arg6 : memref<8x2048xf32, #tpu.memory_space<vmem>>)
      %parallel_loop3A_53 = arith.constant 0 : i32
      %parallel_loop3A_54 = arith.constant 16384 : i32
      %parallel_loop3A_55 = arith.constant 16 : i32
      scf.for %parallel_loop3A_65 = %parallel_loop3A_53 to %parallel_loop3A_54 step %parallel_loop3A_55  : i32 {
        %parallel_loop3A_66 = arith.constant 11 : i32
        %parallel_loop3A_67 = arith.shrui %parallel_loop3A_65, %parallel_loop3A_66 : i32
        %parallel_loop3A_68 = arith.constant 2047 : i32
        %parallel_loop3A_69 = arith.andi %parallel_loop3A_65, %parallel_loop3A_68 : i32
        %parallel_loop3A_70 = arith.index_cast %parallel_loop3A_67 : i32 to index
        %parallel_loop3A_71 = arith.index_cast %parallel_loop3A_69 : i32 to index
        %parallel_loop3A_72 = tpu.vector_load %arg6[%parallel_loop3A_70, %parallel_loop3A_71] {strides = array<i32>} : memref<8x2048xf32, #tpu.memory_space<vmem>>, vector<16xf32>,
        %parallel_loop3A_73 = math.absf %parallel_loop3A_72 : vector<16xf32>
        %parallel_loop3A_74 = tpu.bitcast %parallel_loop3A_73 : vector<16xf32> -> vector<16xi32>
        %parallel_loop3A_75 = arith.constant 19 : i32
        %parallel_loop3A_76 = vector.broadcast %parallel_loop3A_75 : i32 to vector<16xi32>
        %parallel_loop3A_77 = arith.shrui %parallel_loop3A_74, %parallel_loop3A_76 : vector<16xi32>
        %parallel_loop3A_78 = arith.constant 4095 : i32
        %parallel_loop3A_79 = vector.broadcast %parallel_loop3A_78 : i32 to vector<16xi32>
        %parallel_loop3A_80 = arith.andi %parallel_loop3A_77, %parallel_loop3A_79 : vector<16xi32>
        %parallel_loop3A_81 = arith.addi %mul3A_5, %parallel_loop3A_80 : vector<16xi32>
        tpu.vector_store_idx %arg7[%parallel_loop3A_81], %broadcast_in_dim3A_6 {add = true} : memref<65536xi32, #tpu.memory_space<vmem>>[vector<16xi32>], vector<16xi32>,
      } {sc.loop_unroll_factor = 8 : i64, sc.parallel_access}
      %mul3A_56 = arith.constant 2 : i32
      %mul3A_57 = arith.muli %mul3A_56, %scan3A_29 : i32
      %add3A_58 = arith.constant 3 : i32
      %add3A_59 = arith.addi %mul3A_57, %add3A_58 : i32
      %lt3A_60 = arith.constant 64 : i32
      %lt3A_61 = arith.cmpi slt, %add3A_59, %lt3A_60 : i32
      %convert_element_type3A_62 = arith.extui %lt3A_61 : i1 to i32
      %cond3A_63 = arith.constant 0 : i32
      %cond3A_64 = arith.cmpi ne, %convert_element_type3A_62, %cond3A_63 : i32
      scf.if %cond3A_64 {
        %add3A_65 = arith.constant 24 : i32
        %add3A_66 = arith.addi %add3A_34, %add3A_65 : i32
        %dma_start3A_67 = arith.constant 0 : i32
        %dma_start3A_68 = tpu.memref_slice %arg2[%add3A_66, %dma_start3A_67] : memref<16384x2048xf32, #tpu.memory_space<hbm>> -> memref<8x2048xf32, #tpu.memory_space<hbm>>
        %dma_start3A_69 = arith.constant 0 : i32
        %dma_start3A_70 = tpu.memref_slice %arg2[%add3A_66, %dma_start3A_69] : memref<16384x2048xf32, #tpu.memory_space<hbm>> -> memref<8x2048xf32, #tpu.memory_space<hbm>>
        tpu.enqueue_dma source(%dma_start3A_70 : memref<8x2048xf32, #tpu.memory_space<hbm>>) target(%arg6 : memref<8x2048xf32, #tpu.memory_space<vmem>>) target_semaphore(%arg11 : memref<!tpu.dma_semaphore, #tpu.memory_space<semaphore_mem>>)
      } else {
      }
    }
    %scan3A_23 = arith.constant 32 : i32
    %parallel_loop3A_24 = arith.constant 0 : i32
    %parallel_loop3A_25 = arith.constant 4096 : i32
    %parallel_loop3A_26 = arith.constant 16 : i32
    scf.for %parallel_loop3A_29 = %parallel_loop3A_24 to %parallel_loop3A_25 step %parallel_loop3A_26  : i32 {
      %parallel_loop3A_30 = arith.index_cast %parallel_loop3A_29 : i32 to index
      %parallel_loop3A_31 = tpu.vector_load %arg7[%parallel_loop3A_30] {strides = array<i32>} : memref<65536xi32, #tpu.memory_space<vmem>>, vector<16xi32>,
      %parallel_loop3A_32 = arith.constant 4096 : i32
      %parallel_loop3A_33 = arith.addi %parallel_loop3A_32, %parallel_loop3A_29 : i32
      %parallel_loop3A_34 = arith.index_cast %parallel_loop3A_33 : i32 to index
      %parallel_loop3A_35 = tpu.vector_load %arg7[%parallel_loop3A_34] {strides = array<i32>} : memref<65536xi32, #tpu.memory_space<vmem>>, vector<16xi32>,
      %parallel_loop3A_36 = arith.addi %parallel_loop3A_31, %parallel_loop3A_35 : vector<16xi32>
      %parallel_loop3A_37 = arith.constant 8192 : i32
      %parallel_loop3A_38 = arith.addi %parallel_loop3A_37, %parallel_loop3A_29 : i32
      %parallel_loop3A_39 = arith.index_cast %parallel_loop3A_38 : i32 to index
      %parallel_loop3A_40 = tpu.vector_load %arg7[%parallel_loop3A_39] {strides = array<i32>} : memref<65536xi32, #tpu.memory_space<vmem>>, vector<16xi32>,
      %parallel_loop3A_41 = arith.addi %parallel_loop3A_36, %parallel_loop3A_40 : vector<16xi32>
      %parallel_loop3A_42 = arith.constant 12288 : i32
      %parallel_loop3A_43 = arith.addi %parallel_loop3A_42, %parallel_loop3A_29 : i32
      %parallel_loop3A_44 = arith.index_cast %parallel_loop3A_43 : i32 to index
      %parallel_loop3A_45 = tpu.vector_load %arg7[%parallel_loop3A_44] {strides = array<i32>} : memref<65536xi32, #tpu.memory_space<vmem>>, vector<16xi32>,
      %parallel_loop3A_46 = arith.addi %parallel_loop3A_41, %parallel_loop3A_45 : vector<16xi32>
      %parallel_loop3A_47 = arith.constant 16384 : i32
      %parallel_loop3A_48 = arith.addi %parallel_loop3A_47, %parallel_loop3A_29 : i32
      %parallel_loop3A_49 = arith.index_cast %parallel_loop3A_48 : i32 to index
      %parallel_loop3A_50 = tpu.vector_load %arg7[%parallel_loop3A_49] {strides = array<i32>} : memref<65536xi32, #tpu.memory_space<vmem>>, vector<16xi32>,
      %parallel_loop3A_51 = arith.addi %parallel_loop3A_46, %parallel_loop3A_50 : vector<16xi32>
      %parallel_loop3A_52 = arith.constant 20480 : i32
      %parallel_loop3A_53 = arith.addi %parallel_loop3A_52, %parallel_loop3A_29 : i32
      %parallel_loop3A_54 = arith.index_cast %parallel_loop3A_53 : i32 to index
      %parallel_loop3A_55 = tpu.vector_load %arg7[%parallel_loop3A_54] {strides = array<i32>} : memref<65536xi32, #tpu.memory_space<vmem>>, vector<16xi32>,
      %parallel_loop3A_56 = arith.addi %parallel_loop3A_51, %parallel_loop3A_55 : vector<16xi32>
      %parallel_loop3A_57 = arith.constant 24576 : i32
      %parallel_loop3A_58 = arith.addi %parallel_loop3A_57, %parallel_loop3A_29 : i32
      %parallel_loop3A_59 = arith.index_cast %parallel_loop3A_58 : i32 to index
      %parallel_loop3A_60 = tpu.vector_load %arg7[%parallel_loop3A_59] {strides = array<i32>} : memref<65536xi32, #tpu.memory_space<vmem>>, vector<16xi32>,
      %parallel_loop3A_61 = arith.addi %parallel_loop3A_56, %parallel_loop3A_60 : vector<16xi32>
      %parallel_loop3A_62 = arith.constant 28672 : i32
      %parallel_loop3A_63 = arith.addi %parallel_loop3A_62, %parallel_loop3A_29 : i32
      %parallel_loop3A_64 = arith.index_cast %parallel_loop3A_63 : i32 to index
      %parallel_loop3A_65 = tpu.vector_load %arg7[%parallel_loop3A_64] {strides = array<i32>} : memref<65536xi32, #tpu.memory_space<vmem>>, vector<16xi32>,
      %parallel_loop3A_66 = arith.addi %parallel_loop3A_61, %parallel_loop3A_65 : vector<16xi32>
      %parallel_loop3A_67 = arith.constant 32768 : i32
      %parallel_loop3A_68 = arith.addi %parallel_loop3A_67, %parallel_loop3A_29 : i32
      %parallel_loop3A_69 = arith.index_cast %parallel_loop3A_68 : i32 to index
      %parallel_loop3A_70 = tpu.vector_load %arg7[%parallel_loop3A_69] {strides = array<i32>} : memref<65536xi32, #tpu.memory_space<vmem>>, vector<16xi32>,
      %parallel_loop3A_71 = arith.addi %parallel_loop3A_66, %parallel_loop3A_70 : vector<16xi32>
      %parallel_loop3A_72 = arith.constant 36864 : i32
      %parallel_loop3A_73 = arith.addi %parallel_loop3A_72, %parallel_loop3A_29 : i32
      %parallel_loop3A_74 = arith.index_cast %parallel_loop3A_73 : i32 to index
      %parallel_loop3A_75 = tpu.vector_load %arg7[%parallel_loop3A_74] {strides = array<i32>} : memref<65536xi32, #tpu.memory_space<vmem>>, vector<16xi32>,
      %parallel_loop3A_76 = arith.addi %parallel_loop3A_71, %parallel_loop3A_75 : vector<16xi32>
      %parallel_loop3A_77 = arith.constant 40960 : i32
      %parallel_loop3A_78 = arith.addi %parallel_loop3A_77, %parallel_loop3A_29 : i32
      %parallel_loop3A_79 = arith.index_cast %parallel_loop3A_78 : i32 to index
      %parallel_loop3A_80 = tpu.vector_load %arg7[%parallel_loop3A_79] {strides = array<i32>} : memref<65536xi32, #tpu.memory_space<vmem>>, vector<16xi32>,
      %parallel_loop3A_81 = arith.addi %parallel_loop3A_76, %parallel_loop3A_80 : vector<16xi32>
      %parallel_loop3A_82 = arith.constant 45056 : i32
      %parallel_loop3A_83 = arith.addi %parallel_loop3A_82, %parallel_loop3A_29 : i32
      %parallel_loop3A_84 = arith.index_cast %parallel_loop3A_83 : i32 to index
      %parallel_loop3A_85 = tpu.vector_load %arg7[%parallel_loop3A_84] {strides = array<i32>} : memref<65536xi32, #tpu.memory_space<vmem>>, vector<16xi32>,
      %parallel_loop3A_86 = arith.addi %parallel_loop3A_81, %parallel_loop3A_85 : vector<16xi32>
      %parallel_loop3A_87 = arith.constant 49152 : i32
      %parallel_loop3A_88 = arith.addi %parallel_loop3A_87, %parallel_loop3A_29 : i32
      %parallel_loop3A_89 = arith.index_cast %parallel_loop3A_88 : i32 to index
      %parallel_loop3A_90 = tpu.vector_load %arg7[%parallel_loop3A_89] {strides = array<i32>} : memref<65536xi32, #tpu.memory_space<vmem>>, vector<16xi32>,
      %parallel_loop3A_91 = arith.addi %parallel_loop3A_86, %parallel_loop3A_90 : vector<16xi32>
      %parallel_loop3A_92 = arith.constant 53248 : i32
      %parallel_loop3A_93 = arith.addi %parallel_loop3A_92, %parallel_loop3A_29 : i32
      %parallel_loop3A_94 = arith.index_cast %parallel_loop3A_93 : i32 to index
      %parallel_loop3A_95 = tpu.vector_load %arg7[%parallel_loop3A_94] {strides = array<i32>} : memref<65536xi32, #tpu.memory_space<vmem>>, vector<16xi32>,
      %parallel_loop3A_96 = arith.addi %parallel_loop3A_91, %parallel_loop3A_95 : vector<16xi32>
      %parallel_loop3A_97 = arith.constant 57344 : i32
      %parallel_loop3A_98 = arith.addi %parallel_loop3A_97, %parallel_loop3A_29 : i32
      %parallel_loop3A_99 = arith.index_cast %parallel_loop3A_98 : i32 to index
      %parallel_loop3A_100 = tpu.vector_load %arg7[%parallel_loop3A_99] {strides = array<i32>} : memref<65536xi32, #tpu.memory_space<vmem>>, vector<16xi32>,
      %parallel_loop3A_101 = arith.addi %parallel_loop3A_96, %parallel_loop3A_100 : vector<16xi32>
      %parallel_loop3A_102 = arith.constant 61440 : i32
      %parallel_loop3A_103 = arith.addi %parallel_loop3A_102, %parallel_loop3A_29 : i32
      %parallel_loop3A_104 = arith.index_cast %parallel_loop3A_103 : i32 to index
      %parallel_loop3A_105 = tpu.vector_load %arg7[%parallel_loop3A_104] {strides = array<i32>} : memref<65536xi32, #tpu.memory_space<vmem>>, vector<16xi32>,
      %parallel_loop3A_106 = arith.addi %parallel_loop3A_101, %parallel_loop3A_105 : vector<16xi32>
      %parallel_loop3A_107 = arith.index_cast %parallel_loop3A_29 : i32 to index
      %parallel_loop3A_108 = tpu.vector_load %arg8[%parallel_loop3A_107] {strides = array<i32>} : memref<4096xi32, #tpu.memory_space<vmem>>, vector<16xi32>,
      tpu.vector_store %arg8[%parallel_loop3A_107], %parallel_loop3A_106 {strides = array<i32>} : memref<4096xi32, #tpu.memory_space<vmem>>, vector<16xi32>,
    } {sc.loop_unroll_factor = 1 : i64, sc.parallel_access}
    %mul3A_27 = arith.constant 4096 : i32
    %mul3A_28 = arith.muli %add3A, %mul3A_27 : i32
    "tpu.region"() ({
      %run_scoped3A = tpu.sem_alloc : memref<!tpu.dma_semaphore, #tpu.memory_space<semaphore_mem>>
      %dma_start3A_29 = tpu.memref_slice %arg4[%mul3A_28] : memref<131072xi32, #tpu.memory_space<hbm>> -> memref<4096xi32, #tpu.memory_space<hbm>>
      %dma_start3A_30 = tpu.memref_slice %arg4[%mul3A_28] : memref<131072xi32, #tpu.memory_space<hbm>> -> memref<4096xi32, #tpu.memory_space<hbm>>
      tpu.enqueue_dma source(%arg8 : memref<4096xi32, #tpu.memory_space<vmem>>) target(%dma_start3A_30 : memref<4096xi32, #tpu.memory_space<hbm>>) target_semaphore(%run_scoped3A : memref<!tpu.dma_semaphore, #tpu.memory_space<semaphore_mem>>)
      %dma_wait3A = tpu.memref_slice %arg4[%mul3A_28] : memref<131072xi32, #tpu.memory_space<hbm>> -> memref<4096xi32, #tpu.memory_space<hbm>>
      %dma_wait3A_31 = tpu.memref_slice %arg4[%mul3A_28] : memref<131072xi32, #tpu.memory_space<hbm>> -> memref<4096xi32, #tpu.memory_space<hbm>>
      tpu.wait_dma2 semaphore(%run_scoped3A : memref<!tpu.dma_semaphore, #tpu.memory_space<semaphore_mem>>) src(%arg8 : memref<4096xi32, #tpu.memory_space<vmem>>) dst(%dma_wait3A_31 : memref<4096xi32, #tpu.memory_space<hbm>>)
      tpu.yield
    }) : () -> ()
    return
  }
}

#map = affine_map<(d0, d1) -> (0, 0)>
#map1 = affine_map<(d0, d1) -> (0)>
module attributes {stable_mosaic.version = 14 : i64} {
  func.func @_radix_body(%arg0: i32, %arg1: i32, %arg2: memref<16384x2048xf32, #tpu.memory_space<hbm>>, %arg3: memref<16xi32, #tpu.memory_space<hbm>>, %arg4: memref<65536xi32, #tpu.memory_space<hbm>>, %arg5: memref<8x2048xf32, #tpu.memory_space<vmem>>, %arg6: memref<8x2048xf32, #tpu.memory_space<vmem>>, %arg7: memref<32768xi32, #tpu.memory_space<vmem>>, %arg8: memref<2048xi32, #tpu.memory_space<vmem>>, %arg9: memref<16xi32, #tpu.memory_space<vmem>>, %arg10: memref<!tpu.dma_semaphore, #tpu.memory_space<semaphore_mem>>, %arg11: memref<!tpu.dma_semaphore, #tpu.memory_space<semaphore_mem>>) attributes {dimension_semantics = [#tpu.dimension_semantics<core_parallel>, #tpu.dimension_semantics<subcore_parallel>], iteration_bounds = array<i64: 2, 16>, scalar_prefetch = 0 : i64, scratch_operands = 7 : i64, tpu.core_type = #tpu.core_type<sc_vector_subcore>, window_params = [{transform_indices = #map}, {transform_indices = #map1}, {transform_indices = #map1}]} {
    %mul3A = arith.constant 2 : i32
    %mul3A_0 = arith.muli %arg1, %mul3A : i32
    %add3A = arith.addi %mul3A_0, %arg0 : i32
    %mul3A_1 = arith.constant 512 : i32
    %mul3A_2 = arith.muli %add3A, %mul3A_1 : i32
    %iota3A = tpu.iota {dimensions = array<i32: 0>} : vector<16xi32>
    %mul3A_3 = arith.constant 2048 : i32
    %mul3A_4 = vector.broadcast %mul3A_3 : i32 to vector<16xi32>
    %mul3A_5 = arith.muli %iota3A, %mul3A_4 : vector<16xi32>
    %broadcast_in_dim3A = arith.constant 1 : i32
    %broadcast_in_dim3A_6 = vector.broadcast %broadcast_in_dim3A : i32 to vector<16xi32>
    %parallel_loop3A = arith.constant 0 : i32
    %parallel_loop3A_7 = arith.constant 32768 : i32
    %parallel_loop3A_8 = arith.constant 16 : i32
    scf.for %parallel_loop3A_61 = %parallel_loop3A to %parallel_loop3A_7 step %parallel_loop3A_8  : i32 {
      %parallel_loop3A_62 = arith.constant 0 : i32
      %parallel_loop3A_63 = vector.broadcast %parallel_loop3A_62 : i32 to vector<16xi32>
      %parallel_loop3A_64 = arith.index_cast %parallel_loop3A_61 : i32 to index
      %parallel_loop3A_65 = tpu.vector_load %arg7[%parallel_loop3A_64] {strides = array<i32>} : memref<32768xi32, #tpu.memory_space<vmem>>, vector<16xi32>,
      tpu.vector_store %arg7[%parallel_loop3A_64], %parallel_loop3A_63 {strides = array<i32>} : memref<32768xi32, #tpu.memory_space<vmem>>, vector<16xi32>,
    } {sc.loop_unroll_factor = 8 : i64, sc.parallel_access}
    "tpu.region"() ({
      %run_scoped3A = tpu.sem_alloc : memref<!tpu.dma_semaphore, #tpu.memory_space<semaphore_mem>>
      tpu.enqueue_dma source(%arg3 : memref<16xi32, #tpu.memory_space<hbm>>) target(%arg9 : memref<16xi32, #tpu.memory_space<vmem>>) target_semaphore(%run_scoped3A : memref<!tpu.dma_semaphore, #tpu.memory_space<semaphore_mem>>)
      tpu.wait_dma2 semaphore(%run_scoped3A : memref<!tpu.dma_semaphore, #tpu.memory_space<semaphore_mem>>) src(%arg3 : memref<16xi32, #tpu.memory_space<hbm>>) dst(%arg9 : memref<16xi32, #tpu.memory_space<vmem>>)
      tpu.yield
    }) : () -> ()
    %get3A = arith.constant 0 : index
    %get3A_9 = tpu.vector_load %arg9[%get3A] {strides = array<i32>} : memref<16xi32, #tpu.memory_space<vmem>>, vector<16xi32>,
    %dma_start3A = arith.constant 0 : i32
    %dma_start3A_10 = tpu.memref_slice %arg2[%mul3A_2, %dma_start3A] : memref<16384x2048xf32, #tpu.memory_space<hbm>> -> memref<8x2048xf32, #tpu.memory_space<hbm>>
    %dma_start3A_11 = arith.constant 0 : i32
    %dma_start3A_12 = tpu.memref_slice %arg2[%mul3A_2, %dma_start3A_11] : memref<16384x2048xf32, #tpu.memory_space<hbm>> -> memref<8x2048xf32, #tpu.memory_space<hbm>>
    tpu.enqueue_dma source(%dma_start3A_12 : memref<8x2048xf32, #tpu.memory_space<hbm>>) target(%arg5 : memref<8x2048xf32, #tpu.memory_space<vmem>>) target_semaphore(%arg10 : memref<!tpu.dma_semaphore, #tpu.memory_space<semaphore_mem>>)
    %add3A_13 = arith.constant 8 : i32
    %add3A_14 = arith.addi %mul3A_2, %add3A_13 : i32
    %dma_start3A_15 = arith.constant 0 : i32
    %dma_start3A_16 = tpu.memref_slice %arg2[%add3A_14, %dma_start3A_15] : memref<16384x2048xf32, #tpu.memory_space<hbm>> -> memref<8x2048xf32, #tpu.memory_space<hbm>>
    %dma_start3A_17 = arith.constant 0 : i32
    %dma_start3A_18 = tpu.memref_slice %arg2[%add3A_14, %dma_start3A_17] : memref<16384x2048xf32, #tpu.memory_space<hbm>> -> memref<8x2048xf32, #tpu.memory_space<hbm>>
    tpu.enqueue_dma source(%dma_start3A_18 : memref<8x2048xf32, #tpu.memory_space<hbm>>) target(%arg6 : memref<8x2048xf32, #tpu.memory_space<vmem>>) target_semaphore(%arg11 : memref<!tpu.dma_semaphore, #tpu.memory_space<semaphore_mem>>)
    %scan3A = arith.constant 0 : i32
    %scan3A_19 = arith.constant 0 : i32
    %mul3A_20 = arith.constant 2 : i32
    %mul3A_21 = arith.muli %mul3A_20, %scan3A_19 : i32
    %mul3A_22 = arith.constant 8 : i32
    %mul3A_23 = arith.muli %mul3A_21, %mul3A_22 : i32
    %add3A_24 = arith.addi %mul3A_2, %mul3A_23 : i32
    %dma_wait3A = arith.constant 0 : i32
    %dma_wait3A_25 = tpu.memref_slice %arg2[%add3A_24, %dma_wait3A] : memref<16384x2048xf32, #tpu.memory_space<hbm>> -> memref<8x2048xf32, #tpu.memory_space<hbm>>
    %dma_wait3A_26 = arith.constant 0 : i32
    %dma_wait3A_27 = tpu.memref_slice %arg2[%add3A_24, %dma_wait3A_26] : memref<16384x2048xf32, #tpu.memory_space<hbm>> -> memref<8x2048xf32, #tpu.memory_space<hbm>>
    tpu.wait_dma2 semaphore(%arg10 : memref<!tpu.dma_semaphore, #tpu.memory_space<semaphore_mem>>) src(%dma_wait3A_27 : memref<8x2048xf32, #tpu.memory_space<hbm>>) dst(%arg5 : memref<8x2048xf32, #tpu.memory_space<vmem>>)
    %parallel_loop3A_28 = arith.constant 0 : i32
    %parallel_loop3A_29 = arith.constant 16384 : i32
    %parallel_loop3A_30 = arith.constant 16 : i32
    scf.for %parallel_loop3A_61 = %parallel_loop3A_28 to %parallel_loop3A_29 step %parallel_loop3A_30  : i32 {
      %parallel_loop3A_62 = arith.constant 11 : i32
      %parallel_loop3A_63 = arith.shrui %parallel_loop3A_61, %parallel_loop3A_62 : i32
      %parallel_loop3A_64 = arith.constant 2047 : i32
      %parallel_loop3A_65 = arith.andi %parallel_loop3A_61, %parallel_loop3A_64 : i32
      %parallel_loop3A_66 = arith.index_cast %parallel_loop3A_63 : i32 to index
      %parallel_loop3A_67 = arith.index_cast %parallel_loop3A_65 : i32 to index
      %parallel_loop3A_68 = tpu.vector_load %arg5[%parallel_loop3A_66, %parallel_loop3A_67] {strides = array<i32>} : memref<8x2048xf32, #tpu.memory_space<vmem>>, vector<16xf32>,
      %parallel_loop3A_69 = math.absf %parallel_loop3A_68 : vector<16xf32>
      %parallel_loop3A_70 = tpu.bitcast %parallel_loop3A_69 : vector<16xf32> -> vector<16xi32>
      %parallel_loop3A_71 = arith.constant 20 : i32
      %parallel_loop3A_72 = vector.broadcast %parallel_loop3A_71 : i32 to vector<16xi32>
      %parallel_loop3A_73 = arith.shrui %parallel_loop3A_70, %parallel_loop3A_72 : vector<16xi32>
      %parallel_loop3A_74 = arith.constant 2047 : i32
      %parallel_loop3A_75 = vector.broadcast %parallel_loop3A_74 : i32 to vector<16xi32>
      %parallel_loop3A_76 = arith.andi %parallel_loop3A_73, %parallel_loop3A_75 : vector<16xi32>
      %parallel_loop3A_77 = arith.addi %mul3A_5, %parallel_loop3A_76 : vector<16xi32>
      tpu.vector_store_idx %arg7[%parallel_loop3A_77], %broadcast_in_dim3A_6 {add = true} : memref<32768xi32, #tpu.memory_space<vmem>>[vector<16xi32>], vector<16xi32>,
    } {sc.loop_unroll_factor = 8 : i64, sc.parallel_access}
    %mul3A_31 = arith.constant 2 : i32
    %mul3A_32 = arith.muli %mul3A_31, %scan3A_19 : i32
    %add3A_33 = arith.constant 2 : i32
    %add3A_34 = arith.addi %mul3A_32, %add3A_33 : i32
    %lt3A = arith.constant 2 : i32
    %lt3A_35 = arith.cmpi slt, %add3A_34, %lt3A : i32
    %convert_element_type3A = arith.extui %lt3A_35 : i1 to i32
    %cond3A = arith.constant 0 : i32
    %cond3A_36 = arith.cmpi ne, %convert_element_type3A, %cond3A : i32
    scf.if %cond3A_36 {
      %add3A_61 = arith.constant 16 : i32
      %add3A_62 = arith.addi %add3A_24, %add3A_61 : i32
      %dma_start3A_63 = arith.constant 0 : i32
      %dma_start3A_64 = tpu.memref_slice %arg2[%add3A_62, %dma_start3A_63] : memref<16384x2048xf32, #tpu.memory_space<hbm>> -> memref<8x2048xf32, #tpu.memory_space<hbm>>
      %dma_start3A_65 = arith.constant 0 : i32
      %dma_start3A_66 = tpu.memref_slice %arg2[%add3A_62, %dma_start3A_65] : memref<16384x2048xf32, #tpu.memory_space<hbm>> -> memref<8x2048xf32, #tpu.memory_space<hbm>>
      tpu.enqueue_dma source(%dma_start3A_66 : memref<8x2048xf32, #tpu.memory_space<hbm>>) target(%arg5 : memref<8x2048xf32, #tpu.memory_space<vmem>>) target_semaphore(%arg10 : memref<!tpu.dma_semaphore, #tpu.memory_space<semaphore_mem>>)
    } else {
    }
    %add3A_37 = arith.constant 8 : i32
    %add3A_38 = arith.addi %add3A_24, %add3A_37 : i32
    %dma_wait3A_39 = arith.constant 0 : i32
    %dma_wait3A_40 = tpu.memref_slice %arg2[%add3A_38, %dma_wait3A_39] : memref<16384x2048xf32, #tpu.memory_space<hbm>> -> memref<8x2048xf32, #tpu.memory_space<hbm>>
    %dma_wait3A_41 = arith.constant 0 : i32
    %dma_wait3A_42 = tpu.memref_slice %arg2[%add3A_38, %dma_wait3A_41] : memref<16384x2048xf32, #tpu.memory_space<hbm>> -> memref<8x2048xf32, #tpu.memory_space<hbm>>
    tpu.wait_dma2 semaphore(%arg11 : memref<!tpu.dma_semaphore, #tpu.memory_space<semaphore_mem>>) src(%dma_wait3A_42 : memref<8x2048xf32, #tpu.memory_space<hbm>>) dst(%arg6 : memref<8x2048xf32, #tpu.memory_space<vmem>>)
    %parallel_loop3A_43 = arith.constant 0 : i32
    %parallel_loop3A_44 = arith.constant 16384 : i32
    %parallel_loop3A_45 = arith.constant 16 : i32
    scf.for %parallel_loop3A_61 = %parallel_loop3A_43 to %parallel_loop3A_44 step %parallel_loop3A_45  : i32 {
      %parallel_loop3A_62 = arith.constant 11 : i32
      %parallel_loop3A_63 = arith.shrui %parallel_loop3A_61, %parallel_loop3A_62 : i32
      %parallel_loop3A_64 = arith.constant 2047 : i32
      %parallel_loop3A_65 = arith.andi %parallel_loop3A_61, %parallel_loop3A_64 : i32
      %parallel_loop3A_66 = arith.index_cast %parallel_loop3A_63 : i32 to index
      %parallel_loop3A_67 = arith.index_cast %parallel_loop3A_65 : i32 to index
      %parallel_loop3A_68 = tpu.vector_load %arg6[%parallel_loop3A_66, %parallel_loop3A_67] {strides = array<i32>} : memref<8x2048xf32, #tpu.memory_space<vmem>>, vector<16xf32>,
      %parallel_loop3A_69 = math.absf %parallel_loop3A_68 : vector<16xf32>
      %parallel_loop3A_70 = tpu.bitcast %parallel_loop3A_69 : vector<16xf32> -> vector<16xi32>
      %parallel_loop3A_71 = arith.constant 20 : i32
      %parallel_loop3A_72 = vector.broadcast %parallel_loop3A_71 : i32 to vector<16xi32>
      %parallel_loop3A_73 = arith.shrui %parallel_loop3A_70, %parallel_loop3A_72 : vector<16xi32>
      %parallel_loop3A_74 = arith.constant 2047 : i32
      %parallel_loop3A_75 = vector.broadcast %parallel_loop3A_74 : i32 to vector<16xi32>
      %parallel_loop3A_76 = arith.andi %parallel_loop3A_73, %parallel_loop3A_75 : vector<16xi32>
      %parallel_loop3A_77 = arith.addi %mul3A_5, %parallel_loop3A_76 : vector<16xi32>
      tpu.vector_store_idx %arg7[%parallel_loop3A_77], %broadcast_in_dim3A_6 {add = true} : memref<32768xi32, #tpu.memory_space<vmem>>[vector<16xi32>], vector<16xi32>,
    } {sc.loop_unroll_factor = 8 : i64, sc.parallel_access}
    %mul3A_46 = arith.constant 2 : i32
    %mul3A_47 = arith.muli %mul3A_46, %scan3A_19 : i32
    %add3A_48 = arith.constant 3 : i32
    %add3A_49 = arith.addi %mul3A_47, %add3A_48 : i32
    %lt3A_50 = arith.constant 2 : i32
    %lt3A_51 = arith.cmpi slt, %add3A_49, %lt3A_50 : i32
    %convert_element_type3A_52 = arith.extui %lt3A_51 : i1 to i32
    %cond3A_53 = arith.constant 0 : i32
    %cond3A_54 = arith.cmpi ne, %convert_element_type3A_52, %cond3A_53 : i32
    scf.if %cond3A_54 {
      %add3A_61 = arith.constant 24 : i32
      %add3A_62 = arith.addi %add3A_24, %add3A_61 : i32
      %dma_start3A_63 = arith.constant 0 : i32
      %dma_start3A_64 = tpu.memref_slice %arg2[%add3A_62, %dma_start3A_63] : memref<16384x2048xf32, #tpu.memory_space<hbm>> -> memref<8x2048xf32, #tpu.memory_space<hbm>>
      %dma_start3A_65 = arith.constant 0 : i32
      %dma_start3A_66 = tpu.memref_slice %arg2[%add3A_62, %dma_start3A_65] : memref<16384x2048xf32, #tpu.memory_space<hbm>> -> memref<8x2048xf32, #tpu.memory_space<hbm>>
      tpu.enqueue_dma source(%dma_start3A_66 : memref<8x2048xf32, #tpu.memory_space<hbm>>) target(%arg6 : memref<8x2048xf32, #tpu.memory_space<vmem>>) target_semaphore(%arg11 : memref<!tpu.dma_semaphore, #tpu.memory_space<semaphore_mem>>)
    } else {
    }
    %scan3A_55 = arith.constant 1 : i32
    %parallel_loop3A_56 = arith.constant 0 : i32
    %parallel_loop3A_57 = arith.constant 2048 : i32
    %parallel_loop3A_58 = arith.constant 16 : i32
    scf.for %parallel_loop3A_61 = %parallel_loop3A_56 to %parallel_loop3A_57 step %parallel_loop3A_58  : i32 {
      %parallel_loop3A_62 = arith.index_cast %parallel_loop3A_61 : i32 to index
      %parallel_loop3A_63 = tpu.vector_load %arg7[%parallel_loop3A_62] {strides = array<i32>} : memref<32768xi32, #tpu.memory_space<vmem>>, vector<16xi32>,
      %parallel_loop3A_64 = arith.constant 2048 : i32
      %parallel_loop3A_65 = arith.addi %parallel_loop3A_64, %parallel_loop3A_61 : i32
      %parallel_loop3A_66 = arith.index_cast %parallel_loop3A_65 : i32 to index
      %parallel_loop3A_67 = tpu.vector_load %arg7[%parallel_loop3A_66] {strides = array<i32>} : memref<32768xi32, #tpu.memory_space<vmem>>, vector<16xi32>,
      %parallel_loop3A_68 = arith.addi %parallel_loop3A_63, %parallel_loop3A_67 : vector<16xi32>
      %parallel_loop3A_69 = arith.constant 4096 : i32
      %parallel_loop3A_70 = arith.addi %parallel_loop3A_69, %parallel_loop3A_61 : i32
      %parallel_loop3A_71 = arith.index_cast %parallel_loop3A_70 : i32 to index
      %parallel_loop3A_72 = tpu.vector_load %arg7[%parallel_loop3A_71] {strides = array<i32>} : memref<32768xi32, #tpu.memory_space<vmem>>, vector<16xi32>,
      %parallel_loop3A_73 = arith.addi %parallel_loop3A_68, %parallel_loop3A_72 : vector<16xi32>
      %parallel_loop3A_74 = arith.constant 6144 : i32
      %parallel_loop3A_75 = arith.addi %parallel_loop3A_74, %parallel_loop3A_61 : i32
      %parallel_loop3A_76 = arith.index_cast %parallel_loop3A_75 : i32 to index
      %parallel_loop3A_77 = tpu.vector_load %arg7[%parallel_loop3A_76] {strides = array<i32>} : memref<32768xi32, #tpu.memory_space<vmem>>, vector<16xi32>,
      %parallel_loop3A_78 = arith.addi %parallel_loop3A_73, %parallel_loop3A_77 : vector<16xi32>
      %parallel_loop3A_79 = arith.constant 8192 : i32
      %parallel_loop3A_80 = arith.addi %parallel_loop3A_79, %parallel_loop3A_61 : i32
      %parallel_loop3A_81 = arith.index_cast %parallel_loop3A_80 : i32 to index
      %parallel_loop3A_82 = tpu.vector_load %arg7[%parallel_loop3A_81] {strides = array<i32>} : memref<32768xi32, #tpu.memory_space<vmem>>, vector<16xi32>,
      %parallel_loop3A_83 = arith.addi %parallel_loop3A_78, %parallel_loop3A_82 : vector<16xi32>
      %parallel_loop3A_84 = arith.constant 10240 : i32
      %parallel_loop3A_85 = arith.addi %parallel_loop3A_84, %parallel_loop3A_61 : i32
      %parallel_loop3A_86 = arith.index_cast %parallel_loop3A_85 : i32 to index
      %parallel_loop3A_87 = tpu.vector_load %arg7[%parallel_loop3A_86] {strides = array<i32>} : memref<32768xi32, #tpu.memory_space<vmem>>, vector<16xi32>,
      %parallel_loop3A_88 = arith.addi %parallel_loop3A_83, %parallel_loop3A_87 : vector<16xi32>
      %parallel_loop3A_89 = arith.constant 12288 : i32
      %parallel_loop3A_90 = arith.addi %parallel_loop3A_89, %parallel_loop3A_61 : i32
      %parallel_loop3A_91 = arith.index_cast %parallel_loop3A_90 : i32 to index
      %parallel_loop3A_92 = tpu.vector_load %arg7[%parallel_loop3A_91] {strides = array<i32>} : memref<32768xi32, #tpu.memory_space<vmem>>, vector<16xi32>,
      %parallel_loop3A_93 = arith.addi %parallel_loop3A_88, %parallel_loop3A_92 : vector<16xi32>
      %parallel_loop3A_94 = arith.constant 14336 : i32
      %parallel_loop3A_95 = arith.addi %parallel_loop3A_94, %parallel_loop3A_61 : i32
      %parallel_loop3A_96 = arith.index_cast %parallel_loop3A_95 : i32 to index
      %parallel_loop3A_97 = tpu.vector_load %arg7[%parallel_loop3A_96] {strides = array<i32>} : memref<32768xi32, #tpu.memory_space<vmem>>, vector<16xi32>,
      %parallel_loop3A_98 = arith.addi %parallel_loop3A_93, %parallel_loop3A_97 : vector<16xi32>
      %parallel_loop3A_99 = arith.constant 16384 : i32
      %parallel_loop3A_100 = arith.addi %parallel_loop3A_99, %parallel_loop3A_61 : i32
      %parallel_loop3A_101 = arith.index_cast %parallel_loop3A_100 : i32 to index
      %parallel_loop3A_102 = tpu.vector_load %arg7[%parallel_loop3A_101] {strides = array<i32>} : memref<32768xi32, #tpu.memory_space<vmem>>, vector<16xi32>,
      %parallel_loop3A_103 = arith.addi %parallel_loop3A_98, %parallel_loop3A_102 : vector<16xi32>
      %parallel_loop3A_104 = arith.constant 18432 : i32
      %parallel_loop3A_105 = arith.addi %parallel_loop3A_104, %parallel_loop3A_61 : i32
      %parallel_loop3A_106 = arith.index_cast %parallel_loop3A_105 : i32 to index
      %parallel_loop3A_107 = tpu.vector_load %arg7[%parallel_loop3A_106] {strides = array<i32>} : memref<32768xi32, #tpu.memory_space<vmem>>, vector<16xi32>,
      %parallel_loop3A_108 = arith.addi %parallel_loop3A_103, %parallel_loop3A_107 : vector<16xi32>
      %parallel_loop3A_109 = arith.constant 20480 : i32
      %parallel_loop3A_110 = arith.addi %parallel_loop3A_109, %parallel_loop3A_61 : i32
      %parallel_loop3A_111 = arith.index_cast %parallel_loop3A_110 : i32 to index
      %parallel_loop3A_112 = tpu.vector_load %arg7[%parallel_loop3A_111] {strides = array<i32>} : memref<32768xi32, #tpu.memory_space<vmem>>, vector<16xi32>,
      %parallel_loop3A_113 = arith.addi %parallel_loop3A_108, %parallel_loop3A_112 : vector<16xi32>
      %parallel_loop3A_114 = arith.constant 22528 : i32
      %parallel_loop3A_115 = arith.addi %parallel_loop3A_114, %parallel_loop3A_61 : i32
      %parallel_loop3A_116 = arith.index_cast %parallel_loop3A_115 : i32 to index
      %parallel_loop3A_117 = tpu.vector_load %arg7[%parallel_loop3A_116] {strides = array<i32>} : memref<32768xi32, #tpu.memory_space<vmem>>, vector<16xi32>,
      %parallel_loop3A_118 = arith.addi %parallel_loop3A_113, %parallel_loop3A_117 : vector<16xi32>
      %parallel_loop3A_119 = arith.constant 24576 : i32
      %parallel_loop3A_120 = arith.addi %parallel_loop3A_119, %parallel_loop3A_61 : i32
      %parallel_loop3A_121 = arith.index_cast %parallel_loop3A_120 : i32 to index
      %parallel_loop3A_122 = tpu.vector_load %arg7[%parallel_loop3A_121] {strides = array<i32>} : memref<32768xi32, #tpu.memory_space<vmem>>, vector<16xi32>,
      %parallel_loop3A_123 = arith.addi %parallel_loop3A_118, %parallel_loop3A_122 : vector<16xi32>
      %parallel_loop3A_124 = arith.constant 26624 : i32
      %parallel_loop3A_125 = arith.addi %parallel_loop3A_124, %parallel_loop3A_61 : i32
      %parallel_loop3A_126 = arith.index_cast %parallel_loop3A_125 : i32 to index
      %parallel_loop3A_127 = tpu.vector_load %arg7[%parallel_loop3A_126] {strides = array<i32>} : memref<32768xi32, #tpu.memory_space<vmem>>, vector<16xi32>,
      %parallel_loop3A_128 = arith.addi %parallel_loop3A_123, %parallel_loop3A_127 : vector<16xi32>
      %parallel_loop3A_129 = arith.constant 28672 : i32
      %parallel_loop3A_130 = arith.addi %parallel_loop3A_129, %parallel_loop3A_61 : i32
      %parallel_loop3A_131 = arith.index_cast %parallel_loop3A_130 : i32 to index
      %parallel_loop3A_132 = tpu.vector_load %arg7[%parallel_loop3A_131] {strides = array<i32>} : memref<32768xi32, #tpu.memory_space<vmem>>, vector<16xi32>,
      %parallel_loop3A_133 = arith.addi %parallel_loop3A_128, %parallel_loop3A_132 : vector<16xi32>
      %parallel_loop3A_134 = arith.constant 30720 : i32
      %parallel_loop3A_135 = arith.addi %parallel_loop3A_134, %parallel_loop3A_61 : i32
      %parallel_loop3A_136 = arith.index_cast %parallel_loop3A_135 : i32 to index
      %parallel_loop3A_137 = tpu.vector_load %arg7[%parallel_loop3A_136] {strides = array<i32>} : memref<32768xi32, #tpu.memory_space<vmem>>, vector<16xi32>,
      %parallel_loop3A_138 = arith.addi %parallel_loop3A_133, %parallel_loop3A_137 : vector<16xi32>
      %parallel_loop3A_139 = arith.index_cast %parallel_loop3A_61 : i32 to index
      %parallel_loop3A_140 = tpu.vector_load %arg8[%parallel_loop3A_139] {strides = array<i32>} : memref<2048xi32, #tpu.memory_space<vmem>>, vector<16xi32>,
      tpu.vector_store %arg8[%parallel_loop3A_139], %parallel_loop3A_138 {strides = array<i32>} : memref<2048xi32, #tpu.memory_space<vmem>>, vector<16xi32>,
    } {sc.loop_unroll_factor = 1 : i64, sc.parallel_access}
    %mul3A_59 = arith.constant 2048 : i32
    %mul3A_60 = arith.muli %add3A, %mul3A_59 : i32
    "tpu.region"() ({
      %run_scoped3A = tpu.sem_alloc : memref<!tpu.dma_semaphore, #tpu.memory_space<semaphore_mem>>
      %dma_start3A_61 = tpu.memref_slice %arg4[%mul3A_60] : memref<65536xi32, #tpu.memory_space<hbm>> -> memref<2048xi32, #tpu.memory_space<hbm>>
      %dma_start3A_62 = tpu.memref_slice %arg4[%mul3A_60] : memref<65536xi32, #tpu.memory_space<hbm>> -> memref<2048xi32, #tpu.memory_space<hbm>>
      tpu.enqueue_dma source(%arg8 : memref<2048xi32, #tpu.memory_space<vmem>>) target(%dma_start3A_62 : memref<2048xi32, #tpu.memory_space<hbm>>) target_semaphore(%run_scoped3A : memref<!tpu.dma_semaphore, #tpu.memory_space<semaphore_mem>>)
      %dma_wait3A_63 = tpu.memref_slice %arg4[%mul3A_60] : memref<65536xi32, #tpu.memory_space<hbm>> -> memref<2048xi32, #tpu.memory_space<hbm>>
      %dma_wait3A_64 = tpu.memref_slice %arg4[%mul3A_60] : memref<65536xi32, #tpu.memory_space<hbm>> -> memref<2048xi32, #tpu.memory_space<hbm>>
      tpu.wait_dma2 semaphore(%run_scoped3A : memref<!tpu.dma_semaphore, #tpu.memory_space<semaphore_mem>>) src(%arg8 : memref<2048xi32, #tpu.memory_space<vmem>>) dst(%dma_wait3A_64 : memref<2048xi32, #tpu.memory_space<hbm>>)
      tpu.yield
    }) : () -> ()
    return
  }
}

#map = affine_map<(d0, d1) -> (0, 0)>
#map1 = affine_map<(d0, d1) -> (0)>
module attributes {stable_mosaic.version = 14 : i64} {
  func.func @_radix_body(%arg0: i32, %arg1: i32, %arg2: memref<16384x2048xf32, #tpu.memory_space<hbm>>, %arg3: memref<16xi32, #tpu.memory_space<hbm>>, %arg4: memref<131072xi32, #tpu.memory_space<hbm>>, %arg5: memref<8x2048xf32, #tpu.memory_space<vmem>>, %arg6: memref<8x2048xf32, #tpu.memory_space<vmem>>, %arg7: memref<65536xi32, #tpu.memory_space<vmem>>, %arg8: memref<4096xi32, #tpu.memory_space<vmem>>, %arg9: memref<16xi32, #tpu.memory_space<vmem>>, %arg10: memref<!tpu.dma_semaphore, #tpu.memory_space<semaphore_mem>>, %arg11: memref<!tpu.dma_semaphore, #tpu.memory_space<semaphore_mem>>) attributes {dimension_semantics = [#tpu.dimension_semantics<core_parallel>, #tpu.dimension_semantics<subcore_parallel>], iteration_bounds = array<i64: 2, 16>, scalar_prefetch = 0 : i64, scratch_operands = 7 : i64, tpu.core_type = #tpu.core_type<sc_vector_subcore>, window_params = [{transform_indices = #map}, {transform_indices = #map1}, {transform_indices = #map1}]} {
    %mul3A = arith.constant 2 : i32
    %mul3A_0 = arith.muli %arg1, %mul3A : i32
    %add3A = arith.addi %mul3A_0, %arg0 : i32
    %mul3A_1 = arith.constant 512 : i32
    %mul3A_2 = arith.muli %add3A, %mul3A_1 : i32
    %iota3A = tpu.iota {dimensions = array<i32: 0>} : vector<16xi32>
    %mul3A_3 = arith.constant 4096 : i32
    %mul3A_4 = vector.broadcast %mul3A_3 : i32 to vector<16xi32>
    %mul3A_5 = arith.muli %iota3A, %mul3A_4 : vector<16xi32>
    %broadcast_in_dim3A = arith.constant 1 : i32
    %broadcast_in_dim3A_6 = vector.broadcast %broadcast_in_dim3A : i32 to vector<16xi32>
    %parallel_loop3A = arith.constant 0 : i32
    %parallel_loop3A_7 = arith.constant 65536 : i32
    %parallel_loop3A_8 = arith.constant 16 : i32
    scf.for %parallel_loop3A_29 = %parallel_loop3A to %parallel_loop3A_7 step %parallel_loop3A_8  : i32 {
      %parallel_loop3A_30 = arith.constant 0 : i32
      %parallel_loop3A_31 = vector.broadcast %parallel_loop3A_30 : i32 to vector<16xi32>
      %parallel_loop3A_32 = arith.index_cast %parallel_loop3A_29 : i32 to index
      %parallel_loop3A_33 = tpu.vector_load %arg7[%parallel_loop3A_32] {strides = array<i32>} : memref<65536xi32, #tpu.memory_space<vmem>>, vector<16xi32>,
      tpu.vector_store %arg7[%parallel_loop3A_32], %parallel_loop3A_31 {strides = array<i32>} : memref<65536xi32, #tpu.memory_space<vmem>>, vector<16xi32>,
    } {sc.loop_unroll_factor = 8 : i64, sc.parallel_access}
    "tpu.region"() ({
      %run_scoped3A = tpu.sem_alloc : memref<!tpu.dma_semaphore, #tpu.memory_space<semaphore_mem>>
      tpu.enqueue_dma source(%arg3 : memref<16xi32, #tpu.memory_space<hbm>>) target(%arg9 : memref<16xi32, #tpu.memory_space<vmem>>) target_semaphore(%run_scoped3A : memref<!tpu.dma_semaphore, #tpu.memory_space<semaphore_mem>>)
      tpu.wait_dma2 semaphore(%run_scoped3A : memref<!tpu.dma_semaphore, #tpu.memory_space<semaphore_mem>>) src(%arg3 : memref<16xi32, #tpu.memory_space<hbm>>) dst(%arg9 : memref<16xi32, #tpu.memory_space<vmem>>)
      tpu.yield
    }) : () -> ()
    %get3A = arith.constant 0 : index
    %get3A_9 = tpu.vector_load %arg9[%get3A] {strides = array<i32>} : memref<16xi32, #tpu.memory_space<vmem>>, vector<16xi32>,
    %dma_start3A = arith.constant 0 : i32
    %dma_start3A_10 = tpu.memref_slice %arg2[%mul3A_2, %dma_start3A] : memref<16384x2048xf32, #tpu.memory_space<hbm>> -> memref<8x2048xf32, #tpu.memory_space<hbm>>
    %dma_start3A_11 = arith.constant 0 : i32
    %dma_start3A_12 = tpu.memref_slice %arg2[%mul3A_2, %dma_start3A_11] : memref<16384x2048xf32, #tpu.memory_space<hbm>> -> memref<8x2048xf32, #tpu.memory_space<hbm>>
    tpu.enqueue_dma source(%dma_start3A_12 : memref<8x2048xf32, #tpu.memory_space<hbm>>) target(%arg5 : memref<8x2048xf32, #tpu.memory_space<vmem>>) target_semaphore(%arg10 : memref<!tpu.dma_semaphore, #tpu.memory_space<semaphore_mem>>)
    %add3A_13 = arith.constant 8 : i32
    %add3A_14 = arith.addi %mul3A_2, %add3A_13 : i32
    %dma_start3A_15 = arith.constant 0 : i32
    %dma_start3A_16 = tpu.memref_slice %arg2[%add3A_14, %dma_start3A_15] : memref<16384x2048xf32, #tpu.memory_space<hbm>> -> memref<8x2048xf32, #tpu.memory_space<hbm>>
    %dma_start3A_17 = arith.constant 0 : i32
    %dma_start3A_18 = tpu.memref_slice %arg2[%add3A_14, %dma_start3A_17] : memref<16384x2048xf32, #tpu.memory_space<hbm>> -> memref<8x2048xf32, #tpu.memory_space<hbm>>
    tpu.enqueue_dma source(%dma_start3A_18 : memref<8x2048xf32, #tpu.memory_space<hbm>>) target(%arg6 : memref<8x2048xf32, #tpu.memory_space<vmem>>) target_semaphore(%arg11 : memref<!tpu.dma_semaphore, #tpu.memory_space<semaphore_mem>>)
    %scan3A = arith.constant 0 : i32
    %scan3A_19 = arith.constant 0 : i32
    %scan3A_20 = arith.constant 32 : i32
    %scan3A_21 = arith.addi %scan3A_19, %scan3A_20 : i32
    %scan3A_22 = arith.constant 1 : i32
    scf.for %scan3A_29 = %scan3A_19 to %scan3A_21 step %scan3A_22  : i32 {
      %mul3A_30 = arith.constant 2 : i32
      %mul3A_31 = arith.muli %mul3A_30, %scan3A_29 : i32
      %mul3A_32 = arith.constant 8 : i32
      %mul3A_33 = arith.muli %mul3A_31, %mul3A_32 : i32
      %add3A_34 = arith.addi %mul3A_2, %mul3A_33 : i32
      %dma_wait3A = arith.constant 0 : i32
      %dma_wait3A_35 = tpu.memref_slice %arg2[%add3A_34, %dma_wait3A] : memref<16384x2048xf32, #tpu.memory_space<hbm>> -> memref<8x2048xf32, #tpu.memory_space<hbm>>
      %dma_wait3A_36 = arith.constant 0 : i32
      %dma_wait3A_37 = tpu.memref_slice %arg2[%add3A_34, %dma_wait3A_36] : memref<16384x2048xf32, #tpu.memory_space<hbm>> -> memref<8x2048xf32, #tpu.memory_space<hbm>>
      tpu.wait_dma2 semaphore(%arg10 : memref<!tpu.dma_semaphore, #tpu.memory_space<semaphore_mem>>) src(%dma_wait3A_37 : memref<8x2048xf32, #tpu.memory_space<hbm>>) dst(%arg5 : memref<8x2048xf32, #tpu.memory_space<vmem>>)
      %parallel_loop3A_38 = arith.constant 0 : i32
      %parallel_loop3A_39 = arith.constant 16384 : i32
      %parallel_loop3A_40 = arith.constant 16 : i32
      scf.for %parallel_loop3A_65 = %parallel_loop3A_38 to %parallel_loop3A_39 step %parallel_loop3A_40  : i32 {
        %parallel_loop3A_66 = arith.constant 11 : i32
        %parallel_loop3A_67 = arith.shrui %parallel_loop3A_65, %parallel_loop3A_66 : i32
        %parallel_loop3A_68 = arith.constant 2047 : i32
        %parallel_loop3A_69 = arith.andi %parallel_loop3A_65, %parallel_loop3A_68 : i32
        %parallel_loop3A_70 = arith.index_cast %parallel_loop3A_67 : i32 to index
        %parallel_loop3A_71 = arith.index_cast %parallel_loop3A_69 : i32 to index
        %parallel_loop3A_72 = tpu.vector_load %arg5[%parallel_loop3A_70, %parallel_loop3A_71] {strides = array<i32>} : memref<8x2048xf32, #tpu.memory_space<vmem>>, vector<16xf32>,
        %parallel_loop3A_73 = math.absf %parallel_loop3A_72 : vector<16xf32>
        %parallel_loop3A_74 = tpu.bitcast %parallel_loop3A_73 : vector<16xf32> -> vector<16xi32>
        %parallel_loop3A_75 = arith.constant 7 : i32
        %parallel_loop3A_76 = vector.broadcast %parallel_loop3A_75 : i32 to vector<16xi32>
        %parallel_loop3A_77 = arith.shrui %parallel_loop3A_74, %parallel_loop3A_76 : vector<16xi32>
        %parallel_loop3A_78 = arith.constant 4095 : i32
        %parallel_loop3A_79 = vector.broadcast %parallel_loop3A_78 : i32 to vector<16xi32>
        %parallel_loop3A_80 = arith.andi %parallel_loop3A_77, %parallel_loop3A_79 : vector<16xi32>
        %parallel_loop3A_81 = arith.addi %mul3A_5, %parallel_loop3A_80 : vector<16xi32>
        %parallel_loop3A_82 = arith.constant 12 : i32
        %parallel_loop3A_83 = vector.broadcast %parallel_loop3A_82 : i32 to vector<16xi32>
        %parallel_loop3A_84 = arith.shrui %parallel_loop3A_77, %parallel_loop3A_83 : vector<16xi32>
        %parallel_loop3A_85 = arith.cmpi eq, %parallel_loop3A_84, %get3A_9 : vector<16xi32>
        tpu.vector_store_idx %arg7[%parallel_loop3A_81], %broadcast_in_dim3A_6 masked %parallel_loop3A_85 {add = true} : memref<65536xi32, #tpu.memory_space<vmem>>[vector<16xi32>], vector<16xi32>, vector<16xi1>
      } {sc.loop_unroll_factor = 8 : i64, sc.parallel_access}
      %mul3A_41 = arith.constant 2 : i32
      %mul3A_42 = arith.muli %mul3A_41, %scan3A_29 : i32
      %add3A_43 = arith.constant 2 : i32
      %add3A_44 = arith.addi %mul3A_42, %add3A_43 : i32
      %lt3A = arith.constant 64 : i32
      %lt3A_45 = arith.cmpi slt, %add3A_44, %lt3A : i32
      %convert_element_type3A = arith.extui %lt3A_45 : i1 to i32
      %cond3A = arith.constant 0 : i32
      %cond3A_46 = arith.cmpi ne, %convert_element_type3A, %cond3A : i32
      scf.if %cond3A_46 {
        %add3A_65 = arith.constant 16 : i32
        %add3A_66 = arith.addi %add3A_34, %add3A_65 : i32
        %dma_start3A_67 = arith.constant 0 : i32
        %dma_start3A_68 = tpu.memref_slice %arg2[%add3A_66, %dma_start3A_67] : memref<16384x2048xf32, #tpu.memory_space<hbm>> -> memref<8x2048xf32, #tpu.memory_space<hbm>>
        %dma_start3A_69 = arith.constant 0 : i32
        %dma_start3A_70 = tpu.memref_slice %arg2[%add3A_66, %dma_start3A_69] : memref<16384x2048xf32, #tpu.memory_space<hbm>> -> memref<8x2048xf32, #tpu.memory_space<hbm>>
        tpu.enqueue_dma source(%dma_start3A_70 : memref<8x2048xf32, #tpu.memory_space<hbm>>) target(%arg5 : memref<8x2048xf32, #tpu.memory_space<vmem>>) target_semaphore(%arg10 : memref<!tpu.dma_semaphore, #tpu.memory_space<semaphore_mem>>)
      } else {
      }
      %add3A_47 = arith.constant 8 : i32
      %add3A_48 = arith.addi %add3A_34, %add3A_47 : i32
      %dma_wait3A_49 = arith.constant 0 : i32
      %dma_wait3A_50 = tpu.memref_slice %arg2[%add3A_48, %dma_wait3A_49] : memref<16384x2048xf32, #tpu.memory_space<hbm>> -> memref<8x2048xf32, #tpu.memory_space<hbm>>
      %dma_wait3A_51 = arith.constant 0 : i32
      %dma_wait3A_52 = tpu.memref_slice %arg2[%add3A_48, %dma_wait3A_51] : memref<16384x2048xf32, #tpu.memory_space<hbm>> -> memref<8x2048xf32, #tpu.memory_space<hbm>>
      tpu.wait_dma2 semaphore(%arg11 : memref<!tpu.dma_semaphore, #tpu.memory_space<semaphore_mem>>) src(%dma_wait3A_52 : memref<8x2048xf32, #tpu.memory_space<hbm>>) dst(%arg6 : memref<8x2048xf32, #tpu.memory_space<vmem>>)
      %parallel_loop3A_53 = arith.constant 0 : i32
      %parallel_loop3A_54 = arith.constant 16384 : i32
      %parallel_loop3A_55 = arith.constant 16 : i32
      scf.for %parallel_loop3A_65 = %parallel_loop3A_53 to %parallel_loop3A_54 step %parallel_loop3A_55  : i32 {
        %parallel_loop3A_66 = arith.constant 11 : i32
        %parallel_loop3A_67 = arith.shrui %parallel_loop3A_65, %parallel_loop3A_66 : i32
        %parallel_loop3A_68 = arith.constant 2047 : i32
        %parallel_loop3A_69 = arith.andi %parallel_loop3A_65, %parallel_loop3A_68 : i32
        %parallel_loop3A_70 = arith.index_cast %parallel_loop3A_67 : i32 to index
        %parallel_loop3A_71 = arith.index_cast %parallel_loop3A_69 : i32 to index
        %parallel_loop3A_72 = tpu.vector_load %arg6[%parallel_loop3A_70, %parallel_loop3A_71] {strides = array<i32>} : memref<8x2048xf32, #tpu.memory_space<vmem>>, vector<16xf32>,
        %parallel_loop3A_73 = math.absf %parallel_loop3A_72 : vector<16xf32>
        %parallel_loop3A_74 = tpu.bitcast %parallel_loop3A_73 : vector<16xf32> -> vector<16xi32>
        %parallel_loop3A_75 = arith.constant 7 : i32
        %parallel_loop3A_76 = vector.broadcast %parallel_loop3A_75 : i32 to vector<16xi32>
        %parallel_loop3A_77 = arith.shrui %parallel_loop3A_74, %parallel_loop3A_76 : vector<16xi32>
        %parallel_loop3A_78 = arith.constant 4095 : i32
        %parallel_loop3A_79 = vector.broadcast %parallel_loop3A_78 : i32 to vector<16xi32>
        %parallel_loop3A_80 = arith.andi %parallel_loop3A_77, %parallel_loop3A_79 : vector<16xi32>
        %parallel_loop3A_81 = arith.addi %mul3A_5, %parallel_loop3A_80 : vector<16xi32>
        %parallel_loop3A_82 = arith.constant 12 : i32
        %parallel_loop3A_83 = vector.broadcast %parallel_loop3A_82 : i32 to vector<16xi32>
        %parallel_loop3A_84 = arith.shrui %parallel_loop3A_77, %parallel_loop3A_83 : vector<16xi32>
        %parallel_loop3A_85 = arith.cmpi eq, %parallel_loop3A_84, %get3A_9 : vector<16xi32>
        tpu.vector_store_idx %arg7[%parallel_loop3A_81], %broadcast_in_dim3A_6 masked %parallel_loop3A_85 {add = true} : memref<65536xi32, #tpu.memory_space<vmem>>[vector<16xi32>], vector<16xi32>, vector<16xi1>
      } {sc.loop_unroll_factor = 8 : i64, sc.parallel_access}
      %mul3A_56 = arith.constant 2 : i32
      %mul3A_57 = arith.muli %mul3A_56, %scan3A_29 : i32
      %add3A_58 = arith.constant 3 : i32
      %add3A_59 = arith.addi %mul3A_57, %add3A_58 : i32
      %lt3A_60 = arith.constant 64 : i32
      %lt3A_61 = arith.cmpi slt, %add3A_59, %lt3A_60 : i32
      %convert_element_type3A_62 = arith.extui %lt3A_61 : i1 to i32
      %cond3A_63 = arith.constant 0 : i32
      %cond3A_64 = arith.cmpi ne, %convert_element_type3A_62, %cond3A_63 : i32
      scf.if %cond3A_64 {
        %add3A_65 = arith.constant 24 : i32
        %add3A_66 = arith.addi %add3A_34, %add3A_65 : i32
        %dma_start3A_67 = arith.constant 0 : i32
        %dma_start3A_68 = tpu.memref_slice %arg2[%add3A_66, %dma_start3A_67] : memref<16384x2048xf32, #tpu.memory_space<hbm>> -> memref<8x2048xf32, #tpu.memory_space<hbm>>
        %dma_start3A_69 = arith.constant 0 : i32
        %dma_start3A_70 = tpu.memref_slice %arg2[%add3A_66, %dma_start3A_69] : memref<16384x2048xf32, #tpu.memory_space<hbm>> -> memref<8x2048xf32, #tpu.memory_space<hbm>>
        tpu.enqueue_dma source(%dma_start3A_70 : memref<8x2048xf32, #tpu.memory_space<hbm>>) target(%arg6 : memref<8x2048xf32, #tpu.memory_space<vmem>>) target_semaphore(%arg11 : memref<!tpu.dma_semaphore, #tpu.memory_space<semaphore_mem>>)
      } else {
      }
    }
    %scan3A_23 = arith.constant 32 : i32
    %parallel_loop3A_24 = arith.constant 0 : i32
    %parallel_loop3A_25 = arith.constant 4096 : i32
    %parallel_loop3A_26 = arith.constant 16 : i32
    scf.for %parallel_loop3A_29 = %parallel_loop3A_24 to %parallel_loop3A_25 step %parallel_loop3A_26  : i32 {
      %parallel_loop3A_30 = arith.index_cast %parallel_loop3A_29 : i32 to index
      %parallel_loop3A_31 = tpu.vector_load %arg7[%parallel_loop3A_30] {strides = array<i32>} : memref<65536xi32, #tpu.memory_space<vmem>>, vector<16xi32>,
      %parallel_loop3A_32 = arith.constant 4096 : i32
      %parallel_loop3A_33 = arith.addi %parallel_loop3A_32, %parallel_loop3A_29 : i32
      %parallel_loop3A_34 = arith.index_cast %parallel_loop3A_33 : i32 to index
      %parallel_loop3A_35 = tpu.vector_load %arg7[%parallel_loop3A_34] {strides = array<i32>} : memref<65536xi32, #tpu.memory_space<vmem>>, vector<16xi32>,
      %parallel_loop3A_36 = arith.addi %parallel_loop3A_31, %parallel_loop3A_35 : vector<16xi32>
      %parallel_loop3A_37 = arith.constant 8192 : i32
      %parallel_loop3A_38 = arith.addi %parallel_loop3A_37, %parallel_loop3A_29 : i32
      %parallel_loop3A_39 = arith.index_cast %parallel_loop3A_38 : i32 to index
      %parallel_loop3A_40 = tpu.vector_load %arg7[%parallel_loop3A_39] {strides = array<i32>} : memref<65536xi32, #tpu.memory_space<vmem>>, vector<16xi32>,
      %parallel_loop3A_41 = arith.addi %parallel_loop3A_36, %parallel_loop3A_40 : vector<16xi32>
      %parallel_loop3A_42 = arith.constant 12288 : i32
      %parallel_loop3A_43 = arith.addi %parallel_loop3A_42, %parallel_loop3A_29 : i32
      %parallel_loop3A_44 = arith.index_cast %parallel_loop3A_43 : i32 to index
      %parallel_loop3A_45 = tpu.vector_load %arg7[%parallel_loop3A_44] {strides = array<i32>} : memref<65536xi32, #tpu.memory_space<vmem>>, vector<16xi32>,
      %parallel_loop3A_46 = arith.addi %parallel_loop3A_41, %parallel_loop3A_45 : vector<16xi32>
      %parallel_loop3A_47 = arith.constant 16384 : i32
      %parallel_loop3A_48 = arith.addi %parallel_loop3A_47, %parallel_loop3A_29 : i32
      %parallel_loop3A_49 = arith.index_cast %parallel_loop3A_48 : i32 to index
      %parallel_loop3A_50 = tpu.vector_load %arg7[%parallel_loop3A_49] {strides = array<i32>} : memref<65536xi32, #tpu.memory_space<vmem>>, vector<16xi32>,
      %parallel_loop3A_51 = arith.addi %parallel_loop3A_46, %parallel_loop3A_50 : vector<16xi32>
      %parallel_loop3A_52 = arith.constant 20480 : i32
      %parallel_loop3A_53 = arith.addi %parallel_loop3A_52, %parallel_loop3A_29 : i32
      %parallel_loop3A_54 = arith.index_cast %parallel_loop3A_53 : i32 to index
      %parallel_loop3A_55 = tpu.vector_load %arg7[%parallel_loop3A_54] {strides = array<i32>} : memref<65536xi32, #tpu.memory_space<vmem>>, vector<16xi32>,
      %parallel_loop3A_56 = arith.addi %parallel_loop3A_51, %parallel_loop3A_55 : vector<16xi32>
      %parallel_loop3A_57 = arith.constant 24576 : i32
      %parallel_loop3A_58 = arith.addi %parallel_loop3A_57, %parallel_loop3A_29 : i32
      %parallel_loop3A_59 = arith.index_cast %parallel_loop3A_58 : i32 to index
      %parallel_loop3A_60 = tpu.vector_load %arg7[%parallel_loop3A_59] {strides = array<i32>} : memref<65536xi32, #tpu.memory_space<vmem>>, vector<16xi32>,
      %parallel_loop3A_61 = arith.addi %parallel_loop3A_56, %parallel_loop3A_60 : vector<16xi32>
      %parallel_loop3A_62 = arith.constant 28672 : i32
      %parallel_loop3A_63 = arith.addi %parallel_loop3A_62, %parallel_loop3A_29 : i32
      %parallel_loop3A_64 = arith.index_cast %parallel_loop3A_63 : i32 to index
      %parallel_loop3A_65 = tpu.vector_load %arg7[%parallel_loop3A_64] {strides = array<i32>} : memref<65536xi32, #tpu.memory_space<vmem>>, vector<16xi32>,
      %parallel_loop3A_66 = arith.addi %parallel_loop3A_61, %parallel_loop3A_65 : vector<16xi32>
      %parallel_loop3A_67 = arith.constant 32768 : i32
      %parallel_loop3A_68 = arith.addi %parallel_loop3A_67, %parallel_loop3A_29 : i32
      %parallel_loop3A_69 = arith.index_cast %parallel_loop3A_68 : i32 to index
      %parallel_loop3A_70 = tpu.vector_load %arg7[%parallel_loop3A_69] {strides = array<i32>} : memref<65536xi32, #tpu.memory_space<vmem>>, vector<16xi32>,
      %parallel_loop3A_71 = arith.addi %parallel_loop3A_66, %parallel_loop3A_70 : vector<16xi32>
      %parallel_loop3A_72 = arith.constant 36864 : i32
      %parallel_loop3A_73 = arith.addi %parallel_loop3A_72, %parallel_loop3A_29 : i32
      %parallel_loop3A_74 = arith.index_cast %parallel_loop3A_73 : i32 to index
      %parallel_loop3A_75 = tpu.vector_load %arg7[%parallel_loop3A_74] {strides = array<i32>} : memref<65536xi32, #tpu.memory_space<vmem>>, vector<16xi32>,
      %parallel_loop3A_76 = arith.addi %parallel_loop3A_71, %parallel_loop3A_75 : vector<16xi32>
      %parallel_loop3A_77 = arith.constant 40960 : i32
      %parallel_loop3A_78 = arith.addi %parallel_loop3A_77, %parallel_loop3A_29 : i32
      %parallel_loop3A_79 = arith.index_cast %parallel_loop3A_78 : i32 to index
      %parallel_loop3A_80 = tpu.vector_load %arg7[%parallel_loop3A_79] {strides = array<i32>} : memref<65536xi32, #tpu.memory_space<vmem>>, vector<16xi32>,
      %parallel_loop3A_81 = arith.addi %parallel_loop3A_76, %parallel_loop3A_80 : vector<16xi32>
      %parallel_loop3A_82 = arith.constant 45056 : i32
      %parallel_loop3A_83 = arith.addi %parallel_loop3A_82, %parallel_loop3A_29 : i32
      %parallel_loop3A_84 = arith.index_cast %parallel_loop3A_83 : i32 to index
      %parallel_loop3A_85 = tpu.vector_load %arg7[%parallel_loop3A_84] {strides = array<i32>} : memref<65536xi32, #tpu.memory_space<vmem>>, vector<16xi32>,
      %parallel_loop3A_86 = arith.addi %parallel_loop3A_81, %parallel_loop3A_85 : vector<16xi32>
      %parallel_loop3A_87 = arith.constant 49152 : i32
      %parallel_loop3A_88 = arith.addi %parallel_loop3A_87, %parallel_loop3A_29 : i32
      %parallel_loop3A_89 = arith.index_cast %parallel_loop3A_88 : i32 to index
      %parallel_loop3A_90 = tpu.vector_load %arg7[%parallel_loop3A_89] {strides = array<i32>} : memref<65536xi32, #tpu.memory_space<vmem>>, vector<16xi32>,
      %parallel_loop3A_91 = arith.addi %parallel_loop3A_86, %parallel_loop3A_90 : vector<16xi32>
      %parallel_loop3A_92 = arith.constant 53248 : i32
      %parallel_loop3A_93 = arith.addi %parallel_loop3A_92, %parallel_loop3A_29 : i32
      %parallel_loop3A_94 = arith.index_cast %parallel_loop3A_93 : i32 to index
      %parallel_loop3A_95 = tpu.vector_load %arg7[%parallel_loop3A_94] {strides = array<i32>} : memref<65536xi32, #tpu.memory_space<vmem>>, vector<16xi32>,
      %parallel_loop3A_96 = arith.addi %parallel_loop3A_91, %parallel_loop3A_95 : vector<16xi32>
      %parallel_loop3A_97 = arith.constant 57344 : i32
      %parallel_loop3A_98 = arith.addi %parallel_loop3A_97, %parallel_loop3A_29 : i32
      %parallel_loop3A_99 = arith.index_cast %parallel_loop3A_98 : i32 to index
      %parallel_loop3A_100 = tpu.vector_load %arg7[%parallel_loop3A_99] {strides = array<i32>} : memref<65536xi32, #tpu.memory_space<vmem>>, vector<16xi32>,
      %parallel_loop3A_101 = arith.addi %parallel_loop3A_96, %parallel_loop3A_100 : vector<16xi32>
      %parallel_loop3A_102 = arith.constant 61440 : i32
      %parallel_loop3A_103 = arith.addi %parallel_loop3A_102, %parallel_loop3A_29 : i32
      %parallel_loop3A_104 = arith.index_cast %parallel_loop3A_103 : i32 to index
      %parallel_loop3A_105 = tpu.vector_load %arg7[%parallel_loop3A_104] {strides = array<i32>} : memref<65536xi32, #tpu.memory_space<vmem>>, vector<16xi32>,
      %parallel_loop3A_106 = arith.addi %parallel_loop3A_101, %parallel_loop3A_105 : vector<16xi32>
      %parallel_loop3A_107 = arith.index_cast %parallel_loop3A_29 : i32 to index
      %parallel_loop3A_108 = tpu.vector_load %arg8[%parallel_loop3A_107] {strides = array<i32>} : memref<4096xi32, #tpu.memory_space<vmem>>, vector<16xi32>,
      tpu.vector_store %arg8[%parallel_loop3A_107], %parallel_loop3A_106 {strides = array<i32>} : memref<4096xi32, #tpu.memory_space<vmem>>, vector<16xi32>,
    } {sc.loop_unroll_factor = 1 : i64, sc.parallel_access}
    %mul3A_27 = arith.constant 4096 : i32
    %mul3A_28 = arith.muli %add3A, %mul3A_27 : i32
    "tpu.region"() ({
      %run_scoped3A = tpu.sem_alloc : memref<!tpu.dma_semaphore, #tpu.memory_space<semaphore_mem>>
      %dma_start3A_29 = tpu.memref_slice %arg4[%mul3A_28] : memref<131072xi32, #tpu.memory_space<hbm>> -> memref<4096xi32, #tpu.memory_space<hbm>>
      %dma_start3A_30 = tpu.memref_slice %arg4[%mul3A_28] : memref<131072xi32, #tpu.memory_space<hbm>> -> memref<4096xi32, #tpu.memory_space<hbm>>
      tpu.enqueue_dma source(%arg8 : memref<4096xi32, #tpu.memory_space<vmem>>) target(%dma_start3A_30 : memref<4096xi32, #tpu.memory_space<hbm>>) target_semaphore(%run_scoped3A : memref<!tpu.dma_semaphore, #tpu.memory_space<semaphore_mem>>)
      %dma_wait3A = tpu.memref_slice %arg4[%mul3A_28] : memref<131072xi32, #tpu.memory_space<hbm>> -> memref<4096xi32, #tpu.memory_space<hbm>>
      %dma_wait3A_31 = tpu.memref_slice %arg4[%mul3A_28] : memref<131072xi32, #tpu.memory_space<hbm>> -> memref<4096xi32, #tpu.memory_space<hbm>>
      tpu.wait_dma2 semaphore(%run_scoped3A : memref<!tpu.dma_semaphore, #tpu.memory_space<semaphore_mem>>) src(%arg8 : memref<4096xi32, #tpu.memory_space<vmem>>) dst(%dma_wait3A_31 : memref<4096xi32, #tpu.memory_space<hbm>>)
      tpu.yield
    }) : () -> ()
    return
  }
}

#map = affine_map<(d0, d1) -> (0, 0)>
#map1 = affine_map<(d0, d1) -> (0)>
module attributes {stable_mosaic.version = 14 : i64} {
  func.func @_window_body(%arg0: i32, %arg1: i32, %arg2: memref<16384x2048xf32, #tpu.memory_space<hbm>>, %arg3: memref<16xi32, #tpu.memory_space<hbm>>, %arg4: memref<65536xi32, #tpu.memory_space<hbm>>, %arg5: memref<16x2048xf32, #tpu.memory_space<vmem>>, %arg6: memref<16x2048xf32, #tpu.memory_space<vmem>>, %arg7: memref<32768xi32, #tpu.memory_space<vmem>>, %arg8: memref<2048xi32, #tpu.memory_space<vmem>>, %arg9: memref<16xi32, #tpu.memory_space<vmem>>, %arg10: memref<!tpu.dma_semaphore, #tpu.memory_space<semaphore_mem>>, %arg11: memref<!tpu.dma_semaphore, #tpu.memory_space<semaphore_mem>>) attributes {dimension_semantics = [#tpu.dimension_semantics<core_parallel>, #tpu.dimension_semantics<subcore_parallel>], iteration_bounds = array<i64: 2, 16>, scalar_prefetch = 0 : i64, scratch_operands = 7 : i64, tpu.core_type = #tpu.core_type<sc_vector_subcore>, window_params = [{transform_indices = #map}, {transform_indices = #map1}, {transform_indices = #map1}]} {
    %mul3A = arith.constant 2 : i32
    %mul3A_0 = arith.muli %arg1, %mul3A : i32
    %add3A = arith.addi %mul3A_0, %arg0 : i32
    %mul3A_1 = arith.constant 512 : i32
    %mul3A_2 = arith.muli %add3A, %mul3A_1 : i32
    %iota3A = tpu.iota {dimensions = array<i32: 0>} : vector<16xi32>
    %mul3A_3 = arith.constant 2048 : i32
    %mul3A_4 = vector.broadcast %mul3A_3 : i32 to vector<16xi32>
    %mul3A_5 = arith.muli %iota3A, %mul3A_4 : vector<16xi32>
    %broadcast_in_dim3A = arith.constant 1 : i32
    %broadcast_in_dim3A_6 = vector.broadcast %broadcast_in_dim3A : i32 to vector<16xi32>
    %parallel_loop3A = arith.constant 0 : i32
    %parallel_loop3A_7 = arith.constant 32768 : i32
    %parallel_loop3A_8 = arith.constant 16 : i32
    scf.for %parallel_loop3A_29 = %parallel_loop3A to %parallel_loop3A_7 step %parallel_loop3A_8  : i32 {
      %parallel_loop3A_30 = arith.constant 0 : i32
      %parallel_loop3A_31 = vector.broadcast %parallel_loop3A_30 : i32 to vector<16xi32>
      %parallel_loop3A_32 = arith.index_cast %parallel_loop3A_29 : i32 to index
      %parallel_loop3A_33 = tpu.vector_load %arg7[%parallel_loop3A_32] {strides = array<i32>} : memref<32768xi32, #tpu.memory_space<vmem>>, vector<16xi32>,
      tpu.vector_store %arg7[%parallel_loop3A_32], %parallel_loop3A_31 {strides = array<i32>} : memref<32768xi32, #tpu.memory_space<vmem>>, vector<16xi32>,
    } {sc.loop_unroll_factor = 8 : i64, sc.parallel_access}
    "tpu.region"() ({
      %run_scoped3A = tpu.sem_alloc : memref<!tpu.dma_semaphore, #tpu.memory_space<semaphore_mem>>
      tpu.enqueue_dma source(%arg3 : memref<16xi32, #tpu.memory_space<hbm>>) target(%arg9 : memref<16xi32, #tpu.memory_space<vmem>>) target_semaphore(%run_scoped3A : memref<!tpu.dma_semaphore, #tpu.memory_space<semaphore_mem>>)
      tpu.wait_dma2 semaphore(%run_scoped3A : memref<!tpu.dma_semaphore, #tpu.memory_space<semaphore_mem>>) src(%arg3 : memref<16xi32, #tpu.memory_space<hbm>>) dst(%arg9 : memref<16xi32, #tpu.memory_space<vmem>>)
      tpu.yield
    }) : () -> ()
    %get3A = arith.constant 0 : index
    %get3A_9 = tpu.vector_load %arg9[%get3A] {strides = array<i32>} : memref<16xi32, #tpu.memory_space<vmem>>, vector<16xi32>,
    %dma_start3A = arith.constant 0 : i32
    %dma_start3A_10 = tpu.memref_slice %arg2[%mul3A_2, %dma_start3A] : memref<16384x2048xf32, #tpu.memory_space<hbm>> -> memref<16x2048xf32, #tpu.memory_space<hbm>>
    %dma_start3A_11 = arith.constant 0 : i32
    %dma_start3A_12 = tpu.memref_slice %arg2[%mul3A_2, %dma_start3A_11] : memref<16384x2048xf32, #tpu.memory_space<hbm>> -> memref<16x2048xf32, #tpu.memory_space<hbm>>
    tpu.enqueue_dma source(%dma_start3A_12 : memref<16x2048xf32, #tpu.memory_space<hbm>>) target(%arg5 : memref<16x2048xf32, #tpu.memory_space<vmem>>) target_semaphore(%arg10 : memref<!tpu.dma_semaphore, #tpu.memory_space<semaphore_mem>>)
    %add3A_13 = arith.constant 16 : i32
    %add3A_14 = arith.addi %mul3A_2, %add3A_13 : i32
    %dma_start3A_15 = arith.constant 0 : i32
    %dma_start3A_16 = tpu.memref_slice %arg2[%add3A_14, %dma_start3A_15] : memref<16384x2048xf32, #tpu.memory_space<hbm>> -> memref<16x2048xf32, #tpu.memory_space<hbm>>
    %dma_start3A_17 = arith.constant 0 : i32
    %dma_start3A_18 = tpu.memref_slice %arg2[%add3A_14, %dma_start3A_17] : memref<16384x2048xf32, #tpu.memory_space<hbm>> -> memref<16x2048xf32, #tpu.memory_space<hbm>>
    tpu.enqueue_dma source(%dma_start3A_18 : memref<16x2048xf32, #tpu.memory_space<hbm>>) target(%arg6 : memref<16x2048xf32, #tpu.memory_space<vmem>>) target_semaphore(%arg11 : memref<!tpu.dma_semaphore, #tpu.memory_space<semaphore_mem>>)
    %scan3A = arith.constant 0 : i32
    %scan3A_19 = arith.constant 0 : i32
    %scan3A_20 = arith.constant 16 : i32
    %scan3A_21 = arith.addi %scan3A_19, %scan3A_20 : i32
    %scan3A_22 = arith.constant 1 : i32
    scf.for %scan3A_29 = %scan3A_19 to %scan3A_21 step %scan3A_22  : i32 {
      %mul3A_30 = arith.constant 2 : i32
      %mul3A_31 = arith.muli %mul3A_30, %scan3A_29 : i32
      %mul3A_32 = arith.constant 16 : i32
      %mul3A_33 = arith.muli %mul3A_31, %mul3A_32 : i32
      %add3A_34 = arith.addi %mul3A_2, %mul3A_33 : i32
      %dma_wait3A = arith.constant 0 : i32
      %dma_wait3A_35 = tpu.memref_slice %arg2[%add3A_34, %dma_wait3A] : memref<16384x2048xf32, #tpu.memory_space<hbm>> -> memref<16x2048xf32, #tpu.memory_space<hbm>>
      %dma_wait3A_36 = arith.constant 0 : i32
      %dma_wait3A_37 = tpu.memref_slice %arg2[%add3A_34, %dma_wait3A_36] : memref<16384x2048xf32, #tpu.memory_space<hbm>> -> memref<16x2048xf32, #tpu.memory_space<hbm>>
      tpu.wait_dma2 semaphore(%arg10 : memref<!tpu.dma_semaphore, #tpu.memory_space<semaphore_mem>>) src(%dma_wait3A_37 : memref<16x2048xf32, #tpu.memory_space<hbm>>) dst(%arg5 : memref<16x2048xf32, #tpu.memory_space<vmem>>)
      %parallel_loop3A_38 = arith.constant 0 : i32
      %parallel_loop3A_39 = arith.constant 32768 : i32
      %parallel_loop3A_40 = arith.constant 16 : i32
      scf.for %parallel_loop3A_65 = %parallel_loop3A_38 to %parallel_loop3A_39 step %parallel_loop3A_40  : i32 {
        %parallel_loop3A_66 = arith.constant 11 : i32
        %parallel_loop3A_67 = arith.shrui %parallel_loop3A_65, %parallel_loop3A_66 : i32
        %parallel_loop3A_68 = arith.constant 2047 : i32
        %parallel_loop3A_69 = arith.andi %parallel_loop3A_65, %parallel_loop3A_68 : i32
        %parallel_loop3A_70 = arith.index_cast %parallel_loop3A_67 : i32 to index
        %parallel_loop3A_71 = arith.index_cast %parallel_loop3A_69 : i32 to index
        %parallel_loop3A_72 = tpu.vector_load %arg5[%parallel_loop3A_70, %parallel_loop3A_71] {strides = array<i32>} : memref<16x2048xf32, #tpu.memory_space<vmem>>, vector<16xf32>,
        %parallel_loop3A_73 = math.absf %parallel_loop3A_72 : vector<16xf32>
        %parallel_loop3A_74 = tpu.bitcast %parallel_loop3A_73 : vector<16xf32> -> vector<16xi32>
        %parallel_loop3A_75 = arith.cmpi sge, %parallel_loop3A_74, %get3A_9 : vector<16xi32>
        %parallel_loop3A_76 = arith.constant 4 : i32
        %parallel_loop3A_77 = arith.shrui %parallel_loop3A_65, %parallel_loop3A_76 : i32
        %parallel_loop3A_78 = arith.constant 15 : i32
        %parallel_loop3A_79 = arith.andi %parallel_loop3A_77, %parallel_loop3A_78 : i32
        %parallel_loop3A_80 = arith.constant 2032 : i32
        %parallel_loop3A_81 = arith.addi %parallel_loop3A_80, %parallel_loop3A_79 : i32
        %parallel_loop3A_82 = arith.subi %parallel_loop3A_74, %get3A_9 : vector<16xi32>
        %parallel_loop3A_83 = arith.constant 7 : i32
        %parallel_loop3A_84 = vector.broadcast %parallel_loop3A_83 : i32 to vector<16xi32>
        %parallel_loop3A_85 = arith.shrui %parallel_loop3A_82, %parallel_loop3A_84 : vector<16xi32>
        %parallel_loop3A_86 = vector.broadcast %parallel_loop3A_81 : i32 to vector<16xi32>
        %parallel_loop3A_87 = arith.minsi %parallel_loop3A_85, %parallel_loop3A_86 : vector<16xi32>
        %parallel_loop3A_88 = arith.addi %mul3A_5, %parallel_loop3A_87 : vector<16xi32>
        tpu.vector_store_idx %arg7[%parallel_loop3A_88], %broadcast_in_dim3A_6 masked %parallel_loop3A_75 {add = true} : memref<32768xi32, #tpu.memory_space<vmem>>[vector<16xi32>], vector<16xi32>, vector<16xi1>
      } {sc.loop_unroll_factor = 16 : i64, sc.parallel_access}
      %mul3A_41 = arith.constant 2 : i32
      %mul3A_42 = arith.muli %mul3A_41, %scan3A_29 : i32
      %add3A_43 = arith.constant 2 : i32
      %add3A_44 = arith.addi %mul3A_42, %add3A_43 : i32
      %lt3A = arith.constant 32 : i32
      %lt3A_45 = arith.cmpi slt, %add3A_44, %lt3A : i32
      %convert_element_type3A = arith.extui %lt3A_45 : i1 to i32
      %cond3A = arith.constant 0 : i32
      %cond3A_46 = arith.cmpi ne, %convert_element_type3A, %cond3A : i32
      scf.if %cond3A_46 {
        %add3A_65 = arith.constant 32 : i32
        %add3A_66 = arith.addi %add3A_34, %add3A_65 : i32
        %dma_start3A_67 = arith.constant 0 : i32
        %dma_start3A_68 = tpu.memref_slice %arg2[%add3A_66, %dma_start3A_67] : memref<16384x2048xf32, #tpu.memory_space<hbm>> -> memref<16x2048xf32, #tpu.memory_space<hbm>>
        %dma_start3A_69 = arith.constant 0 : i32
        %dma_start3A_70 = tpu.memref_slice %arg2[%add3A_66, %dma_start3A_69] : memref<16384x2048xf32, #tpu.memory_space<hbm>> -> memref<16x2048xf32, #tpu.memory_space<hbm>>
        tpu.enqueue_dma source(%dma_start3A_70 : memref<16x2048xf32, #tpu.memory_space<hbm>>) target(%arg5 : memref<16x2048xf32, #tpu.memory_space<vmem>>) target_semaphore(%arg10 : memref<!tpu.dma_semaphore, #tpu.memory_space<semaphore_mem>>)
      } else {
      }
      %add3A_47 = arith.constant 16 : i32
      %add3A_48 = arith.addi %add3A_34, %add3A_47 : i32
      %dma_wait3A_49 = arith.constant 0 : i32
      %dma_wait3A_50 = tpu.memref_slice %arg2[%add3A_48, %dma_wait3A_49] : memref<16384x2048xf32, #tpu.memory_space<hbm>> -> memref<16x2048xf32, #tpu.memory_space<hbm>>
      %dma_wait3A_51 = arith.constant 0 : i32
      %dma_wait3A_52 = tpu.memref_slice %arg2[%add3A_48, %dma_wait3A_51] : memref<16384x2048xf32, #tpu.memory_space<hbm>> -> memref<16x2048xf32, #tpu.memory_space<hbm>>
      tpu.wait_dma2 semaphore(%arg11 : memref<!tpu.dma_semaphore, #tpu.memory_space<semaphore_mem>>) src(%dma_wait3A_52 : memref<16x2048xf32, #tpu.memory_space<hbm>>) dst(%arg6 : memref<16x2048xf32, #tpu.memory_space<vmem>>)
      %parallel_loop3A_53 = arith.constant 0 : i32
      %parallel_loop3A_54 = arith.constant 32768 : i32
      %parallel_loop3A_55 = arith.constant 16 : i32
      scf.for %parallel_loop3A_65 = %parallel_loop3A_53 to %parallel_loop3A_54 step %parallel_loop3A_55  : i32 {
        %parallel_loop3A_66 = arith.constant 11 : i32
        %parallel_loop3A_67 = arith.shrui %parallel_loop3A_65, %parallel_loop3A_66 : i32
        %parallel_loop3A_68 = arith.constant 2047 : i32
        %parallel_loop3A_69 = arith.andi %parallel_loop3A_65, %parallel_loop3A_68 : i32
        %parallel_loop3A_70 = arith.index_cast %parallel_loop3A_67 : i32 to index
        %parallel_loop3A_71 = arith.index_cast %parallel_loop3A_69 : i32 to index
        %parallel_loop3A_72 = tpu.vector_load %arg6[%parallel_loop3A_70, %parallel_loop3A_71] {strides = array<i32>} : memref<16x2048xf32, #tpu.memory_space<vmem>>, vector<16xf32>,
        %parallel_loop3A_73 = math.absf %parallel_loop3A_72 : vector<16xf32>
        %parallel_loop3A_74 = tpu.bitcast %parallel_loop3A_73 : vector<16xf32> -> vector<16xi32>
        %parallel_loop3A_75 = arith.cmpi sge, %parallel_loop3A_74, %get3A_9 : vector<16xi32>
        %parallel_loop3A_76 = arith.constant 4 : i32
        %parallel_loop3A_77 = arith.shrui %parallel_loop3A_65, %parallel_loop3A_76 : i32
        %parallel_loop3A_78 = arith.constant 15 : i32
        %parallel_loop3A_79 = arith.andi %parallel_loop3A_77, %parallel_loop3A_78 : i32
        %parallel_loop3A_80 = arith.constant 2032 : i32
        %parallel_loop3A_81 = arith.addi %parallel_loop3A_80, %parallel_loop3A_79 : i32
        %parallel_loop3A_82 = arith.subi %parallel_loop3A_74, %get3A_9 : vector<16xi32>
        %parallel_loop3A_83 = arith.constant 7 : i32
        %parallel_loop3A_84 = vector.broadcast %parallel_loop3A_83 : i32 to vector<16xi32>
        %parallel_loop3A_85 = arith.shrui %parallel_loop3A_82, %parallel_loop3A_84 : vector<16xi32>
        %parallel_loop3A_86 = vector.broadcast %parallel_loop3A_81 : i32 to vector<16xi32>
        %parallel_loop3A_87 = arith.minsi %parallel_loop3A_85, %parallel_loop3A_86 : vector<16xi32>
        %parallel_loop3A_88 = arith.addi %mul3A_5, %parallel_loop3A_87 : vector<16xi32>
        tpu.vector_store_idx %arg7[%parallel_loop3A_88], %broadcast_in_dim3A_6 masked %parallel_loop3A_75 {add = true} : memref<32768xi32, #tpu.memory_space<vmem>>[vector<16xi32>], vector<16xi32>, vector<16xi1>
      } {sc.loop_unroll_factor = 16 : i64, sc.parallel_access}
      %mul3A_56 = arith.constant 2 : i32
      %mul3A_57 = arith.muli %mul3A_56, %scan3A_29 : i32
      %add3A_58 = arith.constant 3 : i32
      %add3A_59 = arith.addi %mul3A_57, %add3A_58 : i32
      %lt3A_60 = arith.constant 32 : i32
      %lt3A_61 = arith.cmpi slt, %add3A_59, %lt3A_60 : i32
      %convert_element_type3A_62 = arith.extui %lt3A_61 : i1 to i32
      %cond3A_63 = arith.constant 0 : i32
      %cond3A_64 = arith.cmpi ne, %convert_element_type3A_62, %cond3A_63 : i32
      scf.if %cond3A_64 {
        %add3A_65 = arith.constant 48 : i32
        %add3A_66 = arith.addi %add3A_34, %add3A_65 : i32
        %dma_start3A_67 = arith.constant 0 : i32
        %dma_start3A_68 = tpu.memref_slice %arg2[%add3A_66, %dma_start3A_67] : memref<16384x2048xf32, #tpu.memory_space<hbm>> -> memref<16x2048xf32, #tpu.memory_space<hbm>>
        %dma_start3A_69 = arith.constant 0 : i32
        %dma_start3A_70 = tpu.memref_slice %arg2[%add3A_66, %dma_start3A_69] : memref<16384x2048xf32, #tpu.memory_space<hbm>> -> memref<16x2048xf32, #tpu.memory_space<hbm>>
        tpu.enqueue_dma source(%dma_start3A_70 : memref<16x2048xf32, #tpu.memory_space<hbm>>) target(%arg6 : memref<16x2048xf32, #tpu.memory_space<vmem>>) target_semaphore(%arg11 : memref<!tpu.dma_semaphore, #tpu.memory_space<semaphore_mem>>)
      } else {
      }
    }
    %scan3A_23 = arith.constant 16 : i32
    %parallel_loop3A_24 = arith.constant 0 : i32
    %parallel_loop3A_25 = arith.constant 2048 : i32
    %parallel_loop3A_26 = arith.constant 16 : i32
    scf.for %parallel_loop3A_29 = %parallel_loop3A_24 to %parallel_loop3A_25 step %parallel_loop3A_26  : i32 {
      %parallel_loop3A_30 = arith.index_cast %parallel_loop3A_29 : i32 to index
      %parallel_loop3A_31 = tpu.vector_load %arg7[%parallel_loop3A_30] {strides = array<i32>} : memref<32768xi32, #tpu.memory_space<vmem>>, vector<16xi32>,
      %parallel_loop3A_32 = arith.constant 2048 : i32
      %parallel_loop3A_33 = arith.addi %parallel_loop3A_32, %parallel_loop3A_29 : i32
      %parallel_loop3A_34 = arith.index_cast %parallel_loop3A_33 : i32 to index
      %parallel_loop3A_35 = tpu.vector_load %arg7[%parallel_loop3A_34] {strides = array<i32>} : memref<32768xi32, #tpu.memory_space<vmem>>, vector<16xi32>,
      %parallel_loop3A_36 = arith.addi %parallel_loop3A_31, %parallel_loop3A_35 : vector<16xi32>
      %parallel_loop3A_37 = arith.constant 4096 : i32
      %parallel_loop3A_38 = arith.addi %parallel_loop3A_37, %parallel_loop3A_29 : i32
      %parallel_loop3A_39 = arith.index_cast %parallel_loop3A_38 : i32 to index
      %parallel_loop3A_40 = tpu.vector_load %arg7[%parallel_loop3A_39] {strides = array<i32>} : memref<32768xi32, #tpu.memory_space<vmem>>, vector<16xi32>,
      %parallel_loop3A_41 = arith.addi %parallel_loop3A_36, %parallel_loop3A_40 : vector<16xi32>
      %parallel_loop3A_42 = arith.constant 6144 : i32
      %parallel_loop3A_43 = arith.addi %parallel_loop3A_42, %parallel_loop3A_29 : i32
      %parallel_loop3A_44 = arith.index_cast %parallel_loop3A_43 : i32 to index
      %parallel_loop3A_45 = tpu.vector_load %arg7[%parallel_loop3A_44] {strides = array<i32>} : memref<32768xi32, #tpu.memory_space<vmem>>, vector<16xi32>,
      %parallel_loop3A_46 = arith.addi %parallel_loop3A_41, %parallel_loop3A_45 : vector<16xi32>
      %parallel_loop3A_47 = arith.constant 8192 : i32
      %parallel_loop3A_48 = arith.addi %parallel_loop3A_47, %parallel_loop3A_29 : i32
      %parallel_loop3A_49 = arith.index_cast %parallel_loop3A_48 : i32 to index
      %parallel_loop3A_50 = tpu.vector_load %arg7[%parallel_loop3A_49] {strides = array<i32>} : memref<32768xi32, #tpu.memory_space<vmem>>, vector<16xi32>,
      %parallel_loop3A_51 = arith.addi %parallel_loop3A_46, %parallel_loop3A_50 : vector<16xi32>
      %parallel_loop3A_52 = arith.constant 10240 : i32
      %parallel_loop3A_53 = arith.addi %parallel_loop3A_52, %parallel_loop3A_29 : i32
      %parallel_loop3A_54 = arith.index_cast %parallel_loop3A_53 : i32 to index
      %parallel_loop3A_55 = tpu.vector_load %arg7[%parallel_loop3A_54] {strides = array<i32>} : memref<32768xi32, #tpu.memory_space<vmem>>, vector<16xi32>,
      %parallel_loop3A_56 = arith.addi %parallel_loop3A_51, %parallel_loop3A_55 : vector<16xi32>
      %parallel_loop3A_57 = arith.constant 12288 : i32
      %parallel_loop3A_58 = arith.addi %parallel_loop3A_57, %parallel_loop3A_29 : i32
      %parallel_loop3A_59 = arith.index_cast %parallel_loop3A_58 : i32 to index
      %parallel_loop3A_60 = tpu.vector_load %arg7[%parallel_loop3A_59] {strides = array<i32>} : memref<32768xi32, #tpu.memory_space<vmem>>, vector<16xi32>,
      %parallel_loop3A_61 = arith.addi %parallel_loop3A_56, %parallel_loop3A_60 : vector<16xi32>
      %parallel_loop3A_62 = arith.constant 14336 : i32
      %parallel_loop3A_63 = arith.addi %parallel_loop3A_62, %parallel_loop3A_29 : i32
      %parallel_loop3A_64 = arith.index_cast %parallel_loop3A_63 : i32 to index
      %parallel_loop3A_65 = tpu.vector_load %arg7[%parallel_loop3A_64] {strides = array<i32>} : memref<32768xi32, #tpu.memory_space<vmem>>, vector<16xi32>,
      %parallel_loop3A_66 = arith.addi %parallel_loop3A_61, %parallel_loop3A_65 : vector<16xi32>
      %parallel_loop3A_67 = arith.constant 16384 : i32
      %parallel_loop3A_68 = arith.addi %parallel_loop3A_67, %parallel_loop3A_29 : i32
      %parallel_loop3A_69 = arith.index_cast %parallel_loop3A_68 : i32 to index
      %parallel_loop3A_70 = tpu.vector_load %arg7[%parallel_loop3A_69] {strides = array<i32>} : memref<32768xi32, #tpu.memory_space<vmem>>, vector<16xi32>,
      %parallel_loop3A_71 = arith.addi %parallel_loop3A_66, %parallel_loop3A_70 : vector<16xi32>
      %parallel_loop3A_72 = arith.constant 18432 : i32
      %parallel_loop3A_73 = arith.addi %parallel_loop3A_72, %parallel_loop3A_29 : i32
      %parallel_loop3A_74 = arith.index_cast %parallel_loop3A_73 : i32 to index
      %parallel_loop3A_75 = tpu.vector_load %arg7[%parallel_loop3A_74] {strides = array<i32>} : memref<32768xi32, #tpu.memory_space<vmem>>, vector<16xi32>,
      %parallel_loop3A_76 = arith.addi %parallel_loop3A_71, %parallel_loop3A_75 : vector<16xi32>
      %parallel_loop3A_77 = arith.constant 20480 : i32
      %parallel_loop3A_78 = arith.addi %parallel_loop3A_77, %parallel_loop3A_29 : i32
      %parallel_loop3A_79 = arith.index_cast %parallel_loop3A_78 : i32 to index
      %parallel_loop3A_80 = tpu.vector_load %arg7[%parallel_loop3A_79] {strides = array<i32>} : memref<32768xi32, #tpu.memory_space<vmem>>, vector<16xi32>,
      %parallel_loop3A_81 = arith.addi %parallel_loop3A_76, %parallel_loop3A_80 : vector<16xi32>
      %parallel_loop3A_82 = arith.constant 22528 : i32
      %parallel_loop3A_83 = arith.addi %parallel_loop3A_82, %parallel_loop3A_29 : i32
      %parallel_loop3A_84 = arith.index_cast %parallel_loop3A_83 : i32 to index
      %parallel_loop3A_85 = tpu.vector_load %arg7[%parallel_loop3A_84] {strides = array<i32>} : memref<32768xi32, #tpu.memory_space<vmem>>, vector<16xi32>,
      %parallel_loop3A_86 = arith.addi %parallel_loop3A_81, %parallel_loop3A_85 : vector<16xi32>
      %parallel_loop3A_87 = arith.constant 24576 : i32
      %parallel_loop3A_88 = arith.addi %parallel_loop3A_87, %parallel_loop3A_29 : i32
      %parallel_loop3A_89 = arith.index_cast %parallel_loop3A_88 : i32 to index
      %parallel_loop3A_90 = tpu.vector_load %arg7[%parallel_loop3A_89] {strides = array<i32>} : memref<32768xi32, #tpu.memory_space<vmem>>, vector<16xi32>,
      %parallel_loop3A_91 = arith.addi %parallel_loop3A_86, %parallel_loop3A_90 : vector<16xi32>
      %parallel_loop3A_92 = arith.constant 26624 : i32
      %parallel_loop3A_93 = arith.addi %parallel_loop3A_92, %parallel_loop3A_29 : i32
      %parallel_loop3A_94 = arith.index_cast %parallel_loop3A_93 : i32 to index
      %parallel_loop3A_95 = tpu.vector_load %arg7[%parallel_loop3A_94] {strides = array<i32>} : memref<32768xi32, #tpu.memory_space<vmem>>, vector<16xi32>,
      %parallel_loop3A_96 = arith.addi %parallel_loop3A_91, %parallel_loop3A_95 : vector<16xi32>
      %parallel_loop3A_97 = arith.constant 28672 : i32
      %parallel_loop3A_98 = arith.addi %parallel_loop3A_97, %parallel_loop3A_29 : i32
      %parallel_loop3A_99 = arith.index_cast %parallel_loop3A_98 : i32 to index
      %parallel_loop3A_100 = tpu.vector_load %arg7[%parallel_loop3A_99] {strides = array<i32>} : memref<32768xi32, #tpu.memory_space<vmem>>, vector<16xi32>,
      %parallel_loop3A_101 = arith.addi %parallel_loop3A_96, %parallel_loop3A_100 : vector<16xi32>
      %parallel_loop3A_102 = arith.constant 30720 : i32
      %parallel_loop3A_103 = arith.addi %parallel_loop3A_102, %parallel_loop3A_29 : i32
      %parallel_loop3A_104 = arith.index_cast %parallel_loop3A_103 : i32 to index
      %parallel_loop3A_105 = tpu.vector_load %arg7[%parallel_loop3A_104] {strides = array<i32>} : memref<32768xi32, #tpu.memory_space<vmem>>, vector<16xi32>,
      %parallel_loop3A_106 = arith.addi %parallel_loop3A_101, %parallel_loop3A_105 : vector<16xi32>
      %parallel_loop3A_107 = arith.index_cast %parallel_loop3A_29 : i32 to index
      %parallel_loop3A_108 = tpu.vector_load %arg8[%parallel_loop3A_107] {strides = array<i32>} : memref<2048xi32, #tpu.memory_space<vmem>>, vector<16xi32>,
      tpu.vector_store %arg8[%parallel_loop3A_107], %parallel_loop3A_106 {strides = array<i32>} : memref<2048xi32, #tpu.memory_space<vmem>>, vector<16xi32>,
    } {sc.loop_unroll_factor = 1 : i64, sc.parallel_access}
    %mul3A_27 = arith.constant 2048 : i32
    %mul3A_28 = arith.muli %add3A, %mul3A_27 : i32
    "tpu.region"() ({
      %run_scoped3A = tpu.sem_alloc : memref<!tpu.dma_semaphore, #tpu.memory_space<semaphore_mem>>
      %dma_start3A_29 = tpu.memref_slice %arg4[%mul3A_28] : memref<65536xi32, #tpu.memory_space<hbm>> -> memref<2048xi32, #tpu.memory_space<hbm>>
      %dma_start3A_30 = tpu.memref_slice %arg4[%mul3A_28] : memref<65536xi32, #tpu.memory_space<hbm>> -> memref<2048xi32, #tpu.memory_space<hbm>>
      tpu.enqueue_dma source(%arg8 : memref<2048xi32, #tpu.memory_space<vmem>>) target(%dma_start3A_30 : memref<2048xi32, #tpu.memory_space<hbm>>) target_semaphore(%run_scoped3A : memref<!tpu.dma_semaphore, #tpu.memory_space<semaphore_mem>>)
      %dma_wait3A = tpu.memref_slice %arg4[%mul3A_28] : memref<65536xi32, #tpu.memory_space<hbm>> -> memref<2048xi32, #tpu.memory_space<hbm>>
      %dma_wait3A_31 = tpu.memref_slice %arg4[%mul3A_28] : memref<65536xi32, #tpu.memory_space<hbm>> -> memref<2048xi32, #tpu.memory_space<hbm>>
      tpu.wait_dma2 semaphore(%run_scoped3A : memref<!tpu.dma_semaphore, #tpu.memory_space<semaphore_mem>>) src(%arg8 : memref<2048xi32, #tpu.memory_space<vmem>>) dst(%dma_wait3A_31 : memref<2048xi32, #tpu.memory_space<hbm>>)
      tpu.yield
    }) : () -> ()
    return
  }
}

module attributes {stable_mosaic.version = 14 : i64} {
  func.func @_mask_body(%arg0: i32, %arg1: memref<1xi32, #tpu.memory_space<smem>>, %arg2: memref<1024x2048xf32, #tpu.memory_space<vmem>>, %arg3: memref<1024x2048xf32, #tpu.memory_space<vmem>>) attributes {dimension_semantics = [#tpu.dimension_semantics<arbitrary>], iteration_bounds = array<i64: 16>, scalar_prefetch = 0 : i64, scratch_operands = 0 : i64, tpu.core_type = #tpu.core_type<tc>, window_params = [{transform_indices = @transform_0, window_bounds = array<i64: 1>}, {transform_indices = @transform_1, window_bounds = array<i64: 1024, 2048>}, {transform_indices = @transform_2, window_bounds = array<i64: 1024, 2048>}]} {
    %get3A = arith.constant 0 : index
    %get3A_0 = arith.constant 0 : index
    %get3A_1 = vector.load %arg2[%get3A, %get3A_0] : memref<1024x2048xf32, #tpu.memory_space<vmem>>, vector<1024x2048xf32>
    %bitcast_convert_type3A = tpu.bitcast %get3A_1 : vector<1024x2048xf32> -> vector<1024x2048xi32>
    %and3A = arith.constant 2147483647 : i32
    %and3A_2 = vector.broadcast %and3A : i32 to vector<1024x2048xi32>
    %and3A_3 = arith.andi %bitcast_convert_type3A, %and3A_2 : vector<1024x2048xi32>
    %get3A_4 = arith.constant 0 : index
    %get3A_5 = memref.load %arg1[%get3A_4] : memref<1xi32, #tpu.memory_space<smem>>
    %ge3A = vector.broadcast %get3A_5 : i32 to vector<1024x2048xi32>
    %ge3A_6 = arith.cmpi sge, %and3A_3, %ge3A : vector<1024x2048xi32>
    %get3A_7 = arith.constant 0 : index
    %get3A_8 = arith.constant 0 : index
    %get3A_9 = vector.load %arg2[%get3A_7, %get3A_8] : memref<1024x2048xf32, #tpu.memory_space<vmem>>, vector<1024x2048xf32>
    %jit3A = arith.constant 0.000000e+00 : f32
    %broadcast_in_dim3A = vector.broadcast %jit3A : f32 to vector<1024x2048xf32>
    %select_n3A = arith.select %ge3A_6, %get3A_9, %broadcast_in_dim3A : vector<1024x2048xi1>, vector<1024x2048xf32>
    %swap3A = arith.constant 0 : index
    %swap3A_10 = arith.constant 0 : index
    %swap3A_11 = vector.load %arg3[%swap3A, %swap3A_10] : memref<1024x2048xf32, #tpu.memory_space<vmem>>, vector<1024x2048xf32>
    tpu.vector_store %arg3[%swap3A, %swap3A_10], %select_n3A {strides = array<i32>} : memref<1024x2048xf32, #tpu.memory_space<vmem>>, vector<1024x2048xf32>,
    return
  }
  func.func @transform_0(%arg0: i32) -> i32 {
    %c0_i32 = arith.constant 0 : i32
    %c0_i32_0 = arith.constant 0 : i32
    return %c0_i32 : i32
  }
  func.func @transform_1(%arg0: i32) -> (i32, i32) {
    %c0_i32 = arith.constant 0 : i32
    %c0_i32_0 = arith.constant 0 : i32
    return %arg0, %c0_i32 : i32, i32
  }
  func.func @transform_2(%arg0: i32) -> (i32, i32) {
    %c0_i32 = arith.constant 0 : i32
    %c0_i32_0 = arith.constant 0 : i32
    return %arg0, %c0_i32 : i32, i32
  }
}

</mosaic_0001>

<sc_bundles>
// kernel: branch_1_fun.4.cloned.1.call-start
scs
__scs_entry_jumppad:
0x0: {  	(pc) =	sbr.rel $0x88, $3  }
0x1: {  	(tag) =	ssettag $0x0;
	lr =	simm.s32 $0x1  }
0x2: {  	[smem:$0x3FA0] =	sst lr;
	_ =	strace $0xD0000000  }
0x3: {  	_ = 	snop  }
0x4: {  	_ = 	snop  }
0x5: {  	_ = 	snop  }
0x6: {  	_ = 	snop  }
0x7: {  	_ = 	snop  }
__scs_overlays_trampoline_lowered:
0x8: {  	[smem:$0x3FAF] =	sst s0  }
0x9: {  	[smem:$0x3FB0] =	sst s1  }
0xa: {  	[smem:$0x3FB1] =	sst s2  }
0xb: {  	[smem:$0x3FB2] =	sst s3  }
0xc: {  	[smem:$0x3FB3] =	sst s4  }
0xd: {  	[smem:$0x3FB4] =	sst s5  }
0xe: {  	[smem:$0x3FB5] =	sst s6  }
0xf: {  	[smem:$0x3FB6] =	sst s7  }
0x10: {  	[smem:$0x3FB7] =	sst s8  }
0x11: {  	[smem:$0x3FB8] =	sst s9;
	s0 =	simm.s32 @!p0 $0x0  }
0x12: {  	s1 =	sld [smem:$0x3F9E];
	s0 =	simm.s32 @p0 $0x1  }
0x13: {  	[smem:$0x3FB9] =	sst s0;
	s0 =	simm.s32 @!p1 $0x0  }
0x14: {  	s2 =	sld [smem:$0x3F9D];
	s0 =	simm.s32 @p1 $0x1  }
0x15: {  	[smem:$0x3FBA] =	sst s0;
	s0 =	simm.s32 @!p2 $0x0  }
0x16: {  	s3 =	sld [smem:$0x3FDB];
	s0 =	simm.s32 @p2 $0x1  }
0x17: {  	s4 =	simm.s32 $0x1BF5;
	[smem:$0x3FBC] =	sst s0  }
0x18: {  	s0 =	sld [smem:$0x3F9F];
	_ =	swait.ge [sflag:s4], $0x0  }
0x19: {  	s7 =	sld [smem:$0x3FA0]  }
0x1a: {  	s8 =	sadd.s32 $0xFFFFE003, lr  }
0x1b: {  	s9 =	sadd.s32 $0xFFFFFEF7, lr;
	s5 =	simm.s32 $0xFFFFFFFF;
	p2 =	slt.u32 s8, $0xFFFFF086  }
0x1c: {  	p1 =	slt.u32 s9, $0xF7A;
	s5 =	simm.s32 @!p2 $0x0  }
0x1d: {  	s5 =	simm.s32 @p1 $0x1;
	p0 =	seq.s32 s7, s2  }
0x1e: {  	s7 =	smul.u32 @!p0 $0xF7A, s2;
	p2 =	seq.s32 @!p0 s5, $0x0  }
0x1f: {  	s9 =	smul.u32 $0xF7A, s1;
	s8 =	simm.s32 @!p0 $0x1BF5;
	p2 =	por !p2, p0  }
0x20: {  	[sflag:s8] =	ssyncset.s32 @!p0 $0xFFFFF086;
	s6 =	sadd.s32 @!p0 s3, s7;
	s7 =	simm.s32 @!p0 $0x108  }
0x21: {  	s3 =	sadd.s32 s3, s9;
	s6 =	sadd.s32 @!p0 $0x88, s6;
	s7 =	simm.s32 @p2 $0x1082  }
0x22: {  	[simem:s7], [sflag:s8] =	dma.local @!p0 [hbm:s6], $0xF7A  }
0x23: {  	s9 =	sor.u32 $0xD0000000, s2;
	s6 =	simm.s32 $0x108;
	_ =	swait.ge @!p0 [sflag:s8], $0x0  }
0x24: {  	s3 =	sadd.s32 $0x88, s3;
	s6 =	simm.s32 @!p1 $0x1082;
	[sflag:s4] =	ssyncset.s32 $0xFFFFF086  }
0x25: {  	[simem:s6], [sflag:s4] =	dma.local [hbm:s3], $0xF7A  }
0x26: {  	[smem:$0x3FA0] =	sst s1;
	(tag) =	ssettag s2;
	_ =	strace s9  }
0x27: {  	s1 =	sld [smem:$0x3FB0]  }
0x28: {  	s2 =	sld [smem:$0x3FB1]  }
0x29: {  	s4 =	sld [smem:$0x3FB3]  }
0x2a: {  	p0 =	seq.s32 s5, $0x0;
	s5 =	sld [smem:$0x3FB4]  }
0x2b: {  	s6 =	sld [smem:$0x3FB5]  }
0x2c: {  	s7 =	sld [smem:$0x3FB6]  }
0x2d: {  	s3 =	simm.s32 $0x108;
	s8 =	sld [smem:$0x3FB7]  }
0x2e: {  	s3 =	simm.s32 @!p0 $0x1082;
	s9 =	sld [smem:$0x3FB8]  }
0x2f: {  	lr =	sadd.s32 s0, s3;
	s0 =	sld [smem:$0x3FAF]  }
0x30: {  	s3 =	sld [smem:$0x3FB2]  }
0x31: {  	[smem:$0x3FBB] =	sst s10  }
0x32: {  	s10 =	sld [smem:$0x3FB9];
	_ =	sdelay $0x3  }
0x33: {  	p0 =	seq.s32 s10, $0x1;
	s10 =	sld [smem:$0x3FBB];
	_ =	sdelay $0x3  }
0x34: {  	[smem:$0x3FBB] =	sst s10  }
0x35: {  	s10 =	sld [smem:$0x3FBA];
	_ =	sdelay $0x3  }
0x36: {  	p1 =	seq.s32 s10, $0x1;
	s10 =	sld [smem:$0x3FBB];
	_ =	sdelay $0x3  }
0x37: {  	[smem:$0x3FBB] =	sst s10  }
0x38: {  	s10 =	sld [smem:$0x3FBC]  }
0x39: {  	_ = 	snop;
	(pc) =	sbr.ind lr, $3  }
0x3a: {  	_ = 	snop  }
0x3b: {  	_ = 	snop  }
0x3c: {  	p2 =	seq.s32 s10, $0x1;
	s10 =	sld [smem:$0x3FBB]  }
0x3d: {  	_ =	shalt  }
0x3e: {  	_ =	shalt  }
0x3f: {  	_ =	shalt  }
0x40: {  	_ =	shalt  }
0x41: {  	_ =	shalt  }
0x42: {  	_ =	shalt  }
0x43: {  	_ =	shalt  }
0x44: {  	_ =	shalt  }
0x45: {  	_ =	shalt  }
0x46: {  	_ =	shalt  }
0x47: {  	_ =	shalt  }
0x48: {  	_ =	shalt  }
0x49: {  	_ =	shalt  }
0x4a: {  	_ =	shalt  }
0x4b: {  	_ =	shalt  }
0x4c: {  	_ =	shalt  }
0x4d: {  	_ =	shalt  }
0x4e: {  	_ =	shalt  }
0x4f: {  	_ =	shalt  }
0x50: {  	_ =	shalt  }
0x51: {  	_ =	shalt  }
0x52: {  	_ =	shalt  }
0x53: {  	_ =	shalt  }
0x54: {  	_ =	shalt  }
0x55: {  	_ =	shalt  }
0x56: {  	_ =	shalt  }
0x57: {  	_ =	shalt  }
0x58: {  	_ =	shalt  }
0x59: {  	_ =	shalt  }
0x5a: {  	_ =	shalt  }
0x5b: {  	_ =	shalt  }
0x5c: {  	_ =	shalt  }
0x5d: {  	_ =	shalt  }
0x5e: {  	_ =	shalt  }
0x5f: {  	_ =	shalt  }
0x60: {  	_ =	shalt  }
0x61: {  	_ =	shalt  }
0x62: {  	_ =	shalt  }
0x63: {  	_ =	shalt  }
0x64: {  	_ =	shalt  }
0x65: {  	_ =	shalt  }
0x66: {  	_ =	shalt  }
0x67: {  	_ =	shalt  }
0x68: {  	_ =	shalt  }
0x69: {  	_ =	shalt  }
0x6a: {  	_ =	shalt  }
0x6b: {  	_ =	shalt  }
0x6c: {  	_ =	shalt  }
0x6d: {  	_ =	shalt  }
0x6e: {  	_ =	shalt  }
0x6f: {  	_ =	shalt  }
0x70: {  	_ =	shalt  }
0x71: {  	_ =	shalt  }
0x72: {  	_ =	shalt  }
0x73: {  	_ =	shalt  }
0x74: {  	_ =	shalt  }
0x75: {  	_ =	shalt  }
0x76: {  	_ =	shalt  }
0x77: {  	_ =	shalt  }
0x78: {  	_ =	shalt  }
0x79: {  	_ =	shalt  }
0x7a: {  	_ =	shalt  }
0x7b: {  	_ =	shalt  }
0x7c: {  	_ =	shalt  }
0x7d: {  	_ =	shalt  }
0x7e: {  	_ =	shalt  }
0x7f: {  	_ =	shalt  }
0x80: {  	_ =	shalt  }
0x81: {  	_ =	shalt  }
0x82: {  	_ =	shalt  }
0x83: {  	_ =	shalt  }
0x84: {  	_ =	shalt  }
0x85: {  	_ =	shalt  }
0x86: {  	_ =	shalt  }
0x87: {  	_ =	shalt  }
.Lfunc_end0:
.L_simem_size_0:
called_computation_lowered:
.L_overlay_start_0:
0x88: {  	s2 =	sld [smem:$0x3FD9]  }
0x89: {  	s3 =	sld [smem:$0x3FFE];
	_ =	sdelay $0x1  }
0x8a: {  	s1 =	srdreg.scid  }
0x8b: {  	s0 =	sand.u32 $0x1, s1  }
0x8c: {  	s17 =	sshll.u32 s0, $0xA;
	s2 =	sadd.s32 s3, s2  }
0x8d: {  	s2 =	sadd.s32 s2, s17  }
0x8e: {  	[smem:$0x3FC7] =	sst s2  }
0x8f: {  	_ = 	snop  }
0x90: {  	s2 =	sld [smem:$0x3FC9]  }
0x91: {  	s18 =	sld [smem:$0x3FD0];
	(tm) =	ssettm $0x1  }
0x92: {  	s4 =	sld [smem:$0x3FFB];
	_ =	sdelay $0x3  }
0x93: {  	_ =	strace s4  }
0x94: {  	s4 =	sld [smem:$0x3FFC];
	_ =	sdelay $0x3  }
0x95: {  	_ =	strace s4  }
0x96: {  	s4 =	sld [smem:$0x3FFD];
	_ =	sdelay $0x3  }
0x97: {  	_ =	strace s4  }
0x98: {  	_ =	strace $0x8FFFFFFF  }
0x99: {  	s19 =	sld [smem:$0x3FDB];
	_ =	sdelay $0x1  }
0x9a: {  	s5 =	simm.s32 $_scs_section_size  }
0x9b: {  	s6 =	simm.s32 $_size__tile_overlayer_lowered;
	s7 =	simm.s32 $_tile_overlayer_lowered  }
0x9c: {  	s22 =	simm.s32 $0x1BFF;
	s21 =	sshll.u32 s7, $0x1;
	s4 =	sadd.s32 s5, s19  }
0x9d: {  	s8 =	simm.s32 $0x0;
	s20 =	sshll.u32 s6, $0x1;
	s6 =	sadd.s32 s21, s4  }
0x9e: {  	[timem:s8], [sflag:s22] =	dma.local [hbm:s6], s20  }
0x9f: {  	_ =	swait.ge [sflag:s22], s20  }
0xa0: {  	s5 =	ssub.s32 $0x0, s20;
	[sflag:s22] =	ssyncset.done $0x0  }
0xa1: {  	[sflag:s22] =	ssyncadd.s32 s5;
	_ =	sdelay $0x1  }
0xa2: {  	s23 =	simm.s32 $0x1B8B  }
0xa3: {  	_ =	swait.ge [sflag:s23], $0x1  }
0xa4: {  	[sflag:s23] =	ssyncset.done $0x0  }
0xa5: {  	s25 =	simm.s32 $0x1B8E;
	s24 =	sld [smem:$0x3FFE];
	[sflag:s23] =	ssyncadd.s32 $0xFFFFFFFF  }
0xa6: {  	s26 =	simm.s32 $execute0_lowered;
	[smem:$0x3FD2] =	sst s25  }
0xa7: {  	s6 =	sshll.u32 s26, $0x1;
	_ =	strace $0x80000046;
	[dreg:$0x1] =	wrdreg $0xFFFFFFFF  }
0xa8: {  	s28 =	simm.s32 $_size_execute0_lowered;
	s4 =	sadd.s32 s4, s6;
	[dreg:$0x0] =	wrdreg $0x0  }
0xa9: {  	s6 =	sshll.u32 s28, $0x1;
	[dreg:$0x2] =	wrdreg s4  }
0xaa: {  	[dreg:$0x3] =	wrdreg s6  }
0xab: {  	[dreg:$0x4] =	wrdreg $0xC0  }
0xac: {  	_ =	task [dreg:s8], $0x5FFFF  }
0xad: {  	[dreg:$0x1] =	wrdreg $0xFFFFFFFF  }
0xae: {  	[dreg:$0x0] =	wrdreg $0x60  }
0xaf: {  	[dreg:$0x2] =	wrdreg s2  }
0xb0: {  	[dreg:$0x3] =	wrdreg s24  }
0xb1: {  	[dreg:$0x4] =	wrdreg s18  }
0xb2: {  	[dreg:$0x5] =	wrdreg $0x9  }
0xb3: {  	_ =	task.clear_ibuf [dreg:s8], $0x6FFFF;
	_ =	strace $0x90000046  }
0xb4: {  	s29 =	simm.s32 $0x9;
	_ =	strace $0x80000048  }
0xb5: {  	_ =	swait.ge [sflag:s29], $0x1  }
0xb6: {  	[sflag:s29] =	ssyncadd.s32 $0xFFFFFFFF  }
0xb7: {  	_ =	strace $0x90000048  }
0xb8: {  	_ =	sfence  }
0xb9: {  	s30 =	sld [smem:$0x0];
	_ =	sdelay $0x2  }
0xba: {  	s31 =	sshll.u32 s1, $0xD;
	s1 =	sshrl.u32 s1, $0x2  }
0xbb: {  	s3 =	sand.u32 $0x4000, s31;
	s1 =	sadd.s32 s1, s30  }
0xbc: {  	s0 =	sor.u32 s3, s0;
	s1 =	sshll.u32 s1, $0x11  }
0xbd: {  	s0 =	sor.u32 s1, s0  }
0xbe: {  	s0 =	sadd.s32 $0x8F2B, s0  }
0xbf: {  	[sflag:s0] =	ssyncadd.remote.s32 $0x1  }
0xc0: {  	_ =	sfence.sel $0xFFFF  }
0xc1: {  	[dreg:$0x0] =	wrdreg $0xFFFFFFFF;
	(pc) =	sbr.abs _section_cstart, $3  }
0xc2: {  	[dreg:$0x1] =	wrdreg $0xFFFFFFFF  }
0xc3: {  	_ =	task.clear_ibuf [dreg:s8], $0x2FFFF;
	_ =	strace $0x9FFFFFFF  }
0xc4: {  	(tm) =	ssettm $0x7FFFFFFF  }
0xc5: {  	_ =	shalt  }
tec
execute0_lowered:
.L_overlay_start_1:
0x0: {  	(tag) =	ssettag $0x1  }
0x1: {  	s8 =	rddreg [dreg:$0x0]  }
0x2: {  	s3 =	rddreg [dreg:$0x1]  }
0x3: {  	s9 =	rddreg [dreg:$0x2]  }
0x4: {  	s0 =	rddreg [dreg:$0x3];
	s4 =	srdreg.scid  }
0x5: {  	s1 =	stileid.u32;
	s2 =	simm.s32 $0x0;
	s11 =	simm.s32 $0x19000  }
0x6: {  	s12 =	simm.s32 $0x3;
	s13 =	simm.s32 $0x4000;
	s14 =	simm.s32 $0x1  }
0x7: {  	s15 =	simm.s32 $0x8000;
	s16 =	simm.s32 $0x2;
	s17 =	simm.s32 $0x18000  }
0x8: {  	s18 =	simm.s32 $0x0;
	s4 =	sand.u32 $0x1, s4;
	s5 =	sshll.u32 s1, $0x1  }
0x9: {  	[smem:$0x7FF] =	sst s2;
	s3 =	sadd.s32 $0x800, s3;
	s5 =	sor.u32 s4, s5  }
0xa: {  	_ =	strace $0x80000047;
	s6 =	ssub.s32 $0x2, s4;
	s31 =	sshll.u32 s5, $0x11  }
0xb: {  	s7 =	sshrl.u32 s6, $0x1;
	s5 =	sshll.u32 s5, $0x9;
	s4 =	sadd.s32 s8, s31  }
0xc: {  	v1 =	vlaneseq.u32;
	s10 =	ssub.s32 s6, s7;
	s7 =	sadd.s32 $0x1000, s8;
	s8 =	sadd.s32 $0x1800, s8  }
0xd: {  	v0 =	vimm.s32 $0x0;
	v2 =	vimm.s32 $0x1;
	v1 =	vmul.u32 $0x1000, v1;
	s9 =	sadd.s32 s9, s5;
	s6 =	sadd.s32 $0x800, s4;
	s10 =	smax.u32 s10, $0x1  }
.LBB2_1:
0xe: {  	s19 =	simm.s32 $0x8040  }
0xf: {  	[tilespmem:s19+$0xFFFFFFC0] =	vst v0  }
0x10: {  	[tilespmem:s19+$0x30] =	vst v0  }
0x11: {  	[tilespmem:s19+$0x20] =	vst v0  }
0x12: {  	[tilespmem:s19+$0x10] =	vst v0  }
0x13: {  	[tilespmem:s19+$0x0] =	vst v0  }
0x14: {  	[tilespmem:s19+$0xFFFFFFF0] =	vst v0  }
0x15: {  	s20 =	simm.s32 $0x0;
	[tilespmem:s19+$0xFFFFFFE0] =	vst v0  }
.LBB2_2:
0x16: {  	s20 =	sadd.s32 $0x80, s20;
	[tilespmem:s19+$0xFFFFFFD0] =	vst v0;
	s19 =	sadd.s32 $0x80, s19  }
0x17: {  	[tilespmem:s19+$0xFFFFFFC0] =	vst v0;
	p0 =	slt.u32 s20, $0xFF80  }
0x18: {  	[tilespmem:s19+$0x30] =	vst v0  }
.Ltmp0:
0x19: {  	[tilespmem:s19+$0x20] =	vst v0;
	(pc) =	sbr.rel @p0 .LBB2_2-.Ltmp0, $4  }
0x1a: {  	[tilespmem:s19+$0x10] =	vst v0  }
0x1b: {  	[tilespmem:s19+$0x0] =	vst v0  }
0x1c: {  	[tilespmem:s19+$0xFFFFFFF0] =	vst v0  }
0x1d: {  	[tilespmem:s19+$0xFFFFFFE0] =	vst v0  }
0x1e: {  	[tilespmem:s19+$0xFFFFFFD0] =	vst v0;
	s19 =	simm.s32 $0x0  }
0x1f: {  	[tilespmem:s11], [sflag:$0x3] =	stream.linear.gather [hbm4b:s3+s19], $0x80, $0x38;
	[tilespmem:$0x19080] =	vst v63  }
0x20: {  	_ =	swait.ge [sflag:s12], $0x80  }
0x21: {  	[sflag:s12] =	ssyncset.done $0x0  }
0x22: {  	[sflag:s12] =	ssyncadd.s32 $0xFFFFFF80  }
0x23: {  	[tilespmem:s19], [sflag:$0x1] =	stream.linear.gather [hbm4b:s4+s19], $0x4000, $0x38;
	[tilespmem:$0x19080] =	vst v63  }
0x24: {  	s20 =	simm.s32 $0x0  }
0x25: {  	[tilespmem:s13], [sflag:$0x2] =	stream.linear.gather [hbm4b:s6+s19], $0x4000, $0x38;
	[tilespmem:$0x19080] =	vst v63  }
.LBB2_4:
0x26: {  	_ =	swait.ge [sflag:s14], $0x4000  }
0x27: {  	s21 =	sand.u32 $0x3C00, s19;
	s22 =	sand.u32 $0x380, s19;
	[sflag:s14] =	ssyncset.done $0x0  }
0x28: {  	s21 =	sor.u32 s22, s21;
	[sflag:s14] =	ssyncadd.s32 $0xFFFFC000  }
0x29: {  	v3 =	vld [tilespmem:s21+$0x40]  }
0x2a: {  	v4 =	vld [tilespmem:s21+$0x30]  }
0x2b: {  	v5 =	vld [tilespmem:s21+$0x20]  }
0x2c: {  	v6 =	vld [tilespmem:s21+$0x60]  }
0x2d: {  	v7 =	vld [tilespmem:s21+$0x50]  }
0x2e: {  	v10 =	vld [tilespmem:s21+$0x10]  }
0x2f: {  	v12 =	vld [tilespmem:s21+$0x70];
	_ =	sdelay $0x2  }
0x30: {  	v4 =	vand.u32 $0x7FFFFFFF, v4;
	v3 =	vand.u32 $0x7FFFFFFF, v3;
	v5 =	vand.u32 $0x7FFFFFFF, v5  }
0x31: {  	v6 =	vand.u32 $0x7FFFFFFF, v6;
	v7 =	vand.u32 $0x7FFFFFFF, v7;
	v10 =	vand.u32 $0x7FFFFFFF, v10  }
0x32: {  	v12 =	vand.u32 $0x7FFFFFFF, v12;
	v4 =	vshrl.u32 v4, $0x13;
	v3 =	vshrl.u32 v3, $0x13  }
0x33: {  	s30 =	simm.s32 $0x8;
	s23 =	simm.s32 $0x400;
	v11 =	vld [tilespmem:s21+$0x0];
	v6 =	vshrl.u32 v6, $0x13;
	v5 =	vshrl.u32 v5, $0x13;
	v10 =	vshrl.u32 v10, $0x13  }
0x34: {  	s31 =	sand.u32 $0x3C00, s23;
	s22 =	sand.u32 $0x380, s30;
	v7 =	vshrl.u32 v7, $0x13;
	v8 =	vand.u32 $0x1F80, v4;
	v9 =	vand.u32 $0x1F80, v3  }
0x35: {  	s21 =	sor.u32 s22, s31;
	v3 =	vand.u32 $0x7F, v3;
	v4 =	vand.u32 $0x7F, v4;
	v9 =	vor.u32 v1, v9  }
0x36: {  	v13 =	vld [tilespmem:s21+$0x40];
	v8 =	vor.u32 v1, v8;
	v9 =	vor.u32 v3, v9;
	v3 =	vand.u32 $0x1F80, v6  }
0x37: {  	v14 =	vld [tilespmem:s21+$0x30];
	v6 =	vand.u32 $0x7F, v6;
	v4 =	vor.u32 v4, v8;
	v3 =	vor.u32 v1, v3  }
0x38: {  	v16 =	vld [tilespmem:s21+$0x20];
	v8 =	vand.u32 $0x7FFFFFFF, v11;
	v6 =	vor.u32 v6, v3;
	v3 =	vand.u32 $0x1F80, v5  }
0x39: {  	v19 =	vld [tilespmem:s21+$0x60];
	v8 =	vshrl.u32 v8, $0x13;
	v5 =	vand.u32 $0x7F, v5;
	v3 =	vor.u32 v1, v3  }
0x3a: {  	v11 =	vand.u32 $0x1F80, v10;
	v15 =	vor.u32 v5, v3;
	v5 =	vand.u32 $0x1F80, v8  }
0x3b: {  	v17 =	vld [tilespmem:s21+$0x50];
	v11 =	vor.u32 v1, v11;
	v18 =	vor.u32 v1, v5;
	v5 =	vshrl.u32 v12, $0x13  }
0x3c: {  	v12 =	vand.u32 $0x7F, v8;
	v8 =	vand.u32 $0x7F, v10;
	[tilespmem:v9+s15+$0x0] =	vst.idx.add.s32.msk $0xffff, v2;
	v9 =	vand.u32 $0x7FFFFFFF, v14  }
0x3d: {  	v3 =	vld [tilespmem:s21+$0x70];
	v20 =	vor.u32 v8, v11;
	v11 =	vand.u32 $0x7F, v7;
	v8 =	vand.u32 $0x7FFFFFFF, v16  }
0x3e: {  	v16 =	vand.u32 $0x7FFFFFFF, v19;
	[tilespmem:v6+s15+$0x0] =	vst.idx.add.s32.msk $0xffff, v2;
	v6 =	vand.u32 $0x7FFFFFFF, v13;
	v13 =	vand.u32 $0x1F80, v7  }
0x3f: {  	[tilespmem:v4+s15+$0x0] =	vst.idx.add.s32.msk $0xffff, v2;
	v7 =	vshrl.u32 v9, $0x13;
	v9 =	vshrl.u32 v6, $0x13;
	v6 =	vor.u32 v12, v18  }
0x40: {  	v4 =	vand.u32 $0x7FFFFFFF, v17;
	v16 =	vshrl.u32 v16, $0x13;
	[tilespmem:v15+s15+$0x0] =	vst.idx.add.s32.msk $0xffff, v2  }
0x41: {  	v10 =	vand.u32 $0x1F80, v7;
	v14 =	vand.u32 $0x1F80, v9;
	v12 =	vand.u32 $0x7F, v9;
	v9 =	vld [tilespmem:s21+$0x10]  }
0x42: {  	s24 =	simm.s32 $0x800;
	s23 =	simm.s32 $0x10;
	s22 =	simm.s32 $0x80;
	v15 =	vor.u32 v1, v13;
	v13 =	vand.u32 $0x1F80, v5;
	v14 =	vor.u32 v1, v14;
	[tilespmem:v20+s15+$0x0] =	vst.idx.add.s32.msk $0xffff, v2  }
.LBB2_5:
0x43: {  	s25 =	sand.u32 $0x3C00, s24;
	s26 =	sand.u32 $0x380, s23;
	s22 =	sadd.s32 $0x80, s22;
	v17 =	vld [tilespmem:s21+$0x0];
	v12 =	vor.u32 v12, v14;
	v14 =	vand.u32 $0x1F80, v16;
	v11 =	vor.u32 v11, v15  }
0x44: {  	v15 =	vand.u32 $0x7F, v16;
	v5 =	vand.u32 $0x7F, v5;
	s21 =	sor.u32 s26, s25;
	p0 =	slt.u32 s22, $0x3F80;
	v14 =	vor.u32 v1, v14;
	[tilespmem:v6+s15+$0x0] =	vst.idx.add.s32.msk $0xffff, v2  }
0x45: {  	v13 =	vor.u32 v1, v13;
	v6 =	vshrl.u32 v8, $0x13;
	v16 =	vld [tilespmem:s21+$0x50];
	v8 =	vor.u32 v15, v14  }
0x46: {  	v7 =	vand.u32 $0x7F, v7;
	v10 =	vor.u32 v1, v10;
	v15 =	vand.u32 $0x1F80, v6;
	v14 =	vld [tilespmem:s21+$0x40]  }
0x47: {  	v19 =	vor.u32 v7, v10;
	v6 =	vand.u32 $0x7F, v6;
	v15 =	vor.u32 v1, v15;
	v18 =	vld [tilespmem:s21+$0x30]  }
0x48: {  	v9 =	vand.u32 $0x7FFFFFFF, v9;
	v10 =	vor.u32 v6, v15;
	v7 =	vand.u32 $0x7FFFFFFF, v17;
	[tilespmem:v11+s15+$0x0] =	vst.idx.add.s32.msk $0xffff, v2  }
0x49: {  	v13 =	vor.u32 v5, v13;
	v9 =	vshrl.u32 v9, $0x13;
	v6 =	vld [tilespmem:s21+$0x20];
	v7 =	vshrl.u32 v7, $0x13  }
0x4a: {  	v15 =	vand.u32 $0x7FFFFFFF, v3;
	v11 =	vand.u32 $0x1F80, v9;
	v5 =	vand.u32 $0x1F80, v7;
	v3 =	vld [tilespmem:s21+$0x70]  }
0x4b: {  	v11 =	vor.u32 v1, v11;
	v17 =	vld [tilespmem:s21+$0x60];
	v20 =	vor.u32 v1, v5;
	v5 =	vshrl.u32 v15, $0x13  }
0x4c: {  	v4 =	vshrl.u32 v4, $0x13;
	v15 =	vand.u32 $0x7F, v7;
	v7 =	vand.u32 $0x7F, v9;
	[tilespmem:v12+s15+$0x0] =	vst.idx.add.s32.msk $0xffff, v2  }
0x4d: {  	v9 =	vand.u32 $0x7FFFFFFF, v18;
	v18 =	vor.u32 v7, v11;
	v11 =	vand.u32 $0x7F, v4;
	[tilespmem:v8+s15+$0x0] =	vst.idx.add.s32.msk $0xffff, v2  }
.Ltmp1:
0x4e: {  	v4 =	vand.u32 $0x1F80, v4;
	v8 =	vand.u32 $0x7FFFFFFF, v6;
	v6 =	vand.u32 $0x7FFFFFFF, v14;
	[tilespmem:v13+s15+$0x0] =	vst.idx.add.s32.msk $0xffff, v2;
	(pc) =	sbr.rel @p0 .LBB2_5-.Ltmp1, $4  }
0x4f: {  	v7 =	vshrl.u32 v9, $0x13;
	v9 =	vshrl.u32 v6, $0x13;
	v6 =	vor.u32 v15, v20;
	[tilespmem:v10+s15+$0x0] =	vst.idx.add.s32.msk $0xffff, v2  }
0x50: {  	v10 =	vand.u32 $0x1F80, v7;
	v13 =	vand.u32 $0x1F80, v9;
	v12 =	vand.u32 $0x7F, v9;
	[tilespmem:v19+s15+$0x0] =	vst.idx.add.s32.msk $0xffff, v2  }
0x51: {  	v15 =	vor.u32 v1, v4;
	v9 =	vld [tilespmem:s21+$0x10];
	v14 =	vor.u32 v1, v13;
	v13 =	vand.u32 $0x7FFFFFFF, v17  }
0x52: {  	s23 =	sadd.s32 $0x8, s23;
	s24 =	sadd.s32 $0x400, s24;
	v4 =	vand.u32 $0x7FFFFFFF, v16;
	v16 =	vshrl.u32 v13, $0x13;
	[tilespmem:v18+s15+$0x0] =	vst.idx.add.s32.msk $0xffff, v2;
	v13 =	vand.u32 $0x1F80, v5  }
0x53: {  	v12 =	vor.u32 v12, v14  }
0x54: {  	v14 =	vand.u32 $0x1F80, v16;
	v11 =	vor.u32 v11, v15;
	v15 =	vand.u32 $0x7F, v16  }
0x55: {  	v5 =	vand.u32 $0x7F, v5;
	v8 =	vshrl.u32 v8, $0x13;
	v13 =	vor.u32 v1, v13  }
0x56: {  	v17 =	vld [tilespmem:s21+$0x0];
	v7 =	vand.u32 $0x7F, v7;
	v10 =	vor.u32 v1, v10;
	v3 =	vand.u32 $0x7FFFFFFF, v3  }
0x57: {  	v4 =	vshrl.u32 v4, $0x13;
	v14 =	vor.u32 v1, v14;
	v7 =	vor.u32 v7, v10  }
0x58: {  	v5 =	vor.u32 v5, v13;
	v14 =	vor.u32 v15, v14;
	v15 =	vand.u32 $0x1F80, v8  }
0x59: {  	v8 =	vand.u32 $0x7F, v8;
	v15 =	vor.u32 v1, v15;
	v9 =	vand.u32 $0x7FFFFFFF, v9  }
0x5a: {  	v3 =	vshrl.u32 v3, $0x13;
	v8 =	vor.u32 v8, v15;
	v9 =	vshrl.u32 v9, $0x13  }
0x5b: {  	[tilespmem:v6+s15+$0x0] =	vst.idx.add.s32.msk $0xffff, v2;
	v10 =	vand.u32 $0x7FFFFFFF, v17;
	v15 =	vand.u32 $0x1F80, v9;
	v9 =	vand.u32 $0x7F, v9  }
0x5c: {  	[tilespmem:v11+s15+$0x0] =	vst.idx.add.s32.msk $0xffff, v2;
	v11 =	vand.u32 $0x7F, v4;
	v4 =	vand.u32 $0x1F80, v4;
	v10 =	vshrl.u32 v10, $0x13  }
0x5d: {  	[tilespmem:v12+s15+$0x0] =	vst.idx.add.s32.msk $0xffff, v2;
	v4 =	vor.u32 v1, v4;
	v13 =	vand.u32 $0x1F80, v10;
	v10 =	vand.u32 $0x7F, v10  }
0x5e: {  	v4 =	vor.u32 v11, v4;
	v6 =	vor.u32 v1, v13;
	v13 =	vor.u32 v1, v15  }
0x5f: {  	[tilespmem:v5+s15+$0x0] =	vst.idx.add.s32.msk $0xffff, v2;
	v9 =	vor.u32 v9, v13;
	v6 =	vor.u32 v10, v6;
	v10 =	vand.u32 $0x1F80, v3  }
0x60: {  	[tilespmem:v7+s15+$0x0] =	vst.idx.add.s32.msk $0xffff, v2;
	v3 =	vand.u32 $0x7F, v3;
	v5 =	vor.u32 v1, v10  }
0x61: {  	[tilespmem:v14+s15+$0x0] =	vst.idx.add.s32.msk $0xffff, v2;
	v3 =	vor.u32 v3, v5  }
0x62: {  	[tilespmem:v8+s15+$0x0] =	vst.idx.add.s32.msk $0xffff, v2  }
0x63: {  	s26 =	sshll.u32 s20, $0x4;
	[tilespmem:v4+s15+$0x0] =	vst.idx.add.s32.msk $0xffff, v2  }
0x64: {  	p0 =	seq.s32 s20, $0x1F;
	s21 =	sadd.s32 s5, s26;
	[tilespmem:v9+s15+$0x0] =	vst.idx.add.s32.msk $0xffff, v2  }
0x65: {  	s22 =	sshll.u32 @!p0 s21, $0x8;
	[tilespmem:v6+s15+$0x0] =	vst.idx.add.s32.msk $0xffff, v2  }
0x66: {  	s23 =	simm.s32 @!p0 $0x0;
	s22 =	sadd.s32 @!p0 s22, s7;
	[tilespmem:v3+s15+$0x0] =	vst.idx.add.s32.msk $0xffff, v2  }
0x67: {  	[tilespmem:s23], [sflag:$0x1] =	stream.linear.gather @!p0 [hbm4b:s22+s23], $0x4000, $0x38;
	[tilespmem:$0x19080] =	vst v63  }
0x68: {  	s28 =	simm.s32 $0x0;
	_ =	swait.ge [sflag:s16], $0x4000  }
0x69: {  	s29 =	sand.u32 $0x3C00, s28;
	s22 =	sand.u32 $0x380, s28;
	[sflag:s16] =	ssyncset.done $0x0  }
0x6a: {  	s22 =	sor.u32 s22, s29;
	[sflag:s16] =	ssyncadd.s32 $0xFFFFC000  }
0x6b: {  	v3 =	vld [tilespmem:s22+$0x4040]  }
0x6c: {  	v4 =	vld [tilespmem:s22+$0x4030]  }
0x6d: {  	v5 =	vld [tilespmem:s22+$0x4020]  }
0x6e: {  	v6 =	vld [tilespmem:s22+$0x4060]  }
0x6f: {  	v7 =	vld [tilespmem:s22+$0x4050]  }
0x70: {  	v10 =	vld [tilespmem:s22+$0x4010]  }
0x71: {  	v12 =	vld [tilespmem:s22+$0x4070];
	_ =	sdelay $0x2  }
0x72: {  	v4 =	vand.u32 $0x7FFFFFFF, v4;
	v3 =	vand.u32 $0x7FFFFFFF, v3;
	v5 =	vand.u32 $0x7FFFFFFF, v5  }
0x73: {  	v6 =	vand.u32 $0x7FFFFFFF, v6;
	v7 =	vand.u32 $0x7FFFFFFF, v7;
	v10 =	vand.u32 $0x7FFFFFFF, v10  }
0x74: {  	v12 =	vand.u32 $0x7FFFFFFF, v12;
	v4 =	vshrl.u32 v4, $0x13;
	v3 =	vshrl.u32 v3, $0x13  }
0x75: {  	s30 =	simm.s32 $0x8;
	s24 =	simm.s32 $0x400;
	v11 =	vld [tilespmem:s22+$0x4000];
	v6 =	vshrl.u32 v6, $0x13;
	v5 =	vshrl.u32 v5, $0x13;
	v10 =	vshrl.u32 v10, $0x13  }
0x76: {  	s31 =	sand.u32 $0x3C00, s24;
	s23 =	sand.u32 $0x380, s30;
	v7 =	vshrl.u32 v7, $0x13;
	v8 =	vand.u32 $0x1F80, v4;
	v9 =	vand.u32 $0x1F80, v3  }
0x77: {  	s22 =	sor.u32 s23, s31;
	v3 =	vand.u32 $0x7F, v3;
	v4 =	vand.u32 $0x7F, v4;
	v9 =	vor.u32 v1, v9  }
0x78: {  	v13 =	vld [tilespmem:s22+$0x4040];
	v8 =	vor.u32 v1, v8;
	v9 =	vor.u32 v3, v9;
	v3 =	vand.u32 $0x1F80, v6  }
0x79: {  	v14 =	vld [tilespmem:s22+$0x4030];
	v6 =	vand.u32 $0x7F, v6;
	v4 =	vor.u32 v4, v8;
	v3 =	vor.u32 v1, v3  }
0x7a: {  	v16 =	vld [tilespmem:s22+$0x4020];
	v8 =	vand.u32 $0x7FFFFFFF, v11;
	v6 =	vor.u32 v6, v3;
	v3 =	vand.u32 $0x1F80, v5  }
0x7b: {  	v19 =	vld [tilespmem:s22+$0x4060];
	v8 =	vshrl.u32 v8, $0x13;
	v5 =	vand.u32 $0x7F, v5;
	v3 =	vor.u32 v1, v3  }
0x7c: {  	v11 =	vand.u32 $0x1F80, v10;
	v15 =	vor.u32 v5, v3;
	v5 =	vand.u32 $0x1F80, v8  }
0x7d: {  	v17 =	vld [tilespmem:s22+$0x4050];
	v11 =	vor.u32 v1, v11;
	v18 =	vor.u32 v1, v5;
	v5 =	vshrl.u32 v12, $0x13  }
0x7e: {  	v12 =	vand.u32 $0x7F, v8;
	v8 =	vand.u32 $0x7F, v10;
	[tilespmem:v9+s15+$0x0] =	vst.idx.add.s32.msk $0xffff, v2;
	v9 =	vand.u32 $0x7FFFFFFF, v14  }
0x7f: {  	v3 =	vld [tilespmem:s22+$0x4070];
	v20 =	vor.u32 v8, v11;
	v11 =	vand.u32 $0x7F, v7;
	v8 =	vand.u32 $0x7FFFFFFF, v16  }
0x80: {  	v16 =	vand.u32 $0x7FFFFFFF, v19;
	[tilespmem:v6+s15+$0x0] =	vst.idx.add.s32.msk $0xffff, v2;
	v6 =	vand.u32 $0x7FFFFFFF, v13;
	v13 =	vand.u32 $0x1F80, v7  }
0x81: {  	[tilespmem:v4+s15+$0x0] =	vst.idx.add.s32.msk $0xffff, v2;
	v7 =	vshrl.u32 v9, $0x13;
	v9 =	vshrl.u32 v6, $0x13;
	v6 =	vor.u32 v12, v18  }
0x82: {  	v4 =	vand.u32 $0x7FFFFFFF, v17;
	v16 =	vshrl.u32 v16, $0x13;
	[tilespmem:v15+s15+$0x0] =	vst.idx.add.s32.msk $0xffff, v2  }
0x83: {  	v10 =	vand.u32 $0x1F80, v7;
	v14 =	vand.u32 $0x1F80, v9;
	v12 =	vand.u32 $0x7F, v9;
	v9 =	vld [tilespmem:s22+$0x4010]  }
0x84: {  	s25 =	simm.s32 $0x800;
	s24 =	simm.s32 $0x10;
	s23 =	simm.s32 $0x80;
	v15 =	vor.u32 v1, v13;
	v13 =	vand.u32 $0x1F80, v5;
	v14 =	vor.u32 v1, v14;
	[tilespmem:v20+s15+$0x0] =	vst.idx.add.s32.msk $0xffff, v2  }
.LBB2_7:
0x85: {  	s26 =	sand.u32 $0x3C00, s25;
	s28 =	sand.u32 $0x380, s24;
	s23 =	sadd.s32 $0x80, s23;
	v17 =	vld [tilespmem:s22+$0x4000];
	v12 =	vor.u32 v12, v14;
	v14 =	vand.u32 $0x1F80, v16;
	v11 =	vor.u32 v11, v15  }
0x86: {  	v15 =	vand.u32 $0x7F, v16;
	v5 =	vand.u32 $0x7F, v5;
	s22 =	sor.u32 s28, s26;
	p1 =	slt.u32 s23, $0x3F80;
	v14 =	vor.u32 v1, v14;
	[tilespmem:v6+s15+$0x0] =	vst.idx.add.s32.msk $0xffff, v2  }
0x87: {  	v13 =	vor.u32 v1, v13;
	v6 =	vshrl.u32 v8, $0x13;
	v16 =	vld [tilespmem:s22+$0x4050];
	v8 =	vor.u32 v15, v14  }
0x88: {  	v7 =	vand.u32 $0x7F, v7;
	v10 =	vor.u32 v1, v10;
	v15 =	vand.u32 $0x1F80, v6;
	v14 =	vld [tilespmem:s22+$0x4040]  }
0x89: {  	v19 =	vor.u32 v7, v10;
	v6 =	vand.u32 $0x7F, v6;
	v15 =	vor.u32 v1, v15;
	v18 =	vld [tilespmem:s22+$0x4030]  }
0x8a: {  	v9 =	vand.u32 $0x7FFFFFFF, v9;
	v10 =	vor.u32 v6, v15;
	v7 =	vand.u32 $0x7FFFFFFF, v17;
	[tilespmem:v11+s15+$0x0] =	vst.idx.add.s32.msk $0xffff, v2  }
0x8b: {  	v13 =	vor.u32 v5, v13;
	v9 =	vshrl.u32 v9, $0x13;
	v6 =	vld [tilespmem:s22+$0x4020];
	v7 =	vshrl.u32 v7, $0x13  }
0x8c: {  	v15 =	vand.u32 $0x7FFFFFFF, v3;
	v11 =	vand.u32 $0x1F80, v9;
	v5 =	vand.u32 $0x1F80, v7;
	v3 =	vld [tilespmem:s22+$0x4070]  }
0x8d: {  	v11 =	vor.u32 v1, v11;
	v17 =	vld [tilespmem:s22+$0x4060];
	v20 =	vor.u32 v1, v5;
	v5 =	vshrl.u32 v15, $0x13  }
0x8e: {  	v4 =	vshrl.u32 v4, $0x13;
	v15 =	vand.u32 $0x7F, v7;
	v7 =	vand.u32 $0x7F, v9;
	[tilespmem:v12+s15+$0x0] =	vst.idx.add.s32.msk $0xffff, v2  }
0x8f: {  	v9 =	vand.u32 $0x7FFFFFFF, v18;
	v18 =	vor.u32 v7, v11;
	v11 =	vand.u32 $0x7F, v4;
	[tilespmem:v8+s15+$0x0] =	vst.idx.add.s32.msk $0xffff, v2  }
.Ltmp2:
0x90: {  	v4 =	vand.u32 $0x1F80, v4;
	v8 =	vand.u32 $0x7FFFFFFF, v6;
	v6 =	vand.u32 $0x7FFFFFFF, v14;
	[tilespmem:v13+s15+$0x0] =	vst.idx.add.s32.msk $0xffff, v2;
	(pc) =	sbr.rel @p1 .LBB2_7-.Ltmp2, $4  }
0x91: {  	v7 =	vshrl.u32 v9, $0x13;
	v9 =	vshrl.u32 v6, $0x13;
	v6 =	vor.u32 v15, v20;
	[tilespmem:v10+s15+$0x0] =	vst.idx.add.s32.msk $0xffff, v2  }
0x92: {  	v10 =	vand.u32 $0x1F80, v7;
	v13 =	vand.u32 $0x1F80, v9;
	v12 =	vand.u32 $0x7F, v9;
	[tilespmem:v19+s15+$0x0] =	vst.idx.add.s32.msk $0xffff, v2  }
0x93: {  	v15 =	vor.u32 v1, v4;
	v9 =	vld [tilespmem:s22+$0x4010];
	v14 =	vor.u32 v1, v13;
	v13 =	vand.u32 $0x7FFFFFFF, v17  }
0x94: {  	s24 =	sadd.s32 $0x8, s24;
	s25 =	sadd.s32 $0x400, s25;
	v4 =	vand.u32 $0x7FFFFFFF, v16;
	v16 =	vshrl.u32 v13, $0x13;
	[tilespmem:v18+s15+$0x0] =	vst.idx.add.s32.msk $0xffff, v2;
	v13 =	vand.u32 $0x1F80, v5  }
0x95: {  	v12 =	vor.u32 v12, v14;
	v53 =	vand.u32 $0x1F80, v16;
	v11 =	vor.u32 v11, v15  }
0x96: {  	v54 =	vand.u32 $0x7F, v16;
	v5 =	vand.u32 $0x7F, v5;
	v8 =	vshrl.u32 v8, $0x13  }
0x97: {  	v13 =	vor.u32 v1, v13;
	v7 =	vand.u32 $0x7F, v7;
	v10 =	vor.u32 v1, v10  }
0x98: {  	v3 =	vand.u32 $0x7FFFFFFF, v3;
	v4 =	vshrl.u32 v4, $0x13;
	v14 =	vor.u32 v1, v53  }
0x99: {  	v17 =	vld [tilespmem:s22+$0x4000];
	v55 =	vand.u32 $0x1F80, v8;
	v8 =	vand.u32 $0x7F, v8;
	v7 =	vor.u32 v7, v10  }
0x9a: {  	v5 =	vor.u32 v5, v13;
	v3 =	vshrl.u32 v3, $0x13;
	v61 =	vand.u32 $0x7F, v4  }
0x9b: {  	v4 =	vand.u32 $0x1F80, v4;
	v14 =	vor.u32 v54, v14;
	v15 =	vor.u32 v1, v55  }
0x9c: {  	v4 =	vor.u32 v1, v4;
	v62 =	vand.u32 $0x1F80, v3;
	v3 =	vand.u32 $0x7F, v3  }
0x9d: {  	[tilespmem:v6+s15+$0x0] =	vst.idx.add.s32.msk $0xffff, v2;
	v9 =	vand.u32 $0x7FFFFFFF, v9;
	v8 =	vor.u32 v8, v15;
	v4 =	vor.u32 v61, v4  }
0x9e: {  	v63 =	vor.u32 v1, v62;
	v9 =	vshrl.u32 v9, $0x13;
	v56 =	vand.u32 $0x7FFFFFFF, v17;
	[tilespmem:v11+s15+$0x0] =	vst.idx.add.s32.msk $0xffff, v2  }
0x9f: {  	v3 =	vor.u32 v3, v63;
	v58 =	vand.u32 $0x1F80, v9;
	[tilespmem:v12+s15+$0x0] =	vst.idx.add.s32.msk $0xffff, v2;
	v10 =	vshrl.u32 v56, $0x13  }
0xa0: {  	v9 =	vand.u32 $0x7F, v9;
	v60 =	vor.u32 v1, v58;
	[tilespmem:v5+s15+$0x0] =	vst.idx.add.s32.msk $0xffff, v2;
	v57 =	vand.u32 $0x1F80, v10  }
0xa1: {  	[tilespmem:v7+s15+$0x0] =	vst.idx.add.s32.msk $0xffff, v2;
	v10 =	vand.u32 $0x7F, v10;
	v9 =	vor.u32 v9, v60;
	v59 =	vor.u32 v1, v57  }
0xa2: {  	[tilespmem:v14+s15+$0x0] =	vst.idx.add.s32.msk $0xffff, v2;
	v6 =	vor.u32 v10, v59  }
.Ltmp3:
0xa3: {  	[tilespmem:v8+s15+$0x0] =	vst.idx.add.s32.msk $0xffff, v2;
	(pc) =	sbr.rel @p0 .LBB2_9-.Ltmp3, $4  }
0xa4: {  	[tilespmem:v4+s15+$0x0] =	vst.idx.add.s32.msk $0xffff, v2  }
0xa5: {  	[tilespmem:v3+s15+$0x0] =	vst.idx.add.s32.msk $0xffff, v2  }
0xa6: {  	[tilespmem:v9+s15+$0x0] =	vst.idx.add.s32.msk $0xffff, v2  }
0xa7: {  	[tilespmem:v6+s15+$0x0] =	vst.idx.add.s32.msk $0xffff, v2  }
.Ltmp4:
0xa8: {  	(pc) =	sbr.rel .LBB2_4-.Ltmp4, $4  }
0xa9: {  	_ = 	snop  }
0xaa: {  	s21 =	sshll.u32 s21, $0x8  }
0xab: {  	s20 =	sadd.s32 $0x1, s20;
	s21 =	sadd.s32 s21, s8  }
0xac: {  	[tilespmem:s13], [sflag:$0x2] =	stream.linear.gather [hbm4b:s21+s2], $0x4000, $0x38;
	[tilespmem:$0x19080] =	vst v63  }
.LBB2_9:
0xad: {  	s20 =	simm.s32 $0x8000;
	s21 =	simm.s32 $0x0  }
0xae: {  	v3 =	vld [tilespmem:s20+$0x0];
	s21 =	sand.u32 $0xFF0, s21  }
0xaf: {  	v4 =	vld [tilespmem:s21+$0x9000]  }
0xb0: {  	v5 =	vld [tilespmem:s21+$0xA000]  }
0xb1: {  	v6 =	vld [tilespmem:s21+$0xB000]  }
0xb2: {  	v7 =	vld [tilespmem:s21+$0xC000]  }
0xb3: {  	v8 =	vld [tilespmem:s21+$0xD000]  }
0xb4: {  	v9 =	vld [tilespmem:s21+$0xE000]  }
0xb5: {  	v10 =	vld [tilespmem:s21+$0xF000]  }
0xb6: {  	v11 =	vld [tilespmem:s21+$0x10000]  }
0xb7: {  	v12 =	vld [tilespmem:s21+$0x11000]  }
0xb8: {  	v13 =	vld [tilespmem:s21+$0x12000]  }
0xb9: {  	v14 =	vld [tilespmem:s21+$0x13000]  }
0xba: {  	v15 =	vld [tilespmem:s21+$0x14000]  }
0xbb: {  	v16 =	vld [tilespmem:s21+$0x15000]  }
0xbc: {  	v17 =	vld [tilespmem:s21+$0x16000]  }
0xbd: {  	s20 =	simm.s32 $0x10;
	v18 =	vld [tilespmem:s21+$0x17000];
	s21 =	simm.s32 $0x8010;
	v3 =	vadd.s32 v3, v4  }
0xbe: {  	s22 =	sand.u32 $0xFF0, s20;
	v4 =	vld [tilespmem:s21+$0x0];
	v3 =	vadd.s32 v5, v3  }
0xbf: {  	v5 =	vld [tilespmem:s22+$0x9000];
	v3 =	vadd.s32 v6, v3  }
0xc0: {  	v6 =	vld [tilespmem:s22+$0xA000];
	v3 =	vadd.s32 v7, v3  }
0xc1: {  	v7 =	vld [tilespmem:s22+$0xB000];
	v3 =	vadd.s32 v8, v3  }
0xc2: {  	v8 =	vld [tilespmem:s22+$0xC000];
	v3 =	vadd.s32 v9, v3  }
0xc3: {  	v9 =	vld [tilespmem:s22+$0xD000];
	v3 =	vadd.s32 v10, v3  }
0xc4: {  	v4 =	vadd.s32 v4, v5;
	v10 =	vld [tilespmem:s22+$0xE000];
	v3 =	vadd.s32 v11, v3  }
0xc5: {  	v4 =	vadd.s32 v6, v4;
	v6 =	vld [tilespmem:s22+$0xF000];
	v3 =	vadd.s32 v12, v3  }
0xc6: {  	v4 =	vadd.s32 v7, v4;
	v7 =	vld [tilespmem:s22+$0x10000];
	v3 =	vadd.s32 v13, v3  }
0xc7: {  	v4 =	vadd.s32 v8, v4;
	v8 =	vld [tilespmem:s22+$0x11000];
	v3 =	vadd.s32 v14, v3  }
0xc8: {  	v5 =	vld [tilespmem:s22+$0x12000];
	v4 =	vadd.s32 v9, v4;
	v3 =	vadd.s32 v15, v3  }
0xc9: {  	v4 =	vadd.s32 v10, v4;
	v9 =	vadd.s32 v16, v3;
	v3 =	vld [tilespmem:s22+$0x13000]  }
0xca: {  	v6 =	vadd.s32 v6, v4;
	v4 =	vld [tilespmem:s22+$0x14000];
	v9 =	vadd.s32 v17, v9  }
0xcb: {  	s19 =	simm.s32 $0x18000;
	v7 =	vadd.s32 v7, v6;
	v6 =	vld [tilespmem:s22+$0x15000];
	v9 =	vadd.s32 v18, v9  }
0xcc: {  	v8 =	vadd.s32 v8, v7;
	v7 =	vld [tilespmem:s22+$0x16000];
	[tilespmem:s19+$0x0] =	vst v9  }
.LBB2_10:
0xcd: {  	s20 =	sadd.s32 $0x10, s20;
	v5 =	vadd.s32 v5, v8;
	v8 =	vld [tilespmem:s22+$0x17000];
	s21 =	sadd.s32 $0x10, s21  }
0xce: {  	v9 =	vld [tilespmem:s21+$0x0];
	s22 =	sand.u32 $0xFF0, s20;
	p0 =	slt.u32 s20, $0xFF0;
	v3 =	vadd.s32 v3, v5  }
0xcf: {  	v5 =	vld [tilespmem:s22+$0x9000];
	v3 =	vadd.s32 v4, v3  }
0xd0: {  	v4 =	vld [tilespmem:s22+$0xA000];
	v3 =	vadd.s32 v6, v3  }
0xd1: {  	v6 =	vld [tilespmem:s22+$0xB000];
	v3 =	vadd.s32 v7, v3  }
0xd2: {  	s19 =	sadd.s32 $0x10, s19;
	v7 =	vld [tilespmem:s22+$0xC000];
	v3 =	vadd.s32 v8, v3  }
0xd3: {  	v8 =	vld [tilespmem:s22+$0xD000];
	[tilespmem:s19+$0x0] =	vst v3  }
0xd4: {  	v3 =	vadd.s32 v9, v5;
	v9 =	vld [tilespmem:s22+$0xE000]  }
0xd5: {  	v3 =	vadd.s32 v4, v3;
	v4 =	vld [tilespmem:s22+$0xF000]  }
0xd6: {  	v3 =	vadd.s32 v6, v3;
	v6 =	vld [tilespmem:s22+$0x10000]  }
0xd7: {  	v3 =	vadd.s32 v7, v3;
	v7 =	vld [tilespmem:s22+$0x11000]  }
.Ltmp5:
0xd8: {  	v3 =	vadd.s32 v8, v3;
	v5 =	vld [tilespmem:s22+$0x12000];
	(pc) =	sbr.rel @p0 .LBB2_10-.Ltmp5, $4  }
0xd9: {  	v8 =	vadd.s32 v9, v3;
	v3 =	vld [tilespmem:s22+$0x13000]  }
0xda: {  	v8 =	vadd.s32 v4, v8;
	v4 =	vld [tilespmem:s22+$0x14000]  }
0xdb: {  	v8 =	vadd.s32 v6, v8;
	v6 =	vld [tilespmem:s22+$0x15000]  }
0xdc: {  	v8 =	vadd.s32 v7, v8;
	v7 =	vld [tilespmem:s22+$0x16000]  }
0xdd: {  	v5 =	vadd.s32 v5, v8;
	v63 =	vld [tilespmem:s22+$0x17000]  }
0xde: {  	v3 =	vadd.s32 v3, v5  }
0xdf: {  	v3 =	vadd.s32 v4, v3  }
0xe0: {  	v3 =	vadd.s32 v6, v3  }
0xe1: {  	s18 =	sadd.s32 $0x1, s18;
	v3 =	vadd.s32 v7, v3  }
0xe2: {  	s19 =	sadd.s32 $0x10, s19;
	p0 =	sne.s32 s18, s10;
	v3 =	vadd.s32 v63, v3  }
.Ltmp6:
0xe3: {  	[tilespmem:s19+$0x0] =	vst v3;
	(pc) =	sbr.rel @p0 .LBB2_1-.Ltmp6, $4  }
0xe4: {  	[hbm4b:s9+s2] =	stream.linear.scatter [tilespmem:s17], [sflag:$0x3], $0x1000, $0x38;
	[tilespmem:$0x19080] =	vst v63  }
0xe5: {  	_ =	swait.ge [sflag:s12], $0x1000  }
0xe6: {  	[sflag:s12] =	ssyncset.done $0x0  }
0xe7: {  	[sflag:s12] =	ssyncadd.s32 $0xFFFFF000  }
0xe8: {  	_ =	sfence.sel $0x180000  }
0xe9: {  	[bflag:$0x0] =	sbarrier.arrive $0xFFFF  }
0xea: {  	p0 =	sne.s32 s1, $0x0;
	_ =	strace $0x90000047  }
0xeb: {  	s0 =	sadd.s32 @!p0 $0x100000, s0;
	[bflag:$0x2] =	sbarrier.arrive $0xFFFF  }
0xec: {  	[sflag:s0] =	ssyncadd.tile.s32 @!p0 $0x1;
	_ =	shalt  }
.Lfunc_end2:
_tile_overlayer_lowered:
.L_overlay_start_2:
0xed: {  	(tag) =	ssettag $0x2  }
0xee: {  	s0 =	rddreg [dreg:$0x0];
	s2 =	stileid.u32  }
0xef: {  	s1 =	rddreg [dreg:$0x1];
	p0 =	sne.s32 s2, $0x0  }
0xf0: {  	s3 =	rddreg [dreg:$0x2];
	[bflag:$0x3] =	sbarrier.arrive $0xFFFF;
	s2 =	simm.s32 @!p0 $0x1C03  }
0xf1: {  	[timem:s3], [sflag:s2] =	dma.local @!p0 [hbm:s0], s1  }
0xf2: {  	s0 =	simm.s32 @!p0 $0x3  }
0xf3: {  	_ =	swait.ge @!p0 [sflag:s0], s1  }
0xf4: {  	s1 =	ssub.s32 @!p0 $0x0, s1;
	[sflag:s0] =	ssyncset.done @!p0 $0x0  }
0xf5: {  	[sflag:s0] =	ssyncadd.s32 @!p0 s1  }
0xf6: {  	[bflag:$0x3] =	sbarrier.arrive $0xFFFF  }
0xf7: {  	_ =	shalt  }

// kernel: branch_1_fun.7.cloned.1.call-start
scs
__scs_entry_jumppad:
0x0: {  	(pc) =	sbr.rel $0x88, $3  }
0x1: {  	(tag) =	ssettag $0x0;
	lr =	simm.s32 $0x1  }
0x2: {  	[smem:$0x3FA0] =	sst lr;
	_ =	strace $0xD0000000  }
0x3: {  	_ = 	snop  }
0x4: {  	_ = 	snop  }
0x5: {  	_ = 	snop  }
0x6: {  	_ = 	snop  }
0x7: {  	_ = 	snop  }
__scs_overlays_trampoline_lowered:
0x8: {  	[smem:$0x3FAF] =	sst s0  }
0x9: {  	[smem:$0x3FB0] =	sst s1  }
0xa: {  	[smem:$0x3FB1] =	sst s2  }
0xb: {  	[smem:$0x3FB2] =	sst s3  }
0xc: {  	[smem:$0x3FB3] =	sst s4  }
0xd: {  	[smem:$0x3FB4] =	sst s5  }
0xe: {  	[smem:$0x3FB5] =	sst s6  }
0xf: {  	[smem:$0x3FB6] =	sst s7  }
0x10: {  	[smem:$0x3FB7] =	sst s8  }
0x11: {  	[smem:$0x3FB8] =	sst s9;
	s0 =	simm.s32 @!p0 $0x0  }
0x12: {  	s1 =	sld [smem:$0x3F9E];
	s0 =	simm.s32 @p0 $0x1  }
0x13: {  	[smem:$0x3FB9] =	sst s0;
	s0 =	simm.s32 @!p1 $0x0  }
0x14: {  	s2 =	sld [smem:$0x3F9D];
	s0 =	simm.s32 @p1 $0x1  }
0x15: {  	[smem:$0x3FBA] =	sst s0;
	s0 =	simm.s32 @!p2 $0x0  }
0x16: {  	s3 =	sld [smem:$0x3FDB];
	s0 =	simm.s32 @p2 $0x1  }
0x17: {  	s4 =	simm.s32 $0x1BF5;
	[smem:$0x3FBC] =	sst s0  }
0x18: {  	s0 =	sld [smem:$0x3F9F];
	_ =	swait.ge [sflag:s4], $0x0  }
0x19: {  	s7 =	sld [smem:$0x3FA0]  }
0x1a: {  	s8 =	sadd.s32 $0xFFFFE003, lr  }
0x1b: {  	s9 =	sadd.s32 $0xFFFFFEF7, lr;
	s5 =	simm.s32 $0xFFFFFFFF;
	p2 =	slt.u32 s8, $0xFFFFF086  }
0x1c: {  	p1 =	slt.u32 s9, $0xF7A;
	s5 =	simm.s32 @!p2 $0x0  }
0x1d: {  	s5 =	simm.s32 @p1 $0x1;
	p0 =	seq.s32 s7, s2  }
0x1e: {  	s7 =	smul.u32 @!p0 $0xF7A, s2;
	p2 =	seq.s32 @!p0 s5, $0x0  }
0x1f: {  	s9 =	smul.u32 $0xF7A, s1;
	s8 =	simm.s32 @!p0 $0x1BF5;
	p2 =	por !p2, p0  }
0x20: {  	[sflag:s8] =	ssyncset.s32 @!p0 $0xFFFFF086;
	s6 =	sadd.s32 @!p0 s3, s7;
	s7 =	simm.s32 @!p0 $0x108  }
0x21: {  	s3 =	sadd.s32 s3, s9;
	s6 =	sadd.s32 @!p0 $0x88, s6;
	s7 =	simm.s32 @p2 $0x1082  }
0x22: {  	[simem:s7], [sflag:s8] =	dma.local @!p0 [hbm:s6], $0xF7A  }
0x23: {  	s9 =	sor.u32 $0xD0000000, s2;
	s6 =	simm.s32 $0x108;
	_ =	swait.ge @!p0 [sflag:s8], $0x0  }
0x24: {  	s3 =	sadd.s32 $0x88, s3;
	s6 =	simm.s32 @!p1 $0x1082;
	[sflag:s4] =	ssyncset.s32 $0xFFFFF086  }
0x25: {  	[simem:s6], [sflag:s4] =	dma.local [hbm:s3], $0xF7A  }
0x26: {  	[smem:$0x3FA0] =	sst s1;
	(tag) =	ssettag s2;
	_ =	strace s9  }
0x27: {  	s1 =	sld [smem:$0x3FB0]  }
0x28: {  	s2 =	sld [smem:$0x3FB1]  }
0x29: {  	s4 =	sld [smem:$0x3FB3]  }
0x2a: {  	p0 =	seq.s32 s5, $0x0;
	s5 =	sld [smem:$0x3FB4]  }
0x2b: {  	s6 =	sld [smem:$0x3FB5]  }
0x2c: {  	s7 =	sld [smem:$0x3FB6]  }
0x2d: {  	s3 =	simm.s32 $0x108;
	s8 =	sld [smem:$0x3FB7]  }
0x2e: {  	s3 =	simm.s32 @!p0 $0x1082;
	s9 =	sld [smem:$0x3FB8]  }
0x2f: {  	lr =	sadd.s32 s0, s3;
	s0 =	sld [smem:$0x3FAF]  }
0x30: {  	s3 =	sld [smem:$0x3FB2]  }
0x31: {  	[smem:$0x3FBB] =	sst s10  }
0x32: {  	s10 =	sld [smem:$0x3FB9];
	_ =	sdelay $0x3  }
0x33: {  	p0 =	seq.s32 s10, $0x1;
	s10 =	sld [smem:$0x3FBB];
	_ =	sdelay $0x3  }
0x34: {  	[smem:$0x3FBB] =	sst s10  }
0x35: {  	s10 =	sld [smem:$0x3FBA];
	_ =	sdelay $0x3  }
0x36: {  	p1 =	seq.s32 s10, $0x1;
	s10 =	sld [smem:$0x3FBB];
	_ =	sdelay $0x3  }
0x37: {  	[smem:$0x3FBB] =	sst s10  }
0x38: {  	s10 =	sld [smem:$0x3FBC]  }
0x39: {  	_ = 	snop;
	(pc) =	sbr.ind lr, $3  }
0x3a: {  	_ = 	snop  }
0x3b: {  	_ = 	snop  }
0x3c: {  	p2 =	seq.s32 s10, $0x1;
	s10 =	sld [smem:$0x3FBB]  }
0x3d: {  	_ =	shalt  }
0x3e: {  	_ =	shalt  }
0x3f: {  	_ =	shalt  }
0x40: {  	_ =	shalt  }
0x41: {  	_ =	shalt  }
0x42: {  	_ =	shalt  }
0x43: {  	_ =	shalt  }
0x44: {  	_ =	shalt  }
0x45: {  	_ =	shalt  }
0x46: {  	_ =	shalt  }
0x47: {  	_ =	shalt  }
0x48: {  	_ =	shalt  }
0x49: {  	_ =	shalt  }
0x4a: {  	_ =	shalt  }
0x4b: {  	_ =	shalt  }
0x4c: {  	_ =	shalt  }
0x4d: {  	_ =	shalt  }
0x4e: {  	_ =	shalt  }
0x4f: {  	_ =	shalt  }
0x50: {  	_ =	shalt  }
0x51: {  	_ =	shalt  }
0x52: {  	_ =	shalt  }
0x53: {  	_ =	shalt  }
0x54: {  	_ =	shalt  }
0x55: {  	_ =	shalt  }
0x56: {  	_ =	shalt  }
0x57: {  	_ =	shalt  }
0x58: {  	_ =	shalt  }
0x59: {  	_ =	shalt  }
0x5a: {  	_ =	shalt  }
0x5b: {  	_ =	shalt  }
0x5c: {  	_ =	shalt  }
0x5d: {  	_ =	shalt  }
0x5e: {  	_ =	shalt  }
0x5f: {  	_ =	shalt  }
0x60: {  	_ =	shalt  }
0x61: {  	_ =	shalt  }
0x62: {  	_ =	shalt  }
0x63: {  	_ =	shalt  }
0x64: {  	_ =	shalt  }
0x65: {  	_ =	shalt  }
0x66: {  	_ =	shalt  }
0x67: {  	_ =	shalt  }
0x68: {  	_ =	shalt  }
0x69: {  	_ =	shalt  }
0x6a: {  	_ =	shalt  }
0x6b: {  	_ =	shalt  }
0x6c: {  	_ =	shalt  }
0x6d: {  	_ =	shalt  }
0x6e: {  	_ =	shalt  }
0x6f: {  	_ =	shalt  }
0x70: {  	_ =	shalt  }
0x71: {  	_ =	shalt  }
0x72: {  	_ =	shalt  }
0x73: {  	_ =	shalt  }
0x74: {  	_ =	shalt  }
0x75: {  	_ =	shalt  }
0x76: {  	_ =	shalt  }
0x77: {  	_ =	shalt  }
0x78: {  	_ =	shalt  }
0x79: {  	_ =	shalt  }
0x7a: {  	_ =	shalt  }
0x7b: {  	_ =	shalt  }
0x7c: {  	_ =	shalt  }
0x7d: {  	_ =	shalt  }
0x7e: {  	_ =	shalt  }
0x7f: {  	_ =	shalt  }
0x80: {  	_ =	shalt  }
0x81: {  	_ =	shalt  }
0x82: {  	_ =	shalt  }
0x83: {  	_ =	shalt  }
0x84: {  	_ =	shalt  }
0x85: {  	_ =	shalt  }
0x86: {  	_ =	shalt  }
0x87: {  	_ =	shalt  }
.Lfunc_end0:
.L_simem_size_0:
called_computation.1_lowered:
.L_overlay_start_0:
0x88: {  	s2 =	sld [smem:$0x3FD9]  }
0x89: {  	s3 =	sld [smem:$0x3FFE];
	_ =	sdelay $0x1  }
0x8a: {  	s1 =	srdreg.scid  }
0x8b: {  	s0 =	sand.u32 $0x1, s1  }
0x8c: {  	s17 =	sshll.u32 s0, $0xA;
	s2 =	sadd.s32 s3, s2  }
0x8d: {  	s2 =	sadd.s32 s2, s17  }
0x8e: {  	[smem:$0x3FC7] =	sst s2  }
0x8f: {  	_ = 	snop  }
0x90: {  	s2 =	sld [smem:$0x3FC9]  }
0x91: {  	s18 =	sld [smem:$0x3FD0];
	(tm) =	ssettm $0x1  }
0x92: {  	s4 =	sld [smem:$0x3FFB];
	_ =	sdelay $0x3  }
0x93: {  	_ =	strace s4  }
0x94: {  	s4 =	sld [smem:$0x3FFC];
	_ =	sdelay $0x3  }
0x95: {  	_ =	strace s4  }
0x96: {  	s4 =	sld [smem:$0x3FFD];
	_ =	sdelay $0x3  }
0x97: {  	_ =	strace s4  }
0x98: {  	_ =	strace $0x8FFFFFFF  }
0x99: {  	s19 =	sld [smem:$0x3FDB];
	_ =	sdelay $0x1  }
0x9a: {  	s5 =	simm.s32 $_scs_section_size  }
0x9b: {  	s6 =	simm.s32 $_size__tile_overlayer_lowered;
	s7 =	simm.s32 $_tile_overlayer_lowered  }
0x9c: {  	s22 =	simm.s32 $0x1BFF;
	s21 =	sshll.u32 s7, $0x1;
	s4 =	sadd.s32 s5, s19  }
0x9d: {  	s8 =	simm.s32 $0x0;
	s20 =	sshll.u32 s6, $0x1;
	s6 =	sadd.s32 s21, s4  }
0x9e: {  	[timem:s8], [sflag:s22] =	dma.local [hbm:s6], s20  }
0x9f: {  	_ =	swait.ge [sflag:s22], s20  }
0xa0: {  	s5 =	ssub.s32 $0x0, s20;
	[sflag:s22] =	ssyncset.done $0x0  }
0xa1: {  	[sflag:s22] =	ssyncadd.s32 s5;
	_ =	sdelay $0x1  }
0xa2: {  	s23 =	simm.s32 $0x1B8B  }
0xa3: {  	_ =	swait.ge [sflag:s23], $0x1  }
0xa4: {  	[sflag:s23] =	ssyncset.done $0x0  }
0xa5: {  	s25 =	simm.s32 $0x1B8E;
	s24 =	sld [smem:$0x3FFE];
	[sflag:s23] =	ssyncadd.s32 $0xFFFFFFFF  }
0xa6: {  	s26 =	simm.s32 $execute0_lowered;
	[smem:$0x3FD2] =	sst s25  }
0xa7: {  	s6 =	sshll.u32 s26, $0x1;
	_ =	strace $0x80000049;
	[dreg:$0x1] =	wrdreg $0xFFFFFFFF  }
0xa8: {  	s28 =	simm.s32 $_size_execute0_lowered;
	s4 =	sadd.s32 s4, s6;
	[dreg:$0x0] =	wrdreg $0x0  }
0xa9: {  	s6 =	sshll.u32 s28, $0x1;
	[dreg:$0x2] =	wrdreg s4  }
0xaa: {  	[dreg:$0x3] =	wrdreg s6  }
0xab: {  	[dreg:$0x4] =	wrdreg $0xC0  }
0xac: {  	_ =	task [dreg:s8], $0x5FFFF  }
0xad: {  	[dreg:$0x1] =	wrdreg $0xFFFFFFFF  }
0xae: {  	[dreg:$0x0] =	wrdreg $0x60  }
0xaf: {  	[dreg:$0x2] =	wrdreg s2  }
0xb0: {  	[dreg:$0x3] =	wrdreg s24  }
0xb1: {  	[dreg:$0x4] =	wrdreg s18  }
0xb2: {  	[dreg:$0x5] =	wrdreg $0x9  }
0xb3: {  	_ =	task.clear_ibuf [dreg:s8], $0x6FFFF;
	_ =	strace $0x90000049  }
0xb4: {  	s29 =	simm.s32 $0x9;
	_ =	strace $0x8000004B  }
0xb5: {  	_ =	swait.ge [sflag:s29], $0x1  }
0xb6: {  	[sflag:s29] =	ssyncadd.s32 $0xFFFFFFFF  }
0xb7: {  	_ =	strace $0x9000004B  }
0xb8: {  	_ =	sfence  }
0xb9: {  	s30 =	sld [smem:$0x0];
	_ =	sdelay $0x2  }
0xba: {  	s31 =	sshll.u32 s1, $0xD;
	s1 =	sshrl.u32 s1, $0x2  }
0xbb: {  	s3 =	sand.u32 $0x4000, s31;
	s1 =	sadd.s32 s1, s30  }
0xbc: {  	s0 =	sor.u32 s3, s0;
	s1 =	sshll.u32 s1, $0x11  }
0xbd: {  	s0 =	sor.u32 s1, s0  }
0xbe: {  	s0 =	sadd.s32 $0x8F2B, s0  }
0xbf: {  	[sflag:s0] =	ssyncadd.remote.s32 $0x1  }
0xc0: {  	_ =	sfence.sel $0xFFFF  }
0xc1: {  	[dreg:$0x0] =	wrdreg $0xFFFFFFFF;
	(pc) =	sbr.abs _section_cstart, $3  }
0xc2: {  	[dreg:$0x1] =	wrdreg $0xFFFFFFFF  }
0xc3: {  	_ =	task.clear_ibuf [dreg:s8], $0x2FFFF;
	_ =	strace $0x9FFFFFFF  }
0xc4: {  	(tm) =	ssettm $0x7FFFFFFF  }
0xc5: {  	_ =	shalt  }
tec
execute0_lowered:
.L_overlay_start_1:
0x0: {  	(tag) =	ssettag $0x1  }
0x1: {  	s8 =	rddreg [dreg:$0x0]  }
0x2: {  	s3 =	rddreg [dreg:$0x1]  }
0x3: {  	s9 =	rddreg [dreg:$0x2]  }
0x4: {  	s0 =	rddreg [dreg:$0x3];
	s4 =	srdreg.scid  }
0x5: {  	s1 =	stileid.u32;
	s2 =	simm.s32 $0x0;
	s11 =	simm.s32 $0x19000  }
0x6: {  	s12 =	simm.s32 $0x3;
	s13 =	simm.s32 $0x4000;
	s14 =	simm.s32 $0x1  }
0x7: {  	s15 =	simm.s32 $0x8000;
	s16 =	simm.s32 $0x2;
	s17 =	simm.s32 $0x18000  }
0x8: {  	s18 =	simm.s32 $0x0;
	s4 =	sand.u32 $0x1, s4;
	s5 =	sshll.u32 s1, $0x1  }
0x9: {  	[smem:$0x7FF] =	sst s2;
	s3 =	sadd.s32 $0xA00, s3;
	s5 =	sor.u32 s4, s5  }
0xa: {  	_ =	strace $0x8000004A;
	s6 =	ssub.s32 $0x2, s4;
	s31 =	sshll.u32 s5, $0x11  }
0xb: {  	s7 =	sshrl.u32 s6, $0x1;
	s5 =	sshll.u32 s5, $0x9;
	s4 =	sadd.s32 s8, s31  }
0xc: {  	v1 =	vlaneseq.u32;
	s10 =	ssub.s32 s6, s7;
	s7 =	sadd.s32 $0x1000, s8;
	s8 =	sadd.s32 $0x1800, s8  }
0xd: {  	v0 =	vimm.s32 $0x0;
	v2 =	vimm.s32 $0x1;
	v1 =	vmul.u32 $0x1000, v1;
	s9 =	sadd.s32 s9, s5;
	s6 =	sadd.s32 $0x800, s4;
	s10 =	smax.u32 s10, $0x1  }
.LBB2_1:
0xe: {  	s19 =	simm.s32 $0x8040  }
0xf: {  	[tilespmem:s19+$0xFFFFFFC0] =	vst v0  }
0x10: {  	[tilespmem:s19+$0x30] =	vst v0  }
0x11: {  	[tilespmem:s19+$0x20] =	vst v0  }
0x12: {  	[tilespmem:s19+$0x10] =	vst v0  }
0x13: {  	[tilespmem:s19+$0x0] =	vst v0  }
0x14: {  	[tilespmem:s19+$0xFFFFFFF0] =	vst v0  }
0x15: {  	s20 =	simm.s32 $0x0;
	[tilespmem:s19+$0xFFFFFFE0] =	vst v0  }
.LBB2_2:
0x16: {  	s20 =	sadd.s32 $0x80, s20;
	[tilespmem:s19+$0xFFFFFFD0] =	vst v0;
	s19 =	sadd.s32 $0x80, s19  }
0x17: {  	[tilespmem:s19+$0xFFFFFFC0] =	vst v0;
	p0 =	slt.u32 s20, $0xFF80  }
0x18: {  	[tilespmem:s19+$0x30] =	vst v0  }
.Ltmp0:
0x19: {  	[tilespmem:s19+$0x20] =	vst v0;
	(pc) =	sbr.rel @p0 .LBB2_2-.Ltmp0, $4  }
0x1a: {  	[tilespmem:s19+$0x10] =	vst v0  }
0x1b: {  	[tilespmem:s19+$0x0] =	vst v0  }
0x1c: {  	[tilespmem:s19+$0xFFFFFFF0] =	vst v0  }
0x1d: {  	[tilespmem:s19+$0xFFFFFFE0] =	vst v0  }
0x1e: {  	[tilespmem:s19+$0xFFFFFFD0] =	vst v0;
	s19 =	simm.s32 $0x0  }
0x1f: {  	[tilespmem:s11], [sflag:$0x3] =	stream.linear.gather [hbm4b:s3+s19], $0x80, $0x38;
	[tilespmem:$0x19080] =	vst v63  }
0x20: {  	_ =	swait.ge [sflag:s12], $0x80  }
0x21: {  	[sflag:s12] =	ssyncset.done $0x0  }
0x22: {  	[sflag:s12] =	ssyncadd.s32 $0xFFFFFF80  }
0x23: {  	v3 =	vld [tilespmem:$0x19000];
	[tilespmem:s19], [sflag:$0x1] =	stream.linear.gather [hbm4b:s4+s19], $0x4000, $0x38  }
0x24: {  	s20 =	simm.s32 $0x0  }
0x25: {  	[tilespmem:s13], [sflag:$0x2] =	stream.linear.gather [hbm4b:s6+s19], $0x4000, $0x38;
	[tilespmem:$0x19080] =	vst v63  }
.LBB2_4:
0x26: {  	_ =	swait.ge [sflag:s14], $0x4000  }
0x27: {  	s21 =	sand.u32 $0x3C00, s19;
	s22 =	sand.u32 $0x380, s19;
	[sflag:s14] =	ssyncset.done $0x0  }
0x28: {  	s21 =	sor.u32 s22, s21;
	[sflag:s14] =	ssyncadd.s32 $0xFFFFC000  }
0x29: {  	v4 =	vld [tilespmem:s21+$0x70]  }
0x2a: {  	v5 =	vld [tilespmem:s21+$0x0]  }
0x2b: {  	v6 =	vld [tilespmem:s21+$0x10]  }
0x2c: {  	v7 =	vld [tilespmem:s21+$0x20]  }
0x2d: {  	v8 =	vld [tilespmem:s21+$0x30]  }
0x2e: {  	v9 =	vld [tilespmem:s21+$0x40]  }
0x2f: {  	v10 =	vld [tilespmem:s21+$0x50]  }
0x30: {  	v12 =	vld [tilespmem:s21+$0x60];
	_ =	sdelay $0x1  }
0x31: {  	v4 =	vand.u32 $0x7FFFFFFF, v4  }
0x32: {  	v5 =	vand.u32 $0x7FFFFFFF, v5;
	v6 =	vand.u32 $0x7FFFFFFF, v6;
	v7 =	vand.u32 $0x7FFFFFFF, v7  }
0x33: {  	v8 =	vand.u32 $0x7FFFFFFF, v8;
	v9 =	vand.u32 $0x7FFFFFFF, v9;
	v10 =	vand.u32 $0x7FFFFFFF, v10  }
0x34: {  	v12 =	vand.u32 $0x7FFFFFFF, v12;
	v11 =	vshrl.u32 v4, $0x7;
	v4 =	vshrl.u32 v4, $0x13  }
0x35: {  	v13 =	vshrl.u32 v6, $0x7;
	vm0 =	veq.s32 v4, v3;
	v4 =	vand.u32 $0xFFF, v11  }
0x36: {  	v14 =	vshrl.u32 v7, $0x7;
	v15 =	vshrl.u32 v8, $0x7;
	v4 =	vor.u32 v1, v4  }
0x37: {  	s30 =	simm.s32 $0x8;
	s31 =	simm.s32 $0x400;
	v16 =	vshrl.u32 v9, $0x7;
	v6 =	vshrl.u32 v6, $0x13;
	v17 =	vshrl.u32 v10, $0x7  }
0x38: {  	s22 =	sand.u32 $0x3C00, s31;
	s21 =	sand.u32 $0x380, s30;
	v7 =	vshrl.u32 v7, $0x13;
	v18 =	vshrl.u32 v12, $0x7;
	v8 =	vshrl.u32 v8, $0x13  }
0x39: {  	s21 =	sor.u32 s21, s22;
	v10 =	vshrl.u32 v10, $0x13;
	v12 =	vshrl.u32 v12, $0x13;
	v11 =	vshrl.u32 v5, $0x7  }
0x3a: {  	v19 =	vld [tilespmem:s21+$0x0];
	v5 =	vshrl.u32 v5, $0x13;
	v13 =	vand.u32 $0xFFF, v13;
	v14 =	vand.u32 $0xFFF, v14  }
0x3b: {  	v15 =	vand.u32 $0xFFF, v15;
	v17 =	vand.u32 $0xFFF, v17;
	v18 =	vand.u32 $0xFFF, v18;
	[tilespmem:v4+s15+$0x0] =	vst.idx.add.s32.msk vm0, v2  }
0x3c: {  	vm6 =	veq.s32 v6, v3;
	v4 =	vshrl.u32 v9, $0x13;
	v9 =	vand.u32 $0xFFF, v16;
	v16 =	vld [tilespmem:s21+$0x70]  }
0x3d: {  	v6 =	vld [tilespmem:s21+$0x10];
	vm4 =	veq.s32 v7, v3;
	vm3 =	veq.s32 v8, v3;
	vm1 =	veq.s32 v10, v3  }
0x3e: {  	v11 =	vand.u32 $0xFFF, v11;
	vm5 =	veq.s32 v5, v3;
	v7 =	vor.u32 v1, v14;
	v14 =	vld [tilespmem:s21+$0x20]  }
0x3f: {  	v13 =	vor.u32 v1, v13;
	v8 =	vor.u32 v1, v15;
	v15 =	vld [tilespmem:s21+$0x30];
	v11 =	vor.u32 v1, v11  }
0x40: {  	v21 =	vld [tilespmem:s21+$0x60];
	v5 =	vor.u32 v1, v17;
	vm0 =	veq.s32 v12, v3;
	v12 =	vand.u32 $0x7FFFFFFF, v19  }
0x41: {  	vm2 =	veq.s32 v4, v3;
	v20 =	vor.u32 v1, v9;
	v10 =	vand.u32 $0x7FFFFFFF, v16  }
0x42: {  	v9 =	vld [tilespmem:s21+$0x40];
	v4 =	vor.u32 v1, v18;
	v17 =	vshrl.u32 v10, $0x7;
	v10 =	vshrl.u32 v10, $0x13  }
0x43: {  	v18 =	vand.u32 $0x7FFFFFFF, v6;
	v16 =	vld [tilespmem:s21+$0x50];
	vm7 =	veq.s32 v10, v3;
	v6 =	vand.u32 $0xFFF, v17  }
0x44: {  	v22 =	vand.u32 $0x7FFFFFFF, v14;
	[tilespmem:v11+s15+$0x0] =	vst.idx.add.s32.msk vm5, v2;
	v11 =	vand.u32 $0x7FFFFFFF, v15;
	v23 =	vor.u32 v1, v6  }
0x45: {  	[tilespmem:v8+s15+$0x0] =	vst.idx.add.s32.msk vm3, v2;
	v8 =	vand.u32 $0x7FFFFFFF, v21;
	v24 =	vshrl.u32 v18, $0x7;
	v19 =	vshrl.u32 v11, $0x7  }
0x46: {  	[tilespmem:v13+s15+$0x0] =	vst.idx.add.s32.msk vm6, v2;
	v17 =	vshrl.u32 v12, $0x7;
	v10 =	vshrl.u32 v22, $0x7;
	v6 =	vshrl.u32 v12, $0x13  }
0x47: {  	[tilespmem:v7+s15+$0x0] =	vst.idx.add.s32.msk vm4, v2;
	v12 =	vand.u32 $0x7FFFFFFF, v9;
	v7 =	vand.u32 $0xFFF, v17;
	v9 =	vshrl.u32 v18, $0x13  }
0x48: {  	[tilespmem:v20+s15+$0x0] =	vst.idx.add.s32.msk vm2, v2;
	v17 =	vand.u32 $0xFFF, v24;
	v18 =	vshrl.u32 v22, $0x13;
	v14 =	vand.u32 $0x7FFFFFFF, v16  }
0x49: {  	s23 =	simm.s32 $0x800;
	s22 =	simm.s32 $0x10;
	s21 =	simm.s32 $0x80;
	v15 =	vshrl.u32 v12, $0x7;
	v16 =	vshrl.u32 v8, $0x7;
	v13 =	vshrl.u32 v14, $0x7;
	[tilespmem:v23+s15+$0x0] =	vst.idx.add.s32.msk vm7, v2  }
.LBB2_5:
0x4a: {  	s24 =	sand.u32 $0x3C00, s23;
	s25 =	sand.u32 $0x380, s22;
	s21 =	sadd.s32 $0x80, s21;
	v10 =	vand.u32 $0xFFF, v10;
	v11 =	vshrl.u32 v11, $0x13;
	v19 =	vand.u32 $0xFFF, v19;
	[tilespmem:v5+s15+$0x0] =	vst.idx.add.s32.msk vm1, v2  }
0x4b: {  	v5 =	vshrl.u32 v12, $0x13;
	v12 =	vand.u32 $0xFFF, v15;
	v14 =	vshrl.u32 v14, $0x13;
	s24 =	sor.u32 s25, s24;
	p0 =	slt.u32 s21, $0x3F80;
	[tilespmem:v4+s15+$0x0] =	vst.idx.add.s32.msk vm0, v2  }
0x4c: {  	v13 =	vand.u32 $0xFFF, v13;
	v8 =	vshrl.u32 v8, $0x13;
	v15 =	vand.u32 $0xFFF, v16;
	v4 =	vld [tilespmem:s24+$0x70]  }
0x4d: {  	vm6 =	veq.s32 v6, v3;
	v6 =	vor.u32 v1, v7;
	vm5 =	veq.s32 v9, v3;
	v16 =	vld [tilespmem:s24+$0x0]  }
0x4e: {  	v9 =	vor.u32 v1, v17;
	vm4 =	veq.s32 v18, v3;
	v17 =	vor.u32 v1, v10;
	v7 =	vld [tilespmem:s24+$0x10]  }
0x4f: {  	vm3 =	veq.s32 v11, v3;
	v18 =	vor.u32 v1, v19;
	vm2 =	veq.s32 v5, v3;
	v10 =	vld [tilespmem:s24+$0x20]  }
0x50: {  	v20 =	vor.u32 v1, v12;
	vm1 =	veq.s32 v14, v3;
	v5 =	vor.u32 v1, v13;
	v11 =	vld [tilespmem:s24+$0x30]  }
0x51: {  	vm0 =	veq.s32 v8, v3;
	v12 =	vld [tilespmem:s24+$0x40];
	v13 =	vand.u32 $0x7FFFFFFF, v4;
	v4 =	vor.u32 v1, v15  }
0x52: {  	v8 =	vand.u32 $0x7FFFFFFF, v16;
	v14 =	vld [tilespmem:s24+$0x50];
	v15 =	vshrl.u32 v13, $0x7;
	v13 =	vshrl.u32 v13, $0x13  }
0x53: {  	v16 =	vand.u32 $0x7FFFFFFF, v7;
	v21 =	vld [tilespmem:s24+$0x60];
	vm7 =	veq.s32 v13, v3;
	v7 =	vand.u32 $0xFFF, v15  }
0x54: {  	v13 =	vshrl.u32 v8, $0x7;
	v22 =	vand.u32 $0x7FFFFFFF, v10;
	v23 =	vor.u32 v1, v7;
	[tilespmem:v6+s15+$0x0] =	vst.idx.add.s32.msk vm6, v2  }
.Ltmp1:
0x55: {  	v24 =	vshrl.u32 v16, $0x7;
	v10 =	vshrl.u32 v22, $0x7;
	v11 =	vand.u32 $0x7FFFFFFF, v11;
	[tilespmem:v9+s15+$0x0] =	vst.idx.add.s32.msk vm5, v2;
	(pc) =	sbr.rel @p0 .LBB2_5-.Ltmp1, $4  }
0x56: {  	v6 =	vshrl.u32 v8, $0x13;
	v19 =	vshrl.u32 v11, $0x7;
	v12 =	vand.u32 $0x7FFFFFFF, v12;
	[tilespmem:v17+s15+$0x0] =	vst.idx.add.s32.msk vm4, v2  }
0x57: {  	v7 =	vand.u32 $0xFFF, v13;
	v15 =	vshrl.u32 v12, $0x7;
	v14 =	vand.u32 $0x7FFFFFFF, v14;
	[tilespmem:v18+s15+$0x0] =	vst.idx.add.s32.msk vm3, v2  }
0x58: {  	v9 =	vshrl.u32 v16, $0x13;
	v13 =	vshrl.u32 v14, $0x7;
	v8 =	vand.u32 $0x7FFFFFFF, v21;
	[tilespmem:v20+s15+$0x0] =	vst.idx.add.s32.msk vm2, v2  }
0x59: {  	s22 =	sadd.s32 $0x8, s22;
	s23 =	sadd.s32 $0x400, s23;
	v17 =	vand.u32 $0xFFF, v24;
	v18 =	vshrl.u32 v22, $0x13;
	v16 =	vshrl.u32 v8, $0x7;
	[tilespmem:v23+s15+$0x0] =	vst.idx.add.s32.msk vm7, v2  }
0x5a: {  	v10 =	vand.u32 $0xFFF, v10  }
0x5b: {  	v11 =	vshrl.u32 v11, $0x13;
	v19 =	vand.u32 $0xFFF, v19;
	vm2 =	veq.s32 v6, v3  }
0x5c: {  	v6 =	vshrl.u32 v12, $0x13;
	v7 =	vor.u32 v1, v7;
	vm3 =	veq.s32 v9, v3  }
0x5d: {  	v9 =	vand.u32 $0xFFF, v15;
	v12 =	vor.u32 v1, v17;
	vm4 =	veq.s32 v18, v3  }
0x5e: {  	v14 =	vshrl.u32 v14, $0x13;
	v10 =	vor.u32 v1, v10;
	vm5 =	veq.s32 v11, v3  }
0x5f: {  	[tilespmem:v5+s15+$0x0] =	vst.idx.add.s32.msk vm1, v2;
	v5 =	vand.u32 $0xFFF, v13;
	v11 =	vor.u32 v1, v19;
	vm1 =	veq.s32 v6, v3  }
0x60: {  	[tilespmem:v4+s15+$0x0] =	vst.idx.add.s32.msk vm0, v2;
	v4 =	vshrl.u32 v8, $0x13;
	v6 =	vor.u32 v1, v9;
	vm0 =	veq.s32 v14, v3  }
0x61: {  	v8 =	vand.u32 $0xFFF, v16;
	v5 =	vor.u32 v1, v5;
	vm6 =	veq.s32 v4, v3;
	[tilespmem:v7+s15+$0x0] =	vst.idx.add.s32.msk vm2, v2  }
0x62: {  	v4 =	vor.u32 v1, v8;
	[tilespmem:v12+s15+$0x0] =	vst.idx.add.s32.msk vm3, v2  }
0x63: {  	[tilespmem:v10+s15+$0x0] =	vst.idx.add.s32.msk vm4, v2  }
0x64: {  	s21 =	sshll.u32 s20, $0x4;
	[tilespmem:v11+s15+$0x0] =	vst.idx.add.s32.msk vm5, v2  }
0x65: {  	p0 =	seq.s32 s20, $0x1F;
	s21 =	sadd.s32 s5, s21;
	[tilespmem:v6+s15+$0x0] =	vst.idx.add.s32.msk vm1, v2  }
0x66: {  	s22 =	sshll.u32 @!p0 s21, $0x8;
	[tilespmem:v5+s15+$0x0] =	vst.idx.add.s32.msk vm0, v2  }
0x67: {  	s23 =	simm.s32 @!p0 $0x0;
	s22 =	sadd.s32 @!p0 s22, s7;
	[tilespmem:v4+s15+$0x0] =	vst.idx.add.s32.msk vm6, v2  }
0x68: {  	[tilespmem:s23], [sflag:$0x1] =	stream.linear.gather @!p0 [hbm4b:s22+s23], $0x4000, $0x38;
	[tilespmem:$0x19080] =	vst v63  }
0x69: {  	s28 =	simm.s32 $0x0;
	_ =	swait.ge [sflag:s16], $0x4000  }
0x6a: {  	s29 =	sand.u32 $0x3C00, s28;
	s22 =	sand.u32 $0x380, s28;
	[sflag:s16] =	ssyncset.done $0x0  }
0x6b: {  	s22 =	sor.u32 s22, s29;
	[sflag:s16] =	ssyncadd.s32 $0xFFFFC000  }
0x6c: {  	v4 =	vld [tilespmem:s22+$0x4070]  }
0x6d: {  	v5 =	vld [tilespmem:s22+$0x4000]  }
0x6e: {  	v6 =	vld [tilespmem:s22+$0x4010]  }
0x6f: {  	v7 =	vld [tilespmem:s22+$0x4020]  }
0x70: {  	v8 =	vld [tilespmem:s22+$0x4030]  }
0x71: {  	v9 =	vld [tilespmem:s22+$0x4040]  }
0x72: {  	v10 =	vld [tilespmem:s22+$0x4050]  }
0x73: {  	v12 =	vld [tilespmem:s22+$0x4060];
	_ =	sdelay $0x1  }
0x74: {  	v4 =	vand.u32 $0x7FFFFFFF, v4  }
0x75: {  	v5 =	vand.u32 $0x7FFFFFFF, v5;
	v6 =	vand.u32 $0x7FFFFFFF, v6;
	v7 =	vand.u32 $0x7FFFFFFF, v7  }
0x76: {  	v8 =	vand.u32 $0x7FFFFFFF, v8;
	v9 =	vand.u32 $0x7FFFFFFF, v9;
	v10 =	vand.u32 $0x7FFFFFFF, v10  }
0x77: {  	v12 =	vand.u32 $0x7FFFFFFF, v12;
	v11 =	vshrl.u32 v4, $0x7;
	v4 =	vshrl.u32 v4, $0x13  }
0x78: {  	v13 =	vshrl.u32 v6, $0x7;
	vm0 =	veq.s32 v4, v3;
	v4 =	vand.u32 $0xFFF, v11  }
0x79: {  	v14 =	vshrl.u32 v7, $0x7;
	v15 =	vshrl.u32 v8, $0x7;
	v4 =	vor.u32 v1, v4  }
0x7a: {  	s30 =	simm.s32 $0x8;
	s31 =	simm.s32 $0x400;
	v16 =	vshrl.u32 v9, $0x7;
	v6 =	vshrl.u32 v6, $0x13;
	v17 =	vshrl.u32 v10, $0x7  }
0x7b: {  	s23 =	sand.u32 $0x3C00, s31;
	s22 =	sand.u32 $0x380, s30;
	v7 =	vshrl.u32 v7, $0x13;
	v18 =	vshrl.u32 v12, $0x7;
	v8 =	vshrl.u32 v8, $0x13  }
0x7c: {  	s22 =	sor.u32 s22, s23;
	v10 =	vshrl.u32 v10, $0x13;
	v12 =	vshrl.u32 v12, $0x13;
	v11 =	vshrl.u32 v5, $0x7  }
0x7d: {  	v19 =	vld [tilespmem:s22+$0x4000];
	v5 =	vshrl.u32 v5, $0x13;
	v13 =	vand.u32 $0xFFF, v13;
	v14 =	vand.u32 $0xFFF, v14  }
0x7e: {  	v15 =	vand.u32 $0xFFF, v15;
	v17 =	vand.u32 $0xFFF, v17;
	v18 =	vand.u32 $0xFFF, v18;
	[tilespmem:v4+s15+$0x0] =	vst.idx.add.s32.msk vm0, v2  }
0x7f: {  	vm14 =	veq.s32 v6, v3;
	v4 =	vshrl.u32 v9, $0x13;
	v9 =	vand.u32 $0xFFF, v16;
	v16 =	vld [tilespmem:s22+$0x4070]  }
0x80: {  	v6 =	vld [tilespmem:s22+$0x4010];
	vm15 =	veq.s32 v7, v3;
	vm3 =	veq.s32 v8, v3;
	vm1 =	veq.s32 v10, v3  }
0x81: {  	v11 =	vand.u32 $0xFFF, v11;
	vm13 =	veq.s32 v5, v3;
	v7 =	vor.u32 v1, v14;
	v14 =	vld [tilespmem:s22+$0x4020]  }
0x82: {  	v13 =	vor.u32 v1, v13;
	v8 =	vor.u32 v1, v15;
	v15 =	vld [tilespmem:s22+$0x4030];
	v11 =	vor.u32 v1, v11  }
0x83: {  	v21 =	vld [tilespmem:s22+$0x4060];
	v5 =	vor.u32 v1, v17;
	vm0 =	veq.s32 v12, v3;
	v12 =	vand.u32 $0x7FFFFFFF, v19  }
0x84: {  	vm2 =	veq.s32 v4, v3;
	v20 =	vor.u32 v1, v9;
	v10 =	vand.u32 $0x7FFFFFFF, v16  }
0x85: {  	v9 =	vld [tilespmem:s22+$0x4040];
	v4 =	vor.u32 v1, v18;
	v17 =	vshrl.u32 v10, $0x7;
	v10 =	vshrl.u32 v10, $0x13  }
0x86: {  	v18 =	vand.u32 $0x7FFFFFFF, v6;
	v16 =	vld [tilespmem:s22+$0x4050];
	vm7 =	veq.s32 v10, v3;
	v6 =	vand.u32 $0xFFF, v17  }
0x87: {  	v22 =	vand.u32 $0x7FFFFFFF, v14;
	[tilespmem:v11+s15+$0x0] =	vst.idx.add.s32.msk vm13, v2;
	v11 =	vand.u32 $0x7FFFFFFF, v15;
	v23 =	vor.u32 v1, v6  }
0x88: {  	[tilespmem:v8+s15+$0x0] =	vst.idx.add.s32.msk vm3, v2;
	v8 =	vand.u32 $0x7FFFFFFF, v21;
	v24 =	vshrl.u32 v18, $0x7;
	v19 =	vshrl.u32 v11, $0x7  }
0x89: {  	[tilespmem:v13+s15+$0x0] =	vst.idx.add.s32.msk vm14, v2;
	v17 =	vshrl.u32 v12, $0x7;
	v10 =	vshrl.u32 v22, $0x7;
	v6 =	vshrl.u32 v12, $0x13  }
0x8a: {  	[tilespmem:v7+s15+$0x0] =	vst.idx.add.s32.msk vm15, v2;
	v12 =	vand.u32 $0x7FFFFFFF, v9;
	v7 =	vand.u32 $0xFFF, v17;
	v9 =	vshrl.u32 v18, $0x13  }
0x8b: {  	[tilespmem:v20+s15+$0x0] =	vst.idx.add.s32.msk vm2, v2;
	v17 =	vand.u32 $0xFFF, v24;
	v18 =	vshrl.u32 v22, $0x13;
	v14 =	vand.u32 $0x7FFFFFFF, v16  }
0x8c: {  	s24 =	simm.s32 $0x800;
	s23 =	simm.s32 $0x10;
	s22 =	simm.s32 $0x80;
	v15 =	vshrl.u32 v12, $0x7;
	v16 =	vshrl.u32 v8, $0x7;
	v13 =	vshrl.u32 v14, $0x7;
	[tilespmem:v23+s15+$0x0] =	vst.idx.add.s32.msk vm7, v2  }
.LBB2_7:
0x8d: {  	s25 =	sand.u32 $0x3C00, s24;
	s26 =	sand.u32 $0x380, s23;
	s22 =	sadd.s32 $0x80, s22;
	v10 =	vand.u32 $0xFFF, v10;
	v11 =	vshrl.u32 v11, $0x13;
	v19 =	vand.u32 $0xFFF, v19;
	[tilespmem:v5+s15+$0x0] =	vst.idx.add.s32.msk vm1, v2  }
0x8e: {  	v5 =	vshrl.u32 v12, $0x13;
	v12 =	vand.u32 $0xFFF, v15;
	v14 =	vshrl.u32 v14, $0x13;
	s25 =	sor.u32 s26, s25;
	p1 =	slt.u32 s22, $0x3F80;
	[tilespmem:v4+s15+$0x0] =	vst.idx.add.s32.msk vm0, v2  }
0x8f: {  	v13 =	vand.u32 $0xFFF, v13;
	v8 =	vshrl.u32 v8, $0x13;
	v15 =	vand.u32 $0xFFF, v16;
	v4 =	vld [tilespmem:s25+$0x4070]  }
0x90: {  	vm6 =	veq.s32 v6, v3;
	v6 =	vor.u32 v1, v7;
	vm5 =	veq.s32 v9, v3;
	v16 =	vld [tilespmem:s25+$0x4000]  }
0x91: {  	v9 =	vor.u32 v1, v17;
	vm4 =	veq.s32 v18, v3;
	v17 =	vor.u32 v1, v10;
	v7 =	vld [tilespmem:s25+$0x4010]  }
0x92: {  	vm3 =	veq.s32 v11, v3;
	v18 =	vor.u32 v1, v19;
	vm2 =	veq.s32 v5, v3;
	v10 =	vld [tilespmem:s25+$0x4020]  }
0x93: {  	v20 =	vor.u32 v1, v12;
	vm1 =	veq.s32 v14, v3;
	v5 =	vor.u32 v1, v13;
	v11 =	vld [tilespmem:s25+$0x4030]  }
0x94: {  	vm0 =	veq.s32 v8, v3;
	v12 =	vld [tilespmem:s25+$0x4040];
	v13 =	vand.u32 $0x7FFFFFFF, v4;
	v4 =	vor.u32 v1, v15  }
0x95: {  	v8 =	vand.u32 $0x7FFFFFFF, v16;
	v14 =	vld [tilespmem:s25+$0x4050];
	v15 =	vshrl.u32 v13, $0x7;
	v13 =	vshrl.u32 v13, $0x13  }
0x96: {  	v16 =	vand.u32 $0x7FFFFFFF, v7;
	v21 =	vld [tilespmem:s25+$0x4060];
	vm7 =	veq.s32 v13, v3;
	v7 =	vand.u32 $0xFFF, v15  }
0x97: {  	v13 =	vshrl.u32 v8, $0x7;
	v22 =	vand.u32 $0x7FFFFFFF, v10;
	v23 =	vor.u32 v1, v7;
	[tilespmem:v6+s15+$0x0] =	vst.idx.add.s32.msk vm6, v2  }
.Ltmp2:
0x98: {  	v24 =	vshrl.u32 v16, $0x7;
	v10 =	vshrl.u32 v22, $0x7;
	v11 =	vand.u32 $0x7FFFFFFF, v11;
	[tilespmem:v9+s15+$0x0] =	vst.idx.add.s32.msk vm5, v2;
	(pc) =	sbr.rel @p1 .LBB2_7-.Ltmp2, $4  }
0x99: {  	v6 =	vshrl.u32 v8, $0x13;
	v19 =	vshrl.u32 v11, $0x7;
	v12 =	vand.u32 $0x7FFFFFFF, v12;
	[tilespmem:v17+s15+$0x0] =	vst.idx.add.s32.msk vm4, v2  }
0x9a: {  	v7 =	vand.u32 $0xFFF, v13;
	v15 =	vshrl.u32 v12, $0x7;
	v14 =	vand.u32 $0x7FFFFFFF, v14;
	[tilespmem:v18+s15+$0x0] =	vst.idx.add.s32.msk vm3, v2  }
0x9b: {  	v9 =	vshrl.u32 v16, $0x13;
	v13 =	vshrl.u32 v14, $0x7;
	v8 =	vand.u32 $0x7FFFFFFF, v21;
	[tilespmem:v20+s15+$0x0] =	vst.idx.add.s32.msk vm2, v2  }
0x9c: {  	s23 =	sadd.s32 $0x8, s23;
	s24 =	sadd.s32 $0x400, s24;
	v17 =	vand.u32 $0xFFF, v24;
	v18 =	vshrl.u32 v22, $0x13;
	v16 =	vshrl.u32 v8, $0x7;
	[tilespmem:v23+s15+$0x0] =	vst.idx.add.s32.msk vm7, v2  }
0x9d: {  	v10 =	vand.u32 $0xFFF, v10  }
0x9e: {  	v11 =	vshrl.u32 v11, $0x13;
	v19 =	vand.u32 $0xFFF, v19;
	vm2 =	veq.s32 v6, v3  }
0x9f: {  	v58 =	vshrl.u32 v12, $0x13;
	v7 =	vor.u32 v1, v7;
	vm3 =	veq.s32 v9, v3  }
0xa0: {  	v59 =	vand.u32 $0xFFF, v15;
	v60 =	vor.u32 v1, v17;
	vm4 =	veq.s32 v18, v3  }
0xa1: {  	v14 =	vshrl.u32 v14, $0x13;
	v10 =	vor.u32 v1, v10;
	vm5 =	veq.s32 v11, v3  }
0xa2: {  	[tilespmem:v5+s15+$0x0] =	vst.idx.add.s32.msk vm1, v2;
	v5 =	vand.u32 $0xFFF, v13;
	v61 =	vor.u32 v1, v19;
	vm14 =	veq.s32 v58, v3  }
0xa3: {  	[tilespmem:v4+s15+$0x0] =	vst.idx.add.s32.msk vm0, v2;
	v4 =	vshrl.u32 v8, $0x13;
	v62 =	vor.u32 v1, v59;
	vm15 =	veq.s32 v14, v3  }
0xa4: {  	v63 =	vand.u32 $0xFFF, v16;
	v5 =	vor.u32 v1, v5;
	vm6 =	veq.s32 v4, v3;
	[tilespmem:v7+s15+$0x0] =	vst.idx.add.s32.msk vm2, v2  }
0xa5: {  	v4 =	vor.u32 v1, v63;
	[tilespmem:v60+s15+$0x0] =	vst.idx.add.s32.msk vm3, v2  }
.Ltmp3:
0xa6: {  	[tilespmem:v10+s15+$0x0] =	vst.idx.add.s32.msk vm4, v2;
	(pc) =	sbr.rel @p0 .LBB2_9-.Ltmp3, $4  }
0xa7: {  	[tilespmem:v61+s15+$0x0] =	vst.idx.add.s32.msk vm5, v2  }
0xa8: {  	[tilespmem:v62+s15+$0x0] =	vst.idx.add.s32.msk vm14, v2  }
0xa9: {  	[tilespmem:v5+s15+$0x0] =	vst.idx.add.s32.msk vm15, v2  }
0xaa: {  	[tilespmem:v4+s15+$0x0] =	vst.idx.add.s32.msk vm6, v2  }
.Ltmp4:
0xab: {  	(pc) =	sbr.rel .LBB2_4-.Ltmp4, $4  }
0xac: {  	_ = 	snop  }
0xad: {  	s21 =	sshll.u32 s21, $0x8  }
0xae: {  	s20 =	sadd.s32 $0x1, s20;
	s21 =	sadd.s32 s21, s8  }
0xaf: {  	[tilespmem:s13], [sflag:$0x2] =	stream.linear.gather [hbm4b:s21+s2], $0x4000, $0x38;
	[tilespmem:$0x19080] =	vst v63  }
.LBB2_9:
0xb0: {  	s20 =	simm.s32 $0x8000;
	s21 =	simm.s32 $0x0  }
0xb1: {  	v3 =	vld [tilespmem:s20+$0x0];
	s21 =	sand.u32 $0xFF0, s21  }
0xb2: {  	v4 =	vld [tilespmem:s21+$0x9000]  }
0xb3: {  	v5 =	vld [tilespmem:s21+$0xA000]  }
0xb4: {  	v6 =	vld [tilespmem:s21+$0xB000]  }
0xb5: {  	v7 =	vld [tilespmem:s21+$0xC000]  }
0xb6: {  	v8 =	vld [tilespmem:s21+$0xD000]  }
0xb7: {  	v9 =	vld [tilespmem:s21+$0xE000]  }
0xb8: {  	v10 =	vld [tilespmem:s21+$0xF000]  }
0xb9: {  	v11 =	vld [tilespmem:s21+$0x10000]  }
0xba: {  	v12 =	vld [tilespmem:s21+$0x11000]  }
0xbb: {  	v13 =	vld [tilespmem:s21+$0x12000]  }
0xbc: {  	v14 =	vld [tilespmem:s21+$0x13000]  }
0xbd: {  	v15 =	vld [tilespmem:s21+$0x14000]  }
0xbe: {  	v16 =	vld [tilespmem:s21+$0x15000]  }
0xbf: {  	v17 =	vld [tilespmem:s21+$0x16000]  }
0xc0: {  	s20 =	simm.s32 $0x10;
	v18 =	vld [tilespmem:s21+$0x17000];
	s21 =	simm.s32 $0x8010;
	v3 =	vadd.s32 v3, v4  }
0xc1: {  	s22 =	sand.u32 $0xFF0, s20;
	v4 =	vld [tilespmem:s21+$0x0];
	v3 =	vadd.s32 v5, v3  }
0xc2: {  	v5 =	vld [tilespmem:s22+$0x9000];
	v3 =	vadd.s32 v6, v3  }
0xc3: {  	v6 =	vld [tilespmem:s22+$0xA000];
	v3 =	vadd.s32 v7, v3  }
0xc4: {  	v7 =	vld [tilespmem:s22+$0xB000];
	v3 =	vadd.s32 v8, v3  }
0xc5: {  	v8 =	vld [tilespmem:s22+$0xC000];
	v3 =	vadd.s32 v9, v3  }
0xc6: {  	v9 =	vld [tilespmem:s22+$0xD000];
	v3 =	vadd.s32 v10, v3  }
0xc7: {  	v4 =	vadd.s32 v4, v5;
	v10 =	vld [tilespmem:s22+$0xE000];
	v3 =	vadd.s32 v11, v3  }
0xc8: {  	v4 =	vadd.s32 v6, v4;
	v6 =	vld [tilespmem:s22+$0xF000];
	v3 =	vadd.s32 v12, v3  }
0xc9: {  	v4 =	vadd.s32 v7, v4;
	v7 =	vld [tilespmem:s22+$0x10000];
	v3 =	vadd.s32 v13, v3  }
0xca: {  	v4 =	vadd.s32 v8, v4;
	v8 =	vld [tilespmem:s22+$0x11000];
	v3 =	vadd.s32 v14, v3  }
0xcb: {  	v5 =	vld [tilespmem:s22+$0x12000];
	v4 =	vadd.s32 v9, v4;
	v3 =	vadd.s32 v15, v3  }
0xcc: {  	v4 =	vadd.s32 v10, v4;
	v9 =	vadd.s32 v16, v3;
	v3 =	vld [tilespmem:s22+$0x13000]  }
0xcd: {  	v6 =	vadd.s32 v6, v4;
	v4 =	vld [tilespmem:s22+$0x14000];
	v9 =	vadd.s32 v17, v9  }
0xce: {  	s19 =	simm.s32 $0x18000;
	v7 =	vadd.s32 v7, v6;
	v6 =	vld [tilespmem:s22+$0x15000];
	v9 =	vadd.s32 v18, v9  }
0xcf: {  	v8 =	vadd.s32 v8, v7;
	v7 =	vld [tilespmem:s22+$0x16000];
	[tilespmem:s19+$0x0] =	vst v9  }
.LBB2_10:
0xd0: {  	s20 =	sadd.s32 $0x10, s20;
	v5 =	vadd.s32 v5, v8;
	v8 =	vld [tilespmem:s22+$0x17000];
	s21 =	sadd.s32 $0x10, s21  }
0xd1: {  	v9 =	vld [tilespmem:s21+$0x0];
	s22 =	sand.u32 $0xFF0, s20;
	p0 =	slt.u32 s20, $0xFF0;
	v3 =	vadd.s32 v3, v5  }
0xd2: {  	v5 =	vld [tilespmem:s22+$0x9000];
	v3 =	vadd.s32 v4, v3  }
0xd3: {  	v4 =	vld [tilespmem:s22+$0xA000];
	v3 =	vadd.s32 v6, v3  }
0xd4: {  	v6 =	vld [tilespmem:s22+$0xB000];
	v3 =	vadd.s32 v7, v3  }
0xd5: {  	s19 =	sadd.s32 $0x10, s19;
	v7 =	vld [tilespmem:s22+$0xC000];
	v3 =	vadd.s32 v8, v3  }
0xd6: {  	v8 =	vld [tilespmem:s22+$0xD000];
	[tilespmem:s19+$0x0] =	vst v3  }
0xd7: {  	v3 =	vadd.s32 v9, v5;
	v9 =	vld [tilespmem:s22+$0xE000]  }
0xd8: {  	v3 =	vadd.s32 v4, v3;
	v4 =	vld [tilespmem:s22+$0xF000]  }
0xd9: {  	v3 =	vadd.s32 v6, v3;
	v6 =	vld [tilespmem:s22+$0x10000]  }
0xda: {  	v3 =	vadd.s32 v7, v3;
	v7 =	vld [tilespmem:s22+$0x11000]  }
.Ltmp5:
0xdb: {  	v3 =	vadd.s32 v8, v3;
	v5 =	vld [tilespmem:s22+$0x12000];
	(pc) =	sbr.rel @p0 .LBB2_10-.Ltmp5, $4  }
0xdc: {  	v8 =	vadd.s32 v9, v3;
	v3 =	vld [tilespmem:s22+$0x13000]  }
0xdd: {  	v8 =	vadd.s32 v4, v8;
	v4 =	vld [tilespmem:s22+$0x14000]  }
0xde: {  	v8 =	vadd.s32 v6, v8;
	v6 =	vld [tilespmem:s22+$0x15000]  }
0xdf: {  	v8 =	vadd.s32 v7, v8;
	v7 =	vld [tilespmem:s22+$0x16000]  }
0xe0: {  	v5 =	vadd.s32 v5, v8;
	v63 =	vld [tilespmem:s22+$0x17000]  }
0xe1: {  	v3 =	vadd.s32 v3, v5  }
0xe2: {  	v3 =	vadd.s32 v4, v3  }
0xe3: {  	v3 =	vadd.s32 v6, v3  }
0xe4: {  	s18 =	sadd.s32 $0x1, s18;
	v3 =	vadd.s32 v7, v3  }
0xe5: {  	s19 =	sadd.s32 $0x10, s19;
	p0 =	sne.s32 s18, s10;
	v3 =	vadd.s32 v63, v3  }
.Ltmp6:
0xe6: {  	[tilespmem:s19+$0x0] =	vst v3;
	(pc) =	sbr.rel @p0 .LBB2_1-.Ltmp6, $4  }
0xe7: {  	[hbm4b:s9+s2] =	stream.linear.scatter [tilespmem:s17], [sflag:$0x3], $0x1000, $0x38;
	[tilespmem:$0x19080] =	vst v63  }
0xe8: {  	_ =	swait.ge [sflag:s12], $0x1000  }
0xe9: {  	[sflag:s12] =	ssyncset.done $0x0  }
0xea: {  	[sflag:s12] =	ssyncadd.s32 $0xFFFFF000  }
0xeb: {  	_ =	sfence.sel $0x180000  }
0xec: {  	[bflag:$0x0] =	sbarrier.arrive $0xFFFF  }
0xed: {  	p0 =	sne.s32 s1, $0x0;
	_ =	strace $0x9000004A  }
0xee: {  	s0 =	sadd.s32 @!p0 $0x100000, s0;
	[bflag:$0x2] =	sbarrier.arrive $0xFFFF  }
0xef: {  	[sflag:s0] =	ssyncadd.tile.s32 @!p0 $0x1;
	_ =	shalt  }
.Lfunc_end2:
_tile_overlayer_lowered:
.L_overlay_start_2:
0xf0: {  	(tag) =	ssettag $0x2  }
0xf1: {  	s0 =	rddreg [dreg:$0x0];
	s2 =	stileid.u32  }
0xf2: {  	s1 =	rddreg [dreg:$0x1];
	p0 =	sne.s32 s2, $0x0  }
0xf3: {  	s3 =	rddreg [dreg:$0x2];
	[bflag:$0x3] =	sbarrier.arrive $0xFFFF;
	s2 =	simm.s32 @!p0 $0x1C03  }
0xf4: {  	[timem:s3], [sflag:s2] =	dma.local @!p0 [hbm:s0], s1  }
0xf5: {  	s0 =	simm.s32 @!p0 $0x3  }
0xf6: {  	_ =	swait.ge @!p0 [sflag:s0], s1  }
0xf7: {  	s1 =	ssub.s32 @!p0 $0x0, s1;
	[sflag:s0] =	ssyncset.done @!p0 $0x0  }
0xf8: {  	[sflag:s0] =	ssyncadd.s32 @!p0 s1  }
0xf9: {  	[bflag:$0x3] =	sbarrier.arrive $0xFFFF  }
0xfa: {  	_ =	shalt  }

// kernel: kernel.5.cloned.1.call-start
scs
__scs_entry_jumppad:
0x0: {  	(pc) =	sbr.rel $0x88, $3  }
0x1: {  	(tag) =	ssettag $0x0;
	lr =	simm.s32 $0x1  }
0x2: {  	[smem:$0x3FA0] =	sst lr;
	_ =	strace $0xD0000000  }
0x3: {  	_ = 	snop  }
0x4: {  	_ = 	snop  }
0x5: {  	_ = 	snop  }
0x6: {  	_ = 	snop  }
0x7: {  	_ = 	snop  }
__scs_overlays_trampoline_lowered:
0x8: {  	[smem:$0x3FAF] =	sst s0  }
0x9: {  	[smem:$0x3FB0] =	sst s1  }
0xa: {  	[smem:$0x3FB1] =	sst s2  }
0xb: {  	[smem:$0x3FB2] =	sst s3  }
0xc: {  	[smem:$0x3FB3] =	sst s4  }
0xd: {  	[smem:$0x3FB4] =	sst s5  }
0xe: {  	[smem:$0x3FB5] =	sst s6  }
0xf: {  	[smem:$0x3FB6] =	sst s7  }
0x10: {  	[smem:$0x3FB7] =	sst s8  }
0x11: {  	[smem:$0x3FB8] =	sst s9;
	s0 =	simm.s32 @!p0 $0x0  }
0x12: {  	s1 =	sld [smem:$0x3F9E];
	s0 =	simm.s32 @p0 $0x1  }
0x13: {  	[smem:$0x3FB9] =	sst s0;
	s0 =	simm.s32 @!p1 $0x0  }
0x14: {  	s2 =	sld [smem:$0x3F9D];
	s0 =	simm.s32 @p1 $0x1  }
0x15: {  	[smem:$0x3FBA] =	sst s0;
	s0 =	simm.s32 @!p2 $0x0  }
0x16: {  	s3 =	sld [smem:$0x3FDB];
	s0 =	simm.s32 @p2 $0x1  }
0x17: {  	s4 =	simm.s32 $0x1BF5;
	[smem:$0x3FBC] =	sst s0  }
0x18: {  	s0 =	sld [smem:$0x3F9F];
	_ =	swait.ge [sflag:s4], $0x0  }
0x19: {  	s7 =	sld [smem:$0x3FA0]  }
0x1a: {  	s8 =	sadd.s32 $0xFFFFE003, lr  }
0x1b: {  	s9 =	sadd.s32 $0xFFFFFEF7, lr;
	s5 =	simm.s32 $0xFFFFFFFF;
	p2 =	slt.u32 s8, $0xFFFFF086  }
0x1c: {  	p1 =	slt.u32 s9, $0xF7A;
	s5 =	simm.s32 @!p2 $0x0  }
0x1d: {  	s5 =	simm.s32 @p1 $0x1;
	p0 =	seq.s32 s7, s2  }
0x1e: {  	s7 =	smul.u32 @!p0 $0xF7A, s2;
	p2 =	seq.s32 @!p0 s5, $0x0  }
0x1f: {  	s9 =	smul.u32 $0xF7A, s1;
	s8 =	simm.s32 @!p0 $0x1BF5;
	p2 =	por !p2, p0  }
0x20: {  	[sflag:s8] =	ssyncset.s32 @!p0 $0xFFFFF086;
	s6 =	sadd.s32 @!p0 s3, s7;
	s7 =	simm.s32 @!p0 $0x108  }
0x21: {  	s3 =	sadd.s32 s3, s9;
	s6 =	sadd.s32 @!p0 $0x88, s6;
	s7 =	simm.s32 @p2 $0x1082  }
0x22: {  	[simem:s7], [sflag:s8] =	dma.local @!p0 [hbm:s6], $0xF7A  }
0x23: {  	s9 =	sor.u32 $0xD0000000, s2;
	s6 =	simm.s32 $0x108;
	_ =	swait.ge @!p0 [sflag:s8], $0x0  }
0x24: {  	s3 =	sadd.s32 $0x88, s3;
	s6 =	simm.s32 @!p1 $0x1082;
	[sflag:s4] =	ssyncset.s32 $0xFFFFF086  }
0x25: {  	[simem:s6], [sflag:s4] =	dma.local [hbm:s3], $0xF7A  }
0x26: {  	[smem:$0x3FA0] =	sst s1;
	(tag) =	ssettag s2;
	_ =	strace s9  }
0x27: {  	s1 =	sld [smem:$0x3FB0]  }
0x28: {  	s2 =	sld [smem:$0x3FB1]  }
0x29: {  	s4 =	sld [smem:$0x3FB3]  }
0x2a: {  	p0 =	seq.s32 s5, $0x0;
	s5 =	sld [smem:$0x3FB4]  }
0x2b: {  	s6 =	sld [smem:$0x3FB5]  }
0x2c: {  	s7 =	sld [smem:$0x3FB6]  }
0x2d: {  	s3 =	simm.s32 $0x108;
	s8 =	sld [smem:$0x3FB7]  }
0x2e: {  	s3 =	simm.s32 @!p0 $0x1082;
	s9 =	sld [smem:$0x3FB8]  }
0x2f: {  	lr =	sadd.s32 s0, s3;
	s0 =	sld [smem:$0x3FAF]  }
0x30: {  	s3 =	sld [smem:$0x3FB2]  }
0x31: {  	[smem:$0x3FBB] =	sst s10  }
0x32: {  	s10 =	sld [smem:$0x3FB9];
	_ =	sdelay $0x3  }
0x33: {  	p0 =	seq.s32 s10, $0x1;
	s10 =	sld [smem:$0x3FBB];
	_ =	sdelay $0x3  }
0x34: {  	[smem:$0x3FBB] =	sst s10  }
0x35: {  	s10 =	sld [smem:$0x3FBA];
	_ =	sdelay $0x3  }
0x36: {  	p1 =	seq.s32 s10, $0x1;
	s10 =	sld [smem:$0x3FBB];
	_ =	sdelay $0x3  }
0x37: {  	[smem:$0x3FBB] =	sst s10  }
0x38: {  	s10 =	sld [smem:$0x3FBC]  }
0x39: {  	_ = 	snop;
	(pc) =	sbr.ind lr, $3  }
0x3a: {  	_ = 	snop  }
0x3b: {  	_ = 	snop  }
0x3c: {  	p2 =	seq.s32 s10, $0x1;
	s10 =	sld [smem:$0x3FBB]  }
0x3d: {  	_ =	shalt  }
0x3e: {  	_ =	shalt  }
0x3f: {  	_ =	shalt  }
0x40: {  	_ =	shalt  }
0x41: {  	_ =	shalt  }
0x42: {  	_ =	shalt  }
0x43: {  	_ =	shalt  }
0x44: {  	_ =	shalt  }
0x45: {  	_ =	shalt  }
0x46: {  	_ =	shalt  }
0x47: {  	_ =	shalt  }
0x48: {  	_ =	shalt  }
0x49: {  	_ =	shalt  }
0x4a: {  	_ =	shalt  }
0x4b: {  	_ =	shalt  }
0x4c: {  	_ =	shalt  }
0x4d: {  	_ =	shalt  }
0x4e: {  	_ =	shalt  }
0x4f: {  	_ =	shalt  }
0x50: {  	_ =	shalt  }
0x51: {  	_ =	shalt  }
0x52: {  	_ =	shalt  }
0x53: {  	_ =	shalt  }
0x54: {  	_ =	shalt  }
0x55: {  	_ =	shalt  }
0x56: {  	_ =	shalt  }
0x57: {  	_ =	shalt  }
0x58: {  	_ =	shalt  }
0x59: {  	_ =	shalt  }
0x5a: {  	_ =	shalt  }
0x5b: {  	_ =	shalt  }
0x5c: {  	_ =	shalt  }
0x5d: {  	_ =	shalt  }
0x5e: {  	_ =	shalt  }
0x5f: {  	_ =	shalt  }
0x60: {  	_ =	shalt  }
0x61: {  	_ =	shalt  }
0x62: {  	_ =	shalt  }
0x63: {  	_ =	shalt  }
0x64: {  	_ =	shalt  }
0x65: {  	_ =	shalt  }
0x66: {  	_ =	shalt  }
0x67: {  	_ =	shalt  }
0x68: {  	_ =	shalt  }
0x69: {  	_ =	shalt  }
0x6a: {  	_ =	shalt  }
0x6b: {  	_ =	shalt  }
0x6c: {  	_ =	shalt  }
0x6d: {  	_ =	shalt  }
0x6e: {  	_ =	shalt  }
0x6f: {  	_ =	shalt  }
0x70: {  	_ =	shalt  }
0x71: {  	_ =	shalt  }
0x72: {  	_ =	shalt  }
0x73: {  	_ =	shalt  }
0x74: {  	_ =	shalt  }
0x75: {  	_ =	shalt  }
0x76: {  	_ =	shalt  }
0x77: {  	_ =	shalt  }
0x78: {  	_ =	shalt  }
0x79: {  	_ =	shalt  }
0x7a: {  	_ =	shalt  }
0x7b: {  	_ =	shalt  }
0x7c: {  	_ =	shalt  }
0x7d: {  	_ =	shalt  }
0x7e: {  	_ =	shalt  }
0x7f: {  	_ =	shalt  }
0x80: {  	_ =	shalt  }
0x81: {  	_ =	shalt  }
0x82: {  	_ =	shalt  }
0x83: {  	_ =	shalt  }
0x84: {  	_ =	shalt  }
0x85: {  	_ =	shalt  }
0x86: {  	_ =	shalt  }
0x87: {  	_ =	shalt  }
.Lfunc_end0:
.L_simem_size_0:
called_computation.2_lowered:
.L_overlay_start_0:
0x88: {  	s2 =	sld [smem:$0x3FD9]  }
0x89: {  	s3 =	sld [smem:$0x3FFE];
	_ =	sdelay $0x1  }
0x8a: {  	s1 =	srdreg.scid  }
0x8b: {  	s0 =	sand.u32 $0x1, s1  }
0x8c: {  	s17 =	sshll.u32 s0, $0xA;
	s2 =	sadd.s32 s3, s2  }
0x8d: {  	s2 =	sadd.s32 s2, s17  }
0x8e: {  	[smem:$0x3FC7] =	sst s2  }
0x8f: {  	_ = 	snop  }
0x90: {  	s2 =	sld [smem:$0x3FC9]  }
0x91: {  	s18 =	sld [smem:$0x3FD0];
	(tm) =	ssettm $0x1  }
0x92: {  	s4 =	sld [smem:$0x3FFB];
	_ =	sdelay $0x3  }
0x93: {  	_ =	strace s4  }
0x94: {  	s4 =	sld [smem:$0x3FFC];
	_ =	sdelay $0x3  }
0x95: {  	_ =	strace s4  }
0x96: {  	s4 =	sld [smem:$0x3FFD];
	_ =	sdelay $0x3  }
0x97: {  	_ =	strace s4  }
0x98: {  	_ =	strace $0x8FFFFFFF  }
0x99: {  	s19 =	sld [smem:$0x3FDB];
	_ =	sdelay $0x1  }
0x9a: {  	s5 =	simm.s32 $_scs_section_size  }
0x9b: {  	s6 =	simm.s32 $_size__tile_overlayer_lowered;
	s7 =	simm.s32 $_tile_overlayer_lowered  }
0x9c: {  	s22 =	simm.s32 $0x1BFF;
	s21 =	sshll.u32 s7, $0x1;
	s4 =	sadd.s32 s5, s19  }
0x9d: {  	s8 =	simm.s32 $0x0;
	s20 =	sshll.u32 s6, $0x1;
	s6 =	sadd.s32 s21, s4  }
0x9e: {  	[timem:s8], [sflag:s22] =	dma.local [hbm:s6], s20  }
0x9f: {  	_ =	swait.ge [sflag:s22], s20  }
0xa0: {  	s5 =	ssub.s32 $0x0, s20;
	[sflag:s22] =	ssyncset.done $0x0  }
0xa1: {  	[sflag:s22] =	ssyncadd.s32 s5;
	_ =	sdelay $0x1  }
0xa2: {  	s23 =	simm.s32 $0x1B8B  }
0xa3: {  	_ =	swait.ge [sflag:s23], $0x1  }
0xa4: {  	[sflag:s23] =	ssyncset.done $0x0  }
0xa5: {  	s25 =	simm.s32 $0x1B8E;
	s24 =	sld [smem:$0x3FFE];
	[sflag:s23] =	ssyncadd.s32 $0xFFFFFFFF  }
0xa6: {  	s26 =	simm.s32 $execute0_lowered;
	[smem:$0x3FD2] =	sst s25  }
0xa7: {  	s6 =	sshll.u32 s26, $0x1;
	_ =	strace $0x8000004C;
	[dreg:$0x1] =	wrdreg $0xFFFFFFFF  }
0xa8: {  	s28 =	simm.s32 $_size_execute0_lowered;
	s4 =	sadd.s32 s4, s6;
	[dreg:$0x0] =	wrdreg $0x0  }
0xa9: {  	s6 =	sshll.u32 s28, $0x1;
	[dreg:$0x2] =	wrdreg s4  }
0xaa: {  	[dreg:$0x3] =	wrdreg s6  }
0xab: {  	[dreg:$0x4] =	wrdreg $0xC0  }
0xac: {  	_ =	task [dreg:s8], $0x5FFFF  }
0xad: {  	[dreg:$0x1] =	wrdreg $0xFFFFFFFF  }
0xae: {  	[dreg:$0x0] =	wrdreg $0x60  }
0xaf: {  	[dreg:$0x2] =	wrdreg s2  }
0xb0: {  	[dreg:$0x3] =	wrdreg s24  }
0xb1: {  	[dreg:$0x4] =	wrdreg s18  }
0xb2: {  	[dreg:$0x5] =	wrdreg $0x9  }
0xb3: {  	_ =	task.clear_ibuf [dreg:s8], $0x6FFFF;
	_ =	strace $0x9000004C  }
0xb4: {  	s29 =	simm.s32 $0x9;
	_ =	strace $0x8000004E  }
0xb5: {  	_ =	swait.ge [sflag:s29], $0x1  }
0xb6: {  	[sflag:s29] =	ssyncadd.s32 $0xFFFFFFFF  }
0xb7: {  	_ =	strace $0x9000004E  }
0xb8: {  	_ =	sfence  }
0xb9: {  	s30 =	sld [smem:$0x0];
	_ =	sdelay $0x2  }
0xba: {  	s31 =	sshll.u32 s1, $0xD;
	s1 =	sshrl.u32 s1, $0x2  }
0xbb: {  	s3 =	sand.u32 $0x4000, s31;
	s1 =	sadd.s32 s1, s30  }
0xbc: {  	s0 =	sor.u32 s3, s0;
	s1 =	sshll.u32 s1, $0x11  }
0xbd: {  	s0 =	sor.u32 s1, s0  }
0xbe: {  	s0 =	sadd.s32 $0x8F2B, s0  }
0xbf: {  	[sflag:s0] =	ssyncadd.remote.s32 $0x1  }
0xc0: {  	_ =	sfence.sel $0xFFFF  }
0xc1: {  	[dreg:$0x0] =	wrdreg $0xFFFFFFFF;
	(pc) =	sbr.abs _section_cstart, $3  }
0xc2: {  	[dreg:$0x1] =	wrdreg $0xFFFFFFFF  }
0xc3: {  	_ =	task.clear_ibuf [dreg:s8], $0x2FFFF;
	_ =	strace $0x9FFFFFFF  }
0xc4: {  	(tm) =	ssettm $0x7FFFFFFF  }
0xc5: {  	_ =	shalt  }
tec
execute0_lowered:
.L_overlay_start_1:
0x0: {  	(tag) =	ssettag $0x1  }
0x1: {  	s4 =	rddreg [dreg:$0x0]  }
0x2: {  	s2 =	rddreg [dreg:$0x1]  }
0x3: {  	s6 =	rddreg [dreg:$0x2]  }
0x4: {  	s0 =	rddreg [dreg:$0x3];
	s5 =	srdreg.scid  }
0x5: {  	s1 =	stileid.u32;
	s3 =	simm.s32 $0x0;
	s10 =	simm.s32 $0x4000  }
0x6: {  	s11 =	simm.s32 $0x1;
	s12 =	simm.s32 $0x8000;
	s13 =	simm.s32 $0x2  }
0x7: {  	s14 =	simm.s32 $0x10000;
	s5 =	sand.u32 $0x1, s5;
	s7 =	sshll.u32 s1, $0x1  }
0x8: {  	s15 =	simm.s32 $0x0;
	[smem:$0x7FF] =	sst s3;
	s7 =	sor.u32 s5, s7  }
0x9: {  	_ =	strace $0x8000004D;
	s5 =	ssub.s32 $0x2, s5;
	s8 =	sshll.u32 s7, $0x11  }
0xa: {  	v1 =	vlaneseq.u32;
	s9 =	sshrl.u32 s5, $0x1;
	s7 =	sshll.u32 s7, $0x8;
	s4 =	sadd.s32 s4, s8  }
0xb: {  	v1 =	vmul.u32 $0x800, v1;
	s31 =	ssub.s32 s5, s9;
	s6 =	sadd.s32 s6, s7;
	s8 =	simm.s32 $0x10800  }
0xc: {  	v0 =	vimm.s32 $0x0;
	v2 =	vimm.s32 $0x1;
	s9 =	simm.s32 $0x3;
	s5 =	sadd.s32 $0x800, s4;
	s7 =	smax.u32 s31, $0x1  }
.LBB2_1:
0xd: {  	s16 =	simm.s32 $0x8040  }
0xe: {  	[tilespmem:s16+$0xFFFFFFC0] =	vst v0  }
0xf: {  	[tilespmem:s16+$0x30] =	vst v0  }
0x10: {  	[tilespmem:s16+$0x20] =	vst v0  }
0x11: {  	[tilespmem:s16+$0x10] =	vst v0  }
0x12: {  	[tilespmem:s16+$0x0] =	vst v0  }
0x13: {  	[tilespmem:s16+$0xFFFFFFF0] =	vst v0  }
0x14: {  	s17 =	simm.s32 $0x0;
	[tilespmem:s16+$0xFFFFFFE0] =	vst v0  }
.LBB2_2:
0x15: {  	s17 =	sadd.s32 $0x80, s17;
	[tilespmem:s16+$0xFFFFFFD0] =	vst v0;
	s16 =	sadd.s32 $0x80, s16  }
0x16: {  	[tilespmem:s16+$0xFFFFFFC0] =	vst v0;
	p0 =	slt.u32 s17, $0x7F80  }
0x17: {  	[tilespmem:s16+$0x30] =	vst v0  }
.Ltmp0:
0x18: {  	[tilespmem:s16+$0x20] =	vst v0;
	(pc) =	sbr.rel @p0 .LBB2_2-.Ltmp0, $4  }
0x19: {  	[tilespmem:s16+$0x10] =	vst v0  }
0x1a: {  	[tilespmem:s16+$0x0] =	vst v0  }
0x1b: {  	[tilespmem:s16+$0xFFFFFFF0] =	vst v0  }
0x1c: {  	[tilespmem:s16+$0xFFFFFFE0] =	vst v0  }
0x1d: {  	[tilespmem:s16+$0xFFFFFFD0] =	vst v0;
	s29 =	simm.s32 $0x0  }
0x1e: {  	[tilespmem:s8], [sflag:$0x3] =	stream.linear.gather [hbm4b:s2+s29], $0x80, $0x38;
	[tilespmem:$0x10880] =	vst v63  }
0x1f: {  	_ =	swait.ge [sflag:s9], $0x80  }
0x20: {  	[sflag:s9] =	ssyncset.done $0x0  }
0x21: {  	[sflag:s9] =	ssyncadd.s32 $0xFFFFFF80  }
0x22: {  	[tilespmem:s29], [sflag:$0x1] =	stream.linear.gather [hbm4b:s4+s29], $0x4000, $0x38;
	[tilespmem:$0x10880] =	vst v63  }
0x23: {  	_ = 	snop  }
0x24: {  	[tilespmem:s10], [sflag:$0x2] =	stream.linear.gather [hbm4b:s5+s29], $0x4000, $0x38;
	[tilespmem:$0x10880] =	vst v63  }
0x25: {  	_ =	swait.ge [sflag:s11], $0x4000  }
0x26: {  	s17 =	sand.u32 $0x3C00, s29;
	s16 =	sand.u32 $0x380, s29;
	[sflag:s11] =	ssyncset.done $0x0  }
0x27: {  	s16 =	sor.u32 s16, s17;
	[sflag:s11] =	ssyncadd.s32 $0xFFFFC000  }
0x28: {  	v3 =	vld [tilespmem:s16+$0x40]  }
0x29: {  	v4 =	vld [tilespmem:s16+$0x30]  }
0x2a: {  	v5 =	vld [tilespmem:s16+$0x20]  }
0x2b: {  	v6 =	vld [tilespmem:s16+$0x60]  }
0x2c: {  	v7 =	vld [tilespmem:s16+$0x50]  }
0x2d: {  	v10 =	vld [tilespmem:s16+$0x10]  }
0x2e: {  	v12 =	vld [tilespmem:s16+$0x70];
	_ =	sdelay $0x2  }
0x2f: {  	v4 =	vand.u32 $0x7FFFFFFF, v4;
	v3 =	vand.u32 $0x7FFFFFFF, v3;
	v5 =	vand.u32 $0x7FFFFFFF, v5  }
0x30: {  	v6 =	vand.u32 $0x7FFFFFFF, v6;
	v7 =	vand.u32 $0x7FFFFFFF, v7;
	v10 =	vand.u32 $0x7FFFFFFF, v10  }
0x31: {  	v12 =	vand.u32 $0x7FFFFFFF, v12;
	v4 =	vshrl.u32 v4, $0x14;
	v3 =	vshrl.u32 v3, $0x14  }
0x32: {  	s30 =	simm.s32 $0x8;
	s18 =	simm.s32 $0x400;
	v11 =	vld [tilespmem:s16+$0x0];
	v6 =	vshrl.u32 v6, $0x14;
	v5 =	vshrl.u32 v5, $0x14;
	v10 =	vshrl.u32 v10, $0x14  }
0x33: {  	s31 =	sand.u32 $0x3C00, s18;
	s17 =	sand.u32 $0x380, s30;
	v7 =	vshrl.u32 v7, $0x14;
	v8 =	vand.u32 $0xF80, v4;
	v9 =	vand.u32 $0xF80, v3  }
0x34: {  	s16 =	sor.u32 s17, s31;
	v3 =	vand.u32 $0x7F, v3;
	v4 =	vand.u32 $0x7F, v4;
	v9 =	vor.u32 v1, v9  }
0x35: {  	v13 =	vld [tilespmem:s16+$0x40];
	v8 =	vor.u32 v1, v8;
	v9 =	vor.u32 v3, v9;
	v3 =	vand.u32 $0xF80, v6  }
0x36: {  	v14 =	vld [tilespmem:s16+$0x30];
	v6 =	vand.u32 $0x7F, v6;
	v4 =	vor.u32 v4, v8;
	v3 =	vor.u32 v1, v3  }
0x37: {  	v16 =	vld [tilespmem:s16+$0x20];
	v8 =	vand.u32 $0x7FFFFFFF, v11;
	v6 =	vor.u32 v6, v3;
	v3 =	vand.u32 $0xF80, v5  }
0x38: {  	v19 =	vld [tilespmem:s16+$0x60];
	v8 =	vshrl.u32 v8, $0x14;
	v5 =	vand.u32 $0x7F, v5;
	v3 =	vor.u32 v1, v3  }
0x39: {  	v11 =	vand.u32 $0xF80, v10;
	v15 =	vor.u32 v5, v3;
	v5 =	vand.u32 $0xF80, v8  }
0x3a: {  	v17 =	vld [tilespmem:s16+$0x50];
	v11 =	vor.u32 v1, v11;
	v18 =	vor.u32 v1, v5;
	v5 =	vshrl.u32 v12, $0x14  }
0x3b: {  	v12 =	vand.u32 $0x7F, v8;
	v8 =	vand.u32 $0x7F, v10;
	[tilespmem:v9+s12+$0x0] =	vst.idx.add.s32.msk $0xffff, v2;
	v9 =	vand.u32 $0x7FFFFFFF, v14  }
0x3c: {  	v3 =	vld [tilespmem:s16+$0x70];
	v20 =	vor.u32 v8, v11;
	v11 =	vand.u32 $0x7F, v7;
	v8 =	vand.u32 $0x7FFFFFFF, v16  }
0x3d: {  	v16 =	vand.u32 $0x7FFFFFFF, v19;
	[tilespmem:v6+s12+$0x0] =	vst.idx.add.s32.msk $0xffff, v2;
	v6 =	vand.u32 $0x7FFFFFFF, v13;
	v13 =	vand.u32 $0xF80, v7  }
0x3e: {  	[tilespmem:v4+s12+$0x0] =	vst.idx.add.s32.msk $0xffff, v2;
	v7 =	vshrl.u32 v9, $0x14;
	v9 =	vshrl.u32 v6, $0x14;
	v6 =	vor.u32 v12, v18  }
0x3f: {  	v4 =	vand.u32 $0x7FFFFFFF, v17;
	v16 =	vshrl.u32 v16, $0x14;
	[tilespmem:v15+s12+$0x0] =	vst.idx.add.s32.msk $0xffff, v2  }
0x40: {  	v10 =	vand.u32 $0xF80, v7;
	v14 =	vand.u32 $0xF80, v9;
	v12 =	vand.u32 $0x7F, v9;
	v9 =	vld [tilespmem:s16+$0x10]  }
0x41: {  	s19 =	simm.s32 $0x800;
	s18 =	simm.s32 $0x10;
	s17 =	simm.s32 $0x80;
	v15 =	vor.u32 v1, v13;
	v13 =	vand.u32 $0xF80, v5;
	v14 =	vor.u32 v1, v14;
	[tilespmem:v20+s12+$0x0] =	vst.idx.add.s32.msk $0xffff, v2  }
.LBB2_4:
0x42: {  	s20 =	sand.u32 $0x3C00, s19;
	s21 =	sand.u32 $0x380, s18;
	s17 =	sadd.s32 $0x80, s17;
	v17 =	vld [tilespmem:s16+$0x0];
	v12 =	vor.u32 v12, v14;
	v14 =	vand.u32 $0xF80, v16;
	v11 =	vor.u32 v11, v15  }
0x43: {  	v15 =	vand.u32 $0x7F, v16;
	v5 =	vand.u32 $0x7F, v5;
	s16 =	sor.u32 s21, s20;
	p0 =	slt.u32 s17, $0x3F80;
	v14 =	vor.u32 v1, v14;
	[tilespmem:v6+s12+$0x0] =	vst.idx.add.s32.msk $0xffff, v2  }
0x44: {  	v13 =	vor.u32 v1, v13;
	v6 =	vshrl.u32 v8, $0x14;
	v16 =	vld [tilespmem:s16+$0x50];
	v8 =	vor.u32 v15, v14  }
0x45: {  	v7 =	vand.u32 $0x7F, v7;
	v10 =	vor.u32 v1, v10;
	v15 =	vand.u32 $0xF80, v6;
	v14 =	vld [tilespmem:s16+$0x40]  }
0x46: {  	v19 =	vor.u32 v7, v10;
	v6 =	vand.u32 $0x7F, v6;
	v15 =	vor.u32 v1, v15;
	v18 =	vld [tilespmem:s16+$0x30]  }
0x47: {  	v9 =	vand.u32 $0x7FFFFFFF, v9;
	v10 =	vor.u32 v6, v15;
	v7 =	vand.u32 $0x7FFFFFFF, v17;
	[tilespmem:v11+s12+$0x0] =	vst.idx.add.s32.msk $0xffff, v2  }
0x48: {  	v13 =	vor.u32 v5, v13;
	v9 =	vshrl.u32 v9, $0x14;
	v6 =	vld [tilespmem:s16+$0x20];
	v7 =	vshrl.u32 v7, $0x14  }
0x49: {  	v15 =	vand.u32 $0x7FFFFFFF, v3;
	v11 =	vand.u32 $0xF80, v9;
	v5 =	vand.u32 $0xF80, v7;
	v3 =	vld [tilespmem:s16+$0x70]  }
0x4a: {  	v11 =	vor.u32 v1, v11;
	v17 =	vld [tilespmem:s16+$0x60];
	v20 =	vor.u32 v1, v5;
	v5 =	vshrl.u32 v15, $0x14  }
0x4b: {  	v4 =	vshrl.u32 v4, $0x14;
	v15 =	vand.u32 $0x7F, v7;
	v7 =	vand.u32 $0x7F, v9;
	[tilespmem:v12+s12+$0x0] =	vst.idx.add.s32.msk $0xffff, v2  }
0x4c: {  	v9 =	vand.u32 $0x7FFFFFFF, v18;
	v18 =	vor.u32 v7, v11;
	v11 =	vand.u32 $0x7F, v4;
	[tilespmem:v8+s12+$0x0] =	vst.idx.add.s32.msk $0xffff, v2  }
.Ltmp1:
0x4d: {  	v4 =	vand.u32 $0xF80, v4;
	v8 =	vand.u32 $0x7FFFFFFF, v6;
	v6 =	vand.u32 $0x7FFFFFFF, v14;
	[tilespmem:v13+s12+$0x0] =	vst.idx.add.s32.msk $0xffff, v2;
	(pc) =	sbr.rel @p0 .LBB2_4-.Ltmp1, $4  }
0x4e: {  	v7 =	vshrl.u32 v9, $0x14;
	v9 =	vshrl.u32 v6, $0x14;
	v6 =	vor.u32 v15, v20;
	[tilespmem:v10+s12+$0x0] =	vst.idx.add.s32.msk $0xffff, v2  }
0x4f: {  	v10 =	vand.u32 $0xF80, v7;
	v13 =	vand.u32 $0xF80, v9;
	v12 =	vand.u32 $0x7F, v9;
	[tilespmem:v19+s12+$0x0] =	vst.idx.add.s32.msk $0xffff, v2  }
0x50: {  	v15 =	vor.u32 v1, v4;
	v9 =	vld [tilespmem:s16+$0x10];
	v14 =	vor.u32 v1, v13;
	v13 =	vand.u32 $0x7FFFFFFF, v17  }
0x51: {  	s18 =	sadd.s32 $0x8, s18;
	s19 =	sadd.s32 $0x400, s19;
	v4 =	vand.u32 $0x7FFFFFFF, v16;
	v16 =	vshrl.u32 v13, $0x14;
	[tilespmem:v18+s12+$0x0] =	vst.idx.add.s32.msk $0xffff, v2;
	v13 =	vand.u32 $0xF80, v5  }
0x52: {  	v12 =	vor.u32 v12, v14  }
0x53: {  	v14 =	vand.u32 $0xF80, v16;
	v11 =	vor.u32 v11, v15;
	v15 =	vand.u32 $0x7F, v16  }
0x54: {  	v5 =	vand.u32 $0x7F, v5;
	v8 =	vshrl.u32 v8, $0x14;
	v13 =	vor.u32 v1, v13  }
0x55: {  	v17 =	vld [tilespmem:s16+$0x0];
	v7 =	vand.u32 $0x7F, v7;
	v10 =	vor.u32 v1, v10;
	v3 =	vand.u32 $0x7FFFFFFF, v3  }
0x56: {  	v4 =	vshrl.u32 v4, $0x14;
	v14 =	vor.u32 v1, v14;
	v7 =	vor.u32 v7, v10  }
0x57: {  	v5 =	vor.u32 v5, v13;
	v14 =	vor.u32 v15, v14;
	v15 =	vand.u32 $0xF80, v8  }
0x58: {  	v8 =	vand.u32 $0x7F, v8;
	v15 =	vor.u32 v1, v15;
	v9 =	vand.u32 $0x7FFFFFFF, v9  }
0x59: {  	v3 =	vshrl.u32 v3, $0x14;
	v8 =	vor.u32 v8, v15;
	v9 =	vshrl.u32 v9, $0x14  }
0x5a: {  	[tilespmem:v6+s12+$0x0] =	vst.idx.add.s32.msk $0xffff, v2;
	v10 =	vand.u32 $0x7FFFFFFF, v17;
	v15 =	vand.u32 $0xF80, v9;
	v9 =	vand.u32 $0x7F, v9  }
0x5b: {  	[tilespmem:v11+s12+$0x0] =	vst.idx.add.s32.msk $0xffff, v2;
	v11 =	vand.u32 $0x7F, v4;
	v4 =	vand.u32 $0xF80, v4;
	v10 =	vshrl.u32 v10, $0x14  }
0x5c: {  	[tilespmem:v12+s12+$0x0] =	vst.idx.add.s32.msk $0xffff, v2;
	v4 =	vor.u32 v1, v4;
	v13 =	vand.u32 $0xF80, v10;
	v10 =	vand.u32 $0x7F, v10  }
0x5d: {  	v4 =	vor.u32 v11, v4;
	v6 =	vor.u32 v1, v13;
	v13 =	vor.u32 v1, v15  }
0x5e: {  	[tilespmem:v5+s12+$0x0] =	vst.idx.add.s32.msk $0xffff, v2;
	v9 =	vor.u32 v9, v13;
	v6 =	vor.u32 v10, v6;
	v10 =	vand.u32 $0xF80, v3  }
0x5f: {  	[tilespmem:v7+s12+$0x0] =	vst.idx.add.s32.msk $0xffff, v2;
	v3 =	vand.u32 $0x7F, v3;
	v5 =	vor.u32 v1, v10  }
0x60: {  	[tilespmem:v14+s12+$0x0] =	vst.idx.add.s32.msk $0xffff, v2;
	v3 =	vor.u32 v3, v5  }
0x61: {  	[tilespmem:v8+s12+$0x0] =	vst.idx.add.s32.msk $0xffff, v2  }
0x62: {  	[tilespmem:v4+s12+$0x0] =	vst.idx.add.s32.msk $0xffff, v2  }
0x63: {  	[tilespmem:v9+s12+$0x0] =	vst.idx.add.s32.msk $0xffff, v2  }
0x64: {  	[tilespmem:v6+s12+$0x0] =	vst.idx.add.s32.msk $0xffff, v2  }
0x65: {  	[tilespmem:v3+s12+$0x0] =	vst.idx.add.s32.msk $0xffff, v2  }
0x66: {  	s30 =	simm.s32 $0x0;
	_ =	swait.ge [sflag:s13], $0x4000  }
0x67: {  	s17 =	sand.u32 $0x3C00, s30;
	s16 =	sand.u32 $0x380, s30;
	[sflag:s13] =	ssyncset.done $0x0  }
0x68: {  	s16 =	sor.u32 s16, s17;
	[sflag:s13] =	ssyncadd.s32 $0xFFFFC000  }
0x69: {  	v3 =	vld [tilespmem:s16+$0x4020]  }
0x6a: {  	v4 =	vld [tilespmem:s16+$0x4010]  }
0x6b: {  	v5 =	vld [tilespmem:s16+$0x4030]  }
0x6c: {  	v6 =	vld [tilespmem:s16+$0x4040]  }
0x6d: {  	v7 =	vld [tilespmem:s16+$0x4050]  }
0x6e: {  	v8 =	vld [tilespmem:s16+$0x4060];
	_ =	sdelay $0x2  }
0x6f: {  	v4 =	vand.u32 $0x7FFFFFFF, v4  }
0x70: {  	v3 =	vand.u32 $0x7FFFFFFF, v3;
	v5 =	vand.u32 $0x7FFFFFFF, v5;
	v6 =	vand.u32 $0x7FFFFFFF, v6  }
0x71: {  	v7 =	vand.u32 $0x7FFFFFFF, v7;
	v8 =	vand.u32 $0x7FFFFFFF, v8;
	v4 =	vshrl.u32 v4, $0x14  }
0x72: {  	v3 =	vshrl.u32 v3, $0x14;
	v5 =	vshrl.u32 v5, $0x14;
	v6 =	vshrl.u32 v6, $0x14  }
0x73: {  	v7 =	vshrl.u32 v7, $0x14;
	v8 =	vshrl.u32 v8, $0x14;
	v9 =	vand.u32 $0xF80, v3  }
0x74: {  	v10 =	vand.u32 $0x7F, v6;
	v11 =	vand.u32 $0xF80, v4;
	v12 =	vand.u32 $0xF80, v7  }
0x75: {  	s31 =	simm.s32 $0x8;
	s18 =	simm.s32 $0x400;
	v13 =	vld [tilespmem:s16+$0x4070];
	v14 =	vand.u32 $0xF80, v5;
	v15 =	vand.u32 $0xF80, v8;
	v5 =	vand.u32 $0x7F, v5  }
0x76: {  	s18 =	sand.u32 $0x3C00, s18;
	s17 =	sand.u32 $0x380, s31;
	v16 =	vld [tilespmem:s16+$0x4000];
	v6 =	vand.u32 $0xF80, v6;
	v4 =	vand.u32 $0x7F, v4;
	v3 =	vand.u32 $0x7F, v3  }
0x77: {  	s16 =	sor.u32 s17, s18;
	v7 =	vand.u32 $0x7F, v7;
	v12 =	vor.u32 v1, v12;
	v14 =	vor.u32 v1, v14  }
0x78: {  	v18 =	vld [tilespmem:s16+$0x4040];
	v6 =	vor.u32 v1, v6;
	v11 =	vor.u32 v1, v11;
	v9 =	vor.u32 v1, v9  }
0x79: {  	v15 =	vor.u32 v1, v15;
	v5 =	vor.u32 v5, v14;
	v14 =	vld [tilespmem:s16+$0x4020];
	v3 =	vor.u32 v3, v9  }
0x7a: {  	v6 =	vor.u32 v10, v6;
	v9 =	vand.u32 $0x7FFFFFFF, v13;
	v10 =	vld [tilespmem:s16+$0x4010];
	v4 =	vor.u32 v4, v11  }
0x7b: {  	v19 =	vld [tilespmem:s16+$0x4050];
	v11 =	vand.u32 $0x7F, v8;
	v13 =	vand.u32 $0x7FFFFFFF, v16;
	v8 =	vshrl.u32 v9, $0x14  }
0x7c: {  	v12 =	vor.u32 v7, v12;
	v9 =	vld [tilespmem:s16+$0x4030];
	v13 =	vshrl.u32 v13, $0x14;
	v16 =	vand.u32 $0xF80, v8  }
0x7d: {  	s17 =	simm.s32 $0x8000;
	v17 =	vld [tilespmem:s16+$0x4060];
	v63 =	vor.u32 v11, v15;
	v8 =	vand.u32 $0x7F, v8;
	v16 =	vor.u32 v1, v16  }
0x7e: {  	v20 =	vand.u32 $0xF80, v13;
	v16 =	vor.u32 v8, v16;
	v8 =	vand.u32 $0x7F, v13;
	[tilespmem:v3+s17+$0x0] =	vst.idx.add.s32.msk $0xffff, v2  }
0x7f: {  	v13 =	vor.u32 v1, v20;
	v7 =	vand.u32 $0x7FFFFFFF, v10;
	v10 =	vand.u32 $0x7FFFFFFF, v14;
	[tilespmem:v6+s17+$0x0] =	vst.idx.add.s32.msk $0xffff, v2  }
0x80: {  	v3 =	vor.u32 v8, v13;
	[tilespmem:v4+s17+$0x0] =	vst.idx.add.s32.msk $0xffff, v2;
	v4 =	vand.u32 $0x7FFFFFFF, v19;
	v8 =	vshrl.u32 v7, $0x14  }
0x81: {  	[tilespmem:v5+s17+$0x0] =	vst.idx.add.s32.msk $0xffff, v2;
	v6 =	vshrl.u32 v10, $0x14;
	v5 =	vand.u32 $0x7FFFFFFF, v9;
	v9 =	vand.u32 $0x7FFFFFFF, v18  }
0x82: {  	[tilespmem:v12+s17+$0x0] =	vst.idx.add.s32.msk $0xffff, v2;
	v4 =	vshrl.u32 v4, $0x14;
	v7 =	vand.u32 $0xF80, v6;
	v15 =	vshrl.u32 v5, $0x14  }
0x83: {  	v13 =	vld [tilespmem:s16+$0x4070];
	v14 =	vshrl.u32 v9, $0x14;
	v5 =	vand.u32 $0x7FFFFFFF, v17;
	v12 =	vand.u32 $0xF80, v8  }
0x84: {  	[tilespmem:v63+s17+$0x0] =	vst.idx.add.s32.msk $0xffff, v2;
	v9 =	vand.u32 $0xF80, v4;
	v10 =	vand.u32 $0x7F, v14;
	v11 =	vshrl.u32 v5, $0x14  }
0x85: {  	s19 =	simm.s32 $0x10;
	s20 =	simm.s32 $0x800;
	s18 =	simm.s32 $0x80;
	v5 =	vor.u32 v1, v9;
	[tilespmem:v16+s17+$0x0] =	vst.idx.add.s32.msk $0xffff, v2;
	v16 =	vand.u32 $0xF80, v15;
	v9 =	vand.u32 $0xF80, v11  }
.LBB2_6:
0x86: {  	s21 =	sand.u32 $0x3C00, s20;
	s22 =	sand.u32 $0x380, s19;
	s18 =	sadd.s32 $0x80, s18;
	v17 =	vld [tilespmem:s16+$0x4000];
	v15 =	vand.u32 $0x7F, v15;
	v16 =	vor.u32 v1, v16;
	v14 =	vand.u32 $0xF80, v14  }
0x87: {  	v8 =	vand.u32 $0x7F, v8;
	s16 =	sor.u32 s22, s21;
	p0 =	slt.u32 s18, $0x3F80;
	v15 =	vor.u32 v15, v16;
	v14 =	vor.u32 v1, v14;
	[tilespmem:v3+s17+$0x0] =	vst.idx.add.s32.msk $0xffff, v2  }
0x88: {  	v12 =	vor.u32 v1, v12;
	v6 =	vand.u32 $0x7F, v6;
	v7 =	vor.u32 v1, v7;
	v3 =	vld [tilespmem:s16+$0x4020]  }
0x89: {  	v6 =	vor.u32 v6, v7;
	v7 =	vor.u32 v10, v14;
	v16 =	vld [tilespmem:s16+$0x4060];
	v10 =	vand.u32 $0x7FFFFFFF, v13  }
0x8a: {  	v11 =	vand.u32 $0x7F, v11;
	v12 =	vor.u32 v8, v12;
	v13 =	vld [tilespmem:s16+$0x4010];
	v8 =	vshrl.u32 v10, $0x14  }
0x8b: {  	v10 =	vld [tilespmem:s16+$0x4030];
	v14 =	vand.u32 $0x7FFFFFFF, v17;
	v17 =	vand.u32 $0xF80, v8;
	v8 =	vand.u32 $0x7F, v8  }
0x8c: {  	v9 =	vor.u32 v1, v9;
	v18 =	vld [tilespmem:s16+$0x4040];
	v14 =	vshrl.u32 v14, $0x14;
	v17 =	vor.u32 v1, v17  }
0x8d: {  	v4 =	vand.u32 $0x7F, v4;
	v19 =	vld [tilespmem:s16+$0x4050];
	v20 =	vand.u32 $0xF80, v14;
	v17 =	vor.u32 v8, v17  }
0x8e: {  	v5 =	vor.u32 v4, v5;
	v8 =	vand.u32 $0x7F, v14;
	v14 =	vor.u32 v1, v20;
	[tilespmem:v6+s17+$0x0] =	vst.idx.add.s32.msk $0xffff, v2  }
0x8f: {  	v6 =	vand.u32 $0x7FFFFFFF, v3;
	v4 =	vand.u32 $0x7FFFFFFF, v13;
	v3 =	vor.u32 v8, v14;
	[tilespmem:v7+s17+$0x0] =	vst.idx.add.s32.msk $0xffff, v2  }
0x90: {  	v20 =	vor.u32 v11, v9;
	v6 =	vshrl.u32 v6, $0x14;
	v8 =	vshrl.u32 v4, $0x14;
	[tilespmem:v15+s17+$0x0] =	vst.idx.add.s32.msk $0xffff, v2  }
.Ltmp2:
0x91: {  	v7 =	vand.u32 $0xF80, v6;
	v4 =	vand.u32 $0x7FFFFFFF, v10;
	v9 =	vand.u32 $0x7FFFFFFF, v18;
	[tilespmem:v12+s17+$0x0] =	vst.idx.add.s32.msk $0xffff, v2;
	(pc) =	sbr.rel @p0 .LBB2_6-.Ltmp2, $4  }
0x92: {  	v15 =	vshrl.u32 v4, $0x14;
	v14 =	vshrl.u32 v9, $0x14;
	v4 =	vand.u32 $0x7FFFFFFF, v19;
	[tilespmem:v17+s17+$0x0] =	vst.idx.add.s32.msk $0xffff, v2  }
0x93: {  	v9 =	vand.u32 $0x7FFFFFFF, v16;
	v10 =	vand.u32 $0x7F, v14;
	v4 =	vshrl.u32 v4, $0x14;
	[tilespmem:v5+s17+$0x0] =	vst.idx.add.s32.msk $0xffff, v2  }
0x94: {  	v12 =	vand.u32 $0xF80, v8;
	v11 =	vshrl.u32 v9, $0x14;
	v5 =	vand.u32 $0xF80, v4;
	v13 =	vld [tilespmem:s16+$0x4070]  }
0x95: {  	s19 =	sadd.s32 $0x8, s19;
	s20 =	sadd.s32 $0x400, s20;
	v16 =	vand.u32 $0xF80, v15;
	v9 =	vand.u32 $0xF80, v11;
	v5 =	vor.u32 v1, v5;
	[tilespmem:v20+s17+$0x0] =	vst.idx.add.s32.msk $0xffff, v2  }
0x96: {  	v15 =	vand.u32 $0x7F, v15  }
0x97: {  	v17 =	vld [tilespmem:s16+$0x4000];
	v16 =	vor.u32 v1, v16;
	v14 =	vand.u32 $0xF80, v14;
	v8 =	vand.u32 $0x7F, v8  }
0x98: {  	v6 =	vand.u32 $0x7F, v6;
	v7 =	vor.u32 v1, v7;
	v12 =	vor.u32 v1, v12  }
0x99: {  	v11 =	vand.u32 $0x7F, v11;
	v4 =	vand.u32 $0x7F, v4;
	v6 =	vor.u32 v6, v7  }
0x9a: {  	v9 =	vor.u32 v1, v9;
	v15 =	vor.u32 v15, v16;
	v14 =	vor.u32 v1, v14  }
0x9b: {  	v8 =	vor.u32 v8, v12;
	v4 =	vor.u32 v4, v5;
	v7 =	vand.u32 $0x7FFFFFFF, v13  }
0x9c: {  	v10 =	vor.u32 v10, v14;
	v7 =	vshrl.u32 v7, $0x14;
	v62 =	vand.u32 $0x7FFFFFFF, v17  }
0x9d: {  	[tilespmem:v3+s17+$0x0] =	vst.idx.add.s32.msk $0xffff, v2;
	s30 =	simm.s32 $0x8000;
	v61 =	vand.u32 $0xF80, v7;
	v7 =	vand.u32 $0x7F, v7;
	v3 =	vshrl.u32 v62, $0x14  }
0x9e: {  	v12 =	vor.u32 v1, v61;
	[tilespmem:v6+s30+$0x0] =	vst.idx.add.s32.msk $0xffff, v2;
	v6 =	vor.u32 v11, v9;
	v63 =	vand.u32 $0xF80, v3  }
0x9f: {  	[tilespmem:v15+s30+$0x0] =	vst.idx.add.s32.msk $0xffff, v2;
	v7 =	vor.u32 v7, v12;
	v3 =	vand.u32 $0x7F, v3;
	v5 =	vor.u32 v1, v63  }
0xa0: {  	[tilespmem:v8+s30+$0x0] =	vst.idx.add.s32.msk $0xffff, v2;
	v3 =	vor.u32 v3, v5  }
0xa1: {  	[tilespmem:v4+s30+$0x0] =	vst.idx.add.s32.msk $0xffff, v2  }
0xa2: {  	[tilespmem:v10+s30+$0x0] =	vst.idx.add.s32.msk $0xffff, v2  }
0xa3: {  	[tilespmem:v6+s30+$0x0] =	vst.idx.add.s32.msk $0xffff, v2  }
0xa4: {  	[tilespmem:v7+s30+$0x0] =	vst.idx.add.s32.msk $0xffff, v2  }
0xa5: {  	s31 =	simm.s32 $0x0;
	[tilespmem:v3+s30+$0x0] =	vst.idx.add.s32.msk $0xffff, v2  }
0xa6: {  	s16 =	sand.u32 $0x7F0, s31;
	v3 =	vld [tilespmem:s30+$0x0]  }
0xa7: {  	v4 =	vld [tilespmem:s16+$0x8800]  }
0xa8: {  	v5 =	vld [tilespmem:s16+$0x9000]  }
0xa9: {  	v6 =	vld [tilespmem:s16+$0x9800]  }
0xaa: {  	v7 =	vld [tilespmem:s16+$0xA000]  }
0xab: {  	v8 =	vld [tilespmem:s16+$0xA800]  }
0xac: {  	v3 =	vadd.s32 v3, v4;
	v4 =	vld [tilespmem:s16+$0xB000]  }
0xad: {  	v9 =	vld [tilespmem:s16+$0xB800];
	v3 =	vadd.s32 v5, v3  }
0xae: {  	v3 =	vadd.s32 v6, v3;
	v6 =	vld [tilespmem:s16+$0xC000]  }
0xaf: {  	p1 =	por $0x1, $0x1;
	v3 =	vadd.s32 v7, v3;
	v7 =	vld [tilespmem:s16+$0xC800]  }
.Ltmp3:
0xb0: {  	v5 =	vld [tilespmem:s16+$0xD000];
	v3 =	vadd.s32 v8, v3;
	(pc) =	sbr.rel @!p1 .LBB2_8-.Ltmp3, $4  }
0xb1: {  	v4 =	vadd.s32 v4, v3;
	v3 =	vld [tilespmem:s16+$0xD800]  }
0xb2: {  	v8 =	vadd.s32 v9, v4;
	v4 =	vld [tilespmem:s16+$0xE000]  }
0xb3: {  	v8 =	vadd.s32 v6, v8;
	v6 =	vld [tilespmem:s16+$0xE800]  }
0xb4: {  	s17 =	simm.s32 $0x10000;
	p0 =	por $0x0, $0x0;
	v8 =	vadd.s32 v7, v8;
	v7 =	vld [tilespmem:s16+$0xF000]  }
0xb5: {  	s18 =	simm.s32 $0x10;
	v9 =	vld [tilespmem:s16+$0xF800];
	s19 =	simm.s32 $0x8010  }
0xb6: {  	v10 =	vld [tilespmem:s19+$0x0];
	s16 =	sand.u32 $0x7F0, s18  }
0xb7: {  	v11 =	vld [tilespmem:s16+$0x8800]  }
0xb8: {  	v12 =	vld [tilespmem:s16+$0x9000]  }
0xb9: {  	v13 =	vld [tilespmem:s16+$0x9800]  }
0xba: {  	v14 =	vld [tilespmem:s16+$0xA000]  }
0xbb: {  	v15 =	vld [tilespmem:s16+$0xA800]  }
0xbc: {  	v10 =	vadd.s32 v10, v11;
	v11 =	vld [tilespmem:s16+$0xB000]  }
0xbd: {  	v63 =	vld [tilespmem:s16+$0xB800];
	v10 =	vadd.s32 v12, v10  }
0xbe: {  	v5 =	vadd.s32 v5, v8;
	v8 =	vadd.s32 v13, v10;
	v10 =	vld [tilespmem:s16+$0xC000]  }
0xbf: {  	p1 =	por $0x1, $0x1;
	v3 =	vadd.s32 v3, v5;
	v5 =	vadd.s32 v14, v8;
	v8 =	vld [tilespmem:s16+$0xC800]  }
.Ltmp4:
0xc0: {  	v3 =	vadd.s32 v4, v3;
	v4 =	vadd.s32 v15, v5;
	v5 =	vld [tilespmem:s16+$0xD000];
	(pc) =	sbr.rel @!p1 .LBB2_10-.Ltmp4, $4  }
0xc1: {  	v6 =	vadd.s32 v6, v3;
	v3 =	vld [tilespmem:s16+$0xD800];
	v4 =	vadd.s32 v11, v4  }
0xc2: {  	v6 =	vadd.s32 v7, v6;
	v7 =	vadd.s32 v63, v4;
	v4 =	vld [tilespmem:s16+$0xE000]  }
0xc3: {  	v9 =	vadd.s32 v9, v6;
	v6 =	vld [tilespmem:s16+$0xE800];
	v7 =	vadd.s32 v10, v7  }
0xc4: {  	p0 =	por $0x1, $0x1;
	s20 =	simm.s32 $0x10000;
	[tilespmem:s17+$0x0] =	vst v9;
	v8 =	vadd.s32 v8, v7;
	v7 =	vld [tilespmem:s16+$0xF000]  }
.LBB2_11:
0xc5: {  	s18 =	sadd.s32 $0x10, s18;
	v5 =	vadd.s32 v5, v8;
	v8 =	vld [tilespmem:s16+$0xF800];
	s19 =	sadd.s32 $0x10, s19  }
0xc6: {  	v9 =	vld [tilespmem:s19+$0x0];
	s16 =	sand.u32 $0x7F0, s18;
	p1 =	slt.u32 s18, $0x7F0;
	v3 =	vadd.s32 v3, v5  }
0xc7: {  	v5 =	vld [tilespmem:s16+$0x8800];
	v3 =	vadd.s32 v4, v3  }
0xc8: {  	v4 =	vld [tilespmem:s16+$0x9000];
	v3 =	vadd.s32 v6, v3  }
0xc9: {  	v6 =	vld [tilespmem:s16+$0x9800];
	v3 =	vadd.s32 v7, v3  }
0xca: {  	s20 =	sadd.s32 $0x10, s20;
	v7 =	vld [tilespmem:s16+$0xA000];
	v3 =	vadd.s32 v8, v3  }
0xcb: {  	v8 =	vld [tilespmem:s16+$0xA800];
	[tilespmem:s20+$0x0] =	vst v3  }
0xcc: {  	v3 =	vadd.s32 v9, v5;
	v9 =	vld [tilespmem:s16+$0xB000]  }
0xcd: {  	v3 =	vadd.s32 v4, v3;
	v4 =	vld [tilespmem:s16+$0xB800]  }
0xce: {  	v3 =	vadd.s32 v6, v3;
	v6 =	vld [tilespmem:s16+$0xC000]  }
0xcf: {  	v3 =	vadd.s32 v7, v3;
	v7 =	vld [tilespmem:s16+$0xC800]  }
.Ltmp5:
0xd0: {  	v3 =	vadd.s32 v8, v3;
	v5 =	vld [tilespmem:s16+$0xD000];
	(pc) =	sbr.rel @p1 .LBB2_11-.Ltmp5, $4  }
0xd1: {  	v8 =	vadd.s32 v9, v3;
	v3 =	vld [tilespmem:s16+$0xD800]  }
0xd2: {  	v8 =	vadd.s32 v4, v8;
	v4 =	vld [tilespmem:s16+$0xE000]  }
0xd3: {  	v8 =	vadd.s32 v6, v8;
	v6 =	vld [tilespmem:s16+$0xE800]  }
0xd4: {  	v8 =	vadd.s32 v7, v8;
	v7 =	vld [tilespmem:s16+$0xF000]  }
.LBB2_12:
0xd5: {  	v5 =	vadd.s32 v5, v8;
	v63 =	vld [tilespmem:s16+$0xF800]  }
0xd6: {  	v3 =	vadd.s32 v3, v5  }
0xd7: {  	v3 =	vadd.s32 v4, v3  }
0xd8: {  	v3 =	vadd.s32 v6, v3  }
0xd9: {  	s16 =	sadd.s32 @p0 $0x10, s20;
	v3 =	vadd.s32 v7, v3  }
0xda: {  	s15 =	sadd.s32 $0x1, s15;
	s17 =	smov.u32 @p0 s16;
	v3 =	vadd.s32 v63, v3  }
0xdb: {  	p0 =	sne.s32 s15, s7;
	[tilespmem:s17+$0x0] =	vst v3  }
0xdc: {  	[hbm4b:s6+s3] =	stream.linear.scatter [tilespmem:s14], [sflag:$0x3], $0x800, $0x38;
	[tilespmem:$0x10880] =	vst v63  }
.Ltmp6:
0xdd: {  	_ = 	snop;
	(pc) =	sbr.rel @p0 .LBB2_1-.Ltmp6, $4  }
.Ltmp7:
0xde: {  	_ = 	snop;
	(pc) =	sbr.rel @!p0 .LBB2_13-.Ltmp7, $4  }
0xdf: {  	_ =	swait.ge [sflag:s9], $0x800  }
0xe0: {  	[sflag:s9] =	ssyncset.done $0x0  }
0xe1: {  	[sflag:s9] =	ssyncadd.s32 $0xFFFFF800  }
0xe2: {  	_ = 	snop  }
.LBB2_8:
.Ltmp8:
0xe3: {  	(pc) =	sbr.rel .LBB2_12-.Ltmp8, $2  }
0xe4: {  	_ =	sdelay $0x2  }
0xe5: {  	s20 =	simm.s32 $0x10000  }
.LBB2_10:
.Ltmp9:
0xe6: {  	(pc) =	sbr.rel .LBB2_12-.Ltmp9, $2  }
0xe7: {  	_ =	sdelay $0x2  }
0xe8: {  	s20 =	simm.s32 $0x10000  }
.LBB2_13:
0xe9: {  	_ =	sfence.sel $0x180000  }
0xea: {  	[bflag:$0x0] =	sbarrier.arrive $0xFFFF  }
0xeb: {  	p0 =	sne.s32 s1, $0x0;
	_ =	strace $0x9000004D  }
0xec: {  	s0 =	sadd.s32 @!p0 $0x100000, s0;
	[bflag:$0x2] =	sbarrier.arrive $0xFFFF  }
0xed: {  	[sflag:s0] =	ssyncadd.tile.s32 @!p0 $0x1;
	_ =	shalt  }
.Lfunc_end2:
_tile_overlayer_lowered:
.L_overlay_start_2:
0xee: {  	(tag) =	ssettag $0x2  }
0xef: {  	s0 =	rddreg [dreg:$0x0];
	s2 =	stileid.u32  }
0xf0: {  	s1 =	rddreg [dreg:$0x1];
	p0 =	sne.s32 s2, $0x0  }
0xf1: {  	s3 =	rddreg [dreg:$0x2];
	[bflag:$0x3] =	sbarrier.arrive $0xFFFF;
	s2 =	simm.s32 @!p0 $0x1C03  }
0xf2: {  	[timem:s3], [sflag:s2] =	dma.local @!p0 [hbm:s0], s1  }
0xf3: {  	s0 =	simm.s32 @!p0 $0x3  }
0xf4: {  	_ =	swait.ge @!p0 [sflag:s0], s1  }
0xf5: {  	s1 =	ssub.s32 @!p0 $0x0, s1;
	[sflag:s0] =	ssyncset.done @!p0 $0x0  }
0xf6: {  	[sflag:s0] =	ssyncadd.s32 @!p0 s1  }
0xf7: {  	[bflag:$0x3] =	sbarrier.arrive $0xFFFF  }
0xf8: {  	_ =	shalt  }

// kernel: kernel.8.cloned.1.call-start
scs
__scs_entry_jumppad:
0x0: {  	(pc) =	sbr.rel $0x88, $3  }
0x1: {  	(tag) =	ssettag $0x0;
	lr =	simm.s32 $0x1  }
0x2: {  	[smem:$0x3FA0] =	sst lr;
	_ =	strace $0xD0000000  }
0x3: {  	_ = 	snop  }
0x4: {  	_ = 	snop  }
0x5: {  	_ = 	snop  }
0x6: {  	_ = 	snop  }
0x7: {  	_ = 	snop  }
__scs_overlays_trampoline_lowered:
0x8: {  	[smem:$0x3FAF] =	sst s0  }
0x9: {  	[smem:$0x3FB0] =	sst s1  }
0xa: {  	[smem:$0x3FB1] =	sst s2  }
0xb: {  	[smem:$0x3FB2] =	sst s3  }
0xc: {  	[smem:$0x3FB3] =	sst s4  }
0xd: {  	[smem:$0x3FB4] =	sst s5  }
0xe: {  	[smem:$0x3FB5] =	sst s6  }
0xf: {  	[smem:$0x3FB6] =	sst s7  }
0x10: {  	[smem:$0x3FB7] =	sst s8  }
0x11: {  	[smem:$0x3FB8] =	sst s9;
	s0 =	simm.s32 @!p0 $0x0  }
0x12: {  	s1 =	sld [smem:$0x3F9E];
	s0 =	simm.s32 @p0 $0x1  }
0x13: {  	[smem:$0x3FB9] =	sst s0;
	s0 =	simm.s32 @!p1 $0x0  }
0x14: {  	s2 =	sld [smem:$0x3F9D];
	s0 =	simm.s32 @p1 $0x1  }
0x15: {  	[smem:$0x3FBA] =	sst s0;
	s0 =	simm.s32 @!p2 $0x0  }
0x16: {  	s3 =	sld [smem:$0x3FDB];
	s0 =	simm.s32 @p2 $0x1  }
0x17: {  	s4 =	simm.s32 $0x1BF5;
	[smem:$0x3FBC] =	sst s0  }
0x18: {  	s0 =	sld [smem:$0x3F9F];
	_ =	swait.ge [sflag:s4], $0x0  }
0x19: {  	s7 =	sld [smem:$0x3FA0]  }
0x1a: {  	s8 =	sadd.s32 $0xFFFFE003, lr  }
0x1b: {  	s9 =	sadd.s32 $0xFFFFFEF7, lr;
	s5 =	simm.s32 $0xFFFFFFFF;
	p2 =	slt.u32 s8, $0xFFFFF086  }
0x1c: {  	p1 =	slt.u32 s9, $0xF7A;
	s5 =	simm.s32 @!p2 $0x0  }
0x1d: {  	s5 =	simm.s32 @p1 $0x1;
	p0 =	seq.s32 s7, s2  }
0x1e: {  	s7 =	smul.u32 @!p0 $0xF7A, s2;
	p2 =	seq.s32 @!p0 s5, $0x0  }
0x1f: {  	s9 =	smul.u32 $0xF7A, s1;
	s8 =	simm.s32 @!p0 $0x1BF5;
	p2 =	por !p2, p0  }
0x20: {  	[sflag:s8] =	ssyncset.s32 @!p0 $0xFFFFF086;
	s6 =	sadd.s32 @!p0 s3, s7;
	s7 =	simm.s32 @!p0 $0x108  }
0x21: {  	s3 =	sadd.s32 s3, s9;
	s6 =	sadd.s32 @!p0 $0x88, s6;
	s7 =	simm.s32 @p2 $0x1082  }
0x22: {  	[simem:s7], [sflag:s8] =	dma.local @!p0 [hbm:s6], $0xF7A  }
0x23: {  	s9 =	sor.u32 $0xD0000000, s2;
	s6 =	simm.s32 $0x108;
	_ =	swait.ge @!p0 [sflag:s8], $0x0  }
0x24: {  	s3 =	sadd.s32 $0x88, s3;
	s6 =	simm.s32 @!p1 $0x1082;
	[sflag:s4] =	ssyncset.s32 $0xFFFFF086  }
0x25: {  	[simem:s6], [sflag:s4] =	dma.local [hbm:s3], $0xF7A  }
0x26: {  	[smem:$0x3FA0] =	sst s1;
	(tag) =	ssettag s2;
	_ =	strace s9  }
0x27: {  	s1 =	sld [smem:$0x3FB0]  }
0x28: {  	s2 =	sld [smem:$0x3FB1]  }
0x29: {  	s4 =	sld [smem:$0x3FB3]  }
0x2a: {  	p0 =	seq.s32 s5, $0x0;
	s5 =	sld [smem:$0x3FB4]  }
0x2b: {  	s6 =	sld [smem:$0x3FB5]  }
0x2c: {  	s7 =	sld [smem:$0x3FB6]  }
0x2d: {  	s3 =	simm.s32 $0x108;
	s8 =	sld [smem:$0x3FB7]  }
0x2e: {  	s3 =	simm.s32 @!p0 $0x1082;
	s9 =	sld [smem:$0x3FB8]  }
0x2f: {  	lr =	sadd.s32 s0, s3;
	s0 =	sld [smem:$0x3FAF]  }
0x30: {  	s3 =	sld [smem:$0x3FB2]  }
0x31: {  	[smem:$0x3FBB] =	sst s10  }
0x32: {  	s10 =	sld [smem:$0x3FB9];
	_ =	sdelay $0x3  }
0x33: {  	p0 =	seq.s32 s10, $0x1;
	s10 =	sld [smem:$0x3FBB];
	_ =	sdelay $0x3  }
0x34: {  	[smem:$0x3FBB] =	sst s10  }
0x35: {  	s10 =	sld [smem:$0x3FBA];
	_ =	sdelay $0x3  }
0x36: {  	p1 =	seq.s32 s10, $0x1;
	s10 =	sld [smem:$0x3FBB];
	_ =	sdelay $0x3  }
0x37: {  	[smem:$0x3FBB] =	sst s10  }
0x38: {  	s10 =	sld [smem:$0x3FBC]  }
0x39: {  	_ = 	snop;
	(pc) =	sbr.ind lr, $3  }
0x3a: {  	_ = 	snop  }
0x3b: {  	_ = 	snop  }
0x3c: {  	p2 =	seq.s32 s10, $0x1;
	s10 =	sld [smem:$0x3FBB]  }
0x3d: {  	_ =	shalt  }
0x3e: {  	_ =	shalt  }
0x3f: {  	_ =	shalt  }
0x40: {  	_ =	shalt  }
0x41: {  	_ =	shalt  }
0x42: {  	_ =	shalt  }
0x43: {  	_ =	shalt  }
0x44: {  	_ =	shalt  }
0x45: {  	_ =	shalt  }
0x46: {  	_ =	shalt  }
0x47: {  	_ =	shalt  }
0x48: {  	_ =	shalt  }
0x49: {  	_ =	shalt  }
0x4a: {  	_ =	shalt  }
0x4b: {  	_ =	shalt  }
0x4c: {  	_ =	shalt  }
0x4d: {  	_ =	shalt  }
0x4e: {  	_ =	shalt  }
0x4f: {  	_ =	shalt  }
0x50: {  	_ =	shalt  }
0x51: {  	_ =	shalt  }
0x52: {  	_ =	shalt  }
0x53: {  	_ =	shalt  }
0x54: {  	_ =	shalt  }
0x55: {  	_ =	shalt  }
0x56: {  	_ =	shalt  }
0x57: {  	_ =	shalt  }
0x58: {  	_ =	shalt  }
0x59: {  	_ =	shalt  }
0x5a: {  	_ =	shalt  }
0x5b: {  	_ =	shalt  }
0x5c: {  	_ =	shalt  }
0x5d: {  	_ =	shalt  }
0x5e: {  	_ =	shalt  }
0x5f: {  	_ =	shalt  }
0x60: {  	_ =	shalt  }
0x61: {  	_ =	shalt  }
0x62: {  	_ =	shalt  }
0x63: {  	_ =	shalt  }
0x64: {  	_ =	shalt  }
0x65: {  	_ =	shalt  }
0x66: {  	_ =	shalt  }
0x67: {  	_ =	shalt  }
0x68: {  	_ =	shalt  }
0x69: {  	_ =	shalt  }
0x6a: {  	_ =	shalt  }
0x6b: {  	_ =	shalt  }
0x6c: {  	_ =	shalt  }
0x6d: {  	_ =	shalt  }
0x6e: {  	_ =	shalt  }
0x6f: {  	_ =	shalt  }
0x70: {  	_ =	shalt  }
0x71: {  	_ =	shalt  }
0x72: {  	_ =	shalt  }
0x73: {  	_ =	shalt  }
0x74: {  	_ =	shalt  }
0x75: {  	_ =	shalt  }
0x76: {  	_ =	shalt  }
0x77: {  	_ =	shalt  }
0x78: {  	_ =	shalt  }
0x79: {  	_ =	shalt  }
0x7a: {  	_ =	shalt  }
0x7b: {  	_ =	shalt  }
0x7c: {  	_ =	shalt  }
0x7d: {  	_ =	shalt  }
0x7e: {  	_ =	shalt  }
0x7f: {  	_ =	shalt  }
0x80: {  	_ =	shalt  }
0x81: {  	_ =	shalt  }
0x82: {  	_ =	shalt  }
0x83: {  	_ =	shalt  }
0x84: {  	_ =	shalt  }
0x85: {  	_ =	shalt  }
0x86: {  	_ =	shalt  }
0x87: {  	_ =	shalt  }
.Lfunc_end0:
.L_simem_size_0:
called_computation.3_lowered:
.L_overlay_start_0:
0x88: {  	s2 =	sld [smem:$0x3FD9]  }
0x89: {  	s3 =	sld [smem:$0x3FFE];
	_ =	sdelay $0x1  }
0x8a: {  	s1 =	srdreg.scid  }
0x8b: {  	s0 =	sand.u32 $0x1, s1  }
0x8c: {  	s17 =	sshll.u32 s0, $0xA;
	s2 =	sadd.s32 s3, s2  }
0x8d: {  	s2 =	sadd.s32 s2, s17  }
0x8e: {  	[smem:$0x3FC7] =	sst s2  }
0x8f: {  	_ = 	snop  }
0x90: {  	s2 =	sld [smem:$0x3FC9]  }
0x91: {  	s18 =	sld [smem:$0x3FD0];
	(tm) =	ssettm $0x1  }
0x92: {  	s4 =	sld [smem:$0x3FFB];
	_ =	sdelay $0x3  }
0x93: {  	_ =	strace s4  }
0x94: {  	s4 =	sld [smem:$0x3FFC];
	_ =	sdelay $0x3  }
0x95: {  	_ =	strace s4  }
0x96: {  	s4 =	sld [smem:$0x3FFD];
	_ =	sdelay $0x3  }
0x97: {  	_ =	strace s4  }
0x98: {  	_ =	strace $0x8FFFFFFF  }
0x99: {  	s19 =	sld [smem:$0x3FDB];
	_ =	sdelay $0x1  }
0x9a: {  	s5 =	simm.s32 $_scs_section_size  }
0x9b: {  	s6 =	simm.s32 $_size__tile_overlayer_lowered;
	s7 =	simm.s32 $_tile_overlayer_lowered  }
0x9c: {  	s22 =	simm.s32 $0x1BFF;
	s21 =	sshll.u32 s7, $0x1;
	s4 =	sadd.s32 s5, s19  }
0x9d: {  	s8 =	simm.s32 $0x0;
	s20 =	sshll.u32 s6, $0x1;
	s6 =	sadd.s32 s21, s4  }
0x9e: {  	[timem:s8], [sflag:s22] =	dma.local [hbm:s6], s20  }
0x9f: {  	_ =	swait.ge [sflag:s22], s20  }
0xa0: {  	s5 =	ssub.s32 $0x0, s20;
	[sflag:s22] =	ssyncset.done $0x0  }
0xa1: {  	[sflag:s22] =	ssyncadd.s32 s5;
	_ =	sdelay $0x1  }
0xa2: {  	s23 =	simm.s32 $0x1B8B  }
0xa3: {  	_ =	swait.ge [sflag:s23], $0x1  }
0xa4: {  	[sflag:s23] =	ssyncset.done $0x0  }
0xa5: {  	s25 =	simm.s32 $0x1B8E;
	s24 =	sld [smem:$0x3FFE];
	[sflag:s23] =	ssyncadd.s32 $0xFFFFFFFF  }
0xa6: {  	s26 =	simm.s32 $execute0_lowered;
	[smem:$0x3FD2] =	sst s25  }
0xa7: {  	s6 =	sshll.u32 s26, $0x1;
	_ =	strace $0x8000004F;
	[dreg:$0x1] =	wrdreg $0xFFFFFFFF  }
0xa8: {  	s28 =	simm.s32 $_size_execute0_lowered;
	s4 =	sadd.s32 s4, s6;
	[dreg:$0x0] =	wrdreg $0x0  }
0xa9: {  	s6 =	sshll.u32 s28, $0x1;
	[dreg:$0x2] =	wrdreg s4  }
0xaa: {  	[dreg:$0x3] =	wrdreg s6  }
0xab: {  	[dreg:$0x4] =	wrdreg $0xC0  }
0xac: {  	_ =	task [dreg:s8], $0x5FFFF  }
0xad: {  	[dreg:$0x1] =	wrdreg $0xFFFFFFFF  }
0xae: {  	[dreg:$0x0] =	wrdreg $0x60  }
0xaf: {  	[dreg:$0x2] =	wrdreg s2  }
0xb0: {  	[dreg:$0x3] =	wrdreg s24  }
0xb1: {  	[dreg:$0x4] =	wrdreg s18  }
0xb2: {  	[dreg:$0x5] =	wrdreg $0x9  }
0xb3: {  	_ =	task.clear_ibuf [dreg:s8], $0x6FFFF;
	_ =	strace $0x9000004F  }
0xb4: {  	s29 =	simm.s32 $0x9;
	_ =	strace $0x80000051  }
0xb5: {  	_ =	swait.ge [sflag:s29], $0x1  }
0xb6: {  	[sflag:s29] =	ssyncadd.s32 $0xFFFFFFFF  }
0xb7: {  	_ =	strace $0x90000051  }
0xb8: {  	_ =	sfence  }
0xb9: {  	s30 =	sld [smem:$0x0];
	_ =	sdelay $0x2  }
0xba: {  	s31 =	sshll.u32 s1, $0xD;
	s1 =	sshrl.u32 s1, $0x2  }
0xbb: {  	s3 =	sand.u32 $0x4000, s31;
	s1 =	sadd.s32 s1, s30  }
0xbc: {  	s0 =	sor.u32 s3, s0;
	s1 =	sshll.u32 s1, $0x11  }
0xbd: {  	s0 =	sor.u32 s1, s0  }
0xbe: {  	s0 =	sadd.s32 $0x8F2B, s0  }
0xbf: {  	[sflag:s0] =	ssyncadd.remote.s32 $0x1  }
0xc0: {  	_ =	sfence.sel $0xFFFF  }
0xc1: {  	[dreg:$0x0] =	wrdreg $0xFFFFFFFF;
	(pc) =	sbr.abs _section_cstart, $3  }
0xc2: {  	[dreg:$0x1] =	wrdreg $0xFFFFFFFF  }
0xc3: {  	_ =	task.clear_ibuf [dreg:s8], $0x2FFFF;
	_ =	strace $0x9FFFFFFF  }
0xc4: {  	(tm) =	ssettm $0x7FFFFFFF  }
0xc5: {  	_ =	shalt  }
tec
execute0_lowered:
.L_overlay_start_1:
0x0: {  	(tag) =	ssettag $0x1  }
0x1: {  	s8 =	rddreg [dreg:$0x0]  }
0x2: {  	s3 =	rddreg [dreg:$0x1]  }
0x3: {  	s9 =	rddreg [dreg:$0x2]  }
0x4: {  	s0 =	rddreg [dreg:$0x3]  }
0x5: {  	s4 =	srdreg.scid;
	s1 =	stileid.u32  }
0x6: {  	s2 =	simm.s32 $0x0;
	s12 =	simm.s32 $0x3;
	s13 =	simm.s32 $0x8000  }
0x7: {  	s14 =	simm.s32 $0x1;
	s15 =	simm.s32 $0x10000;
	s16 =	simm.s32 $0x2  }
0x8: {  	s17 =	simm.s32 $0x18000;
	s18 =	simm.s32 $0x0;
	s4 =	sand.u32 $0x1, s4  }
0x9: {  	s5 =	sshll.u32 s1, $0x1;
	[smem:$0x7FF] =	sst s2;
	s3 =	sadd.s32 $0x200, s3  }
0xa: {  	s6 =	ssub.s32 $0x2, s4;
	s7 =	sor.u32 s4, s5;
	_ =	strace $0x80000050  }
0xb: {  	s31 =	sshrl.u32 s6, $0x1;
	s5 =	sshll.u32 s7, $0x11;
	s11 =	sshll.u32 s7, $0x8  }
0xc: {  	s10 =	ssub.s32 s6, s31;
	s4 =	sadd.s32 s8, s5;
	s5 =	sshll.u32 s7, $0x9  }
0xd: {  	v1 =	vlaneseq.u32;
	s7 =	sadd.s32 $0x2000, s8;
	s8 =	sadd.s32 $0x3000, s8;
	s9 =	sadd.s32 s9, s11  }
0xe: {  	v0 =	vimm.s32 $0x0;
	v2 =	vimm.s32 $0x1;
	v1 =	vmul.u32 $0x800, v1;
	s11 =	simm.s32 $0x18800;
	s6 =	sadd.s32 $0x1000, s4;
	s10 =	smax.u32 s10, $0x1  }
.LBB2_1:
0xf: {  	s19 =	simm.s32 $0x10040  }
0x10: {  	[tilespmem:s19+$0xFFFFFFC0] =	vst v0  }
0x11: {  	[tilespmem:s19+$0x30] =	vst v0  }
0x12: {  	[tilespmem:s19+$0x20] =	vst v0  }
0x13: {  	[tilespmem:s19+$0x10] =	vst v0  }
0x14: {  	[tilespmem:s19+$0x0] =	vst v0  }
0x15: {  	[tilespmem:s19+$0xFFFFFFF0] =	vst v0  }
0x16: {  	s20 =	simm.s32 $0x0;
	[tilespmem:s19+$0xFFFFFFE0] =	vst v0  }
.LBB2_2:
0x17: {  	s20 =	sadd.s32 $0x80, s20;
	[tilespmem:s19+$0xFFFFFFD0] =	vst v0;
	s19 =	sadd.s32 $0x80, s19  }
0x18: {  	[tilespmem:s19+$0xFFFFFFC0] =	vst v0;
	p0 =	slt.u32 s20, $0x7F80  }
0x19: {  	[tilespmem:s19+$0x30] =	vst v0  }
.Ltmp0:
0x1a: {  	[tilespmem:s19+$0x20] =	vst v0;
	(pc) =	sbr.rel @p0 .LBB2_2-.Ltmp0, $4  }
0x1b: {  	[tilespmem:s19+$0x10] =	vst v0  }
0x1c: {  	[tilespmem:s19+$0x0] =	vst v0  }
0x1d: {  	[tilespmem:s19+$0xFFFFFFF0] =	vst v0  }
0x1e: {  	[tilespmem:s19+$0xFFFFFFE0] =	vst v0  }
0x1f: {  	[tilespmem:s19+$0xFFFFFFD0] =	vst v0;
	s19 =	simm.s32 $0x0  }
0x20: {  	[tilespmem:s11], [sflag:$0x3] =	stream.linear.gather [hbm4b:s3+s19], $0x80, $0x38;
	[tilespmem:$0x18880] =	vst v63  }
0x21: {  	_ =	swait.ge [sflag:s12], $0x80  }
0x22: {  	[sflag:s12] =	ssyncset.done $0x0  }
0x23: {  	[sflag:s12] =	ssyncadd.s32 $0xFFFFFF80  }
0x24: {  	v3 =	vld [tilespmem:$0x18800];
	_ =	sdelay $0x1  }
0x25: {  	[tilespmem:s19], [sflag:$0x1] =	stream.linear.gather [hbm4b:s4+s19], $0x8000, $0x38;
	[tilespmem:$0x18880] =	vst v63  }
0x26: {  	s20 =	simm.s32 $0x0  }
0x27: {  	[tilespmem:s13], [sflag:$0x2] =	stream.linear.gather [hbm4b:s6+s19], $0x8000, $0x38;
	[tilespmem:$0x18880] =	vst v63  }
.LBB2_4:
0x28: {  	s22 =	simm.s32 $0x0  }
0x29: {  	_ =	swait.ge [sflag:s14], $0x8000;
	s23 =	sand.u32 $0x3800, s19;
	s21 =	sand.u32 $0x4000, s22  }
0x2a: {  	s24 =	sand.u32 $0x380, s19;
	[sflag:s14] =	ssyncset.done $0x0;
	s21 =	sor.u32 s23, s21  }
0x2b: {  	[sflag:s14] =	ssyncadd.s32 $0xFFFF8000;
	s21 =	sor.u32 s24, s21  }
0x2c: {  	v4 =	vld [tilespmem:s21+$0x470]  }
0x2d: {  	v5 =	vld [tilespmem:s21+$0x10]  }
0x2e: {  	v6 =	vld [tilespmem:s21+$0x20]  }
0x2f: {  	v7 =	vld [tilespmem:s21+$0x410]  }
0x30: {  	v9 =	vld [tilespmem:s21+$0x420]  }
0x31: {  	v10 =	vld [tilespmem:s21+$0x60]  }
0x32: {  	v11 =	vld [tilespmem:s21+$0x400];
	_ =	sdelay $0x1  }
0x33: {  	v13 =	vld [tilespmem:s21+$0x70]  }
0x34: {  	v4 =	vand.u32 $0x7FFFFFFF, v4;
	v6 =	vand.u32 $0x7FFFFFFF, v6  }
0x35: {  	v12 =	vand.u32 $0x7FFFFFFF, v9;
	v17 =	vand.u32 $0x7FFFFFFF, v5;
	v5 =	vand.u32 $0x7FFFFFFF, v10  }
0x36: {  	v14 =	vld [tilespmem:s21+$0x450];
	v18 =	vand.u32 $0x7FFFFFFF, v7;
	v7 =	vand.u32 $0x7FFFFFFF, v11;
	v8 =	vsub.s32 v4, v3  }
0x37: {  	v16 =	vld [tilespmem:s21+$0x30];
	vm6 =	vge.s32 v6, v3;
	vm3 =	vge.s32 v4, v3;
	v4 =	vsub.s32 v6, v3  }
0x38: {  	v20 =	vld [tilespmem:s21+$0x440];
	v15 =	vsub.s32 v12, v3;
	v21 =	vsub.s32 v5, v3;
	v6 =	vand.u32 $0x7FFFFFFF, v13  }
0x39: {  	v9 =	vld [tilespmem:s21+$0x430];
	v10 =	vsub.s32 v18, v3;
	vm11 =	vge.s32 v7, v3;
	vm7 =	vge.s32 v18, v3  }
0x3a: {  	v11 =	vld [tilespmem:s21+$0x460];
	vm2 =	vge.s32 v17, v3;
	v8 =	vshrl.u32 v8, $0x7;
	v4 =	vshrl.u32 v4, $0x7  }
0x3b: {  	v22 =	vshrl.u32 v15, $0x7;
	v13 =	vshrl.u32 v10, $0x7;
	v15 =	vand.u32 $0x7FFFFFFF, v14  }
0x3c: {  	v10 =	vand.u32 $0x7FFFFFFF, v16;
	v8 =	vmin.u32 v8, $0x7FF;
	v13 =	vmin.u32 v13, $0x7F9  }
0x3d: {  	v14 =	vsub.s32 v10, v3;
	v8 =	vor.u32 v1, v8;
	v19 =	vor.u32 v1, v13  }
0x3e: {  	v16 =	vshrl.u32 v14, $0x7;
	v14 =	vsub.s32 v15, v3;
	v18 =	vand.u32 $0x7FFFFFFF, v9  }
0x3f: {  	v9 =	vand.u32 $0x7FFFFFFF, v20;
	v11 =	vand.u32 $0x7FFFFFFF, v11;
	v20 =	vmin.u32 v22, $0x7FA  }
0x40: {  	v14 =	vshrl.u32 v14, $0x7;
	v22 =	vshrl.u32 v21, $0x7;
	v23 =	vsub.s32 v11, v3  }
0x41: {  	vm1 =	vge.s32 v9, v3;
	v21 =	vsub.s32 v9, v3;
	v9 =	vld [tilespmem:s21+$0x0];
	v23 =	vshrl.u32 v23, $0x7  }
0x42: {  	s23 =	simm.s32 $0x0;
	s24 =	simm.s32 $0x0;
	v13 =	vsub.s32 v18, v3;
	vm0 =	vge.s32 v11, v3;
	v11 =	vmin.u32 v23, $0x7FE  }
.LBB2_5:
0x43: {  	v17 =	vsub.s32 v17, v3;
	v22 =	vmin.u32 v22, $0x7F6  }
0x44: {  	s22 =	sadd.s32 $0x100, s22;
	[tilespmem:v19+s15+$0x0] =	vst.idx.add.s32.msk vm7, v2;
	v11 =	vor.u32 v1, v11;
	s23 =	sadd.s32 $0x10, s23;
	s24 =	sadd.s32 $0x800, s24;
	vm7 =	vmmov vm6;
	vm5 =	vmmov vm11  }
0x45: {  	vm4 =	vge.s32 v15, v3;
	v15 =	vmin.u32 v14, $0x7FD;
	s25 =	sand.u32 $0x4000, s22;
	s26 =	sand.u32 $0x3800, s24;
	p0 =	slt.u32 s22, $0x7F00;
	v17 =	vshrl.u32 v17, $0x7;
	v19 =	vld [tilespmem:s21+$0x40]  }
0x46: {  	v9 =	vand.u32 $0x7FFFFFFF, v9;
	s28 =	sand.u32 $0x380, s23;
	v14 =	vor.u32 v1, v22;
	s25 =	sor.u32 s26, s25;
	v17 =	vmin.u32 v17, $0x7F1;
	v23 =	vld [tilespmem:s21+$0x50]  }
0x47: {  	v20 =	vor.u32 v1, v20;
	v21 =	vshrl.u32 v21, $0x7;
	vm11 =	vge.s32 v9, v3;
	s21 =	sor.u32 s28, s25;
	[tilespmem:v8+s15+$0x0] =	vst.idx.add.s32.msk vm3, v2  }
0x48: {  	vm9 =	vge.s32 v18, v3;
	v8 =	vsub.s32 v9, v3;
	vm3 =	vge.s32 v12, v3;
	v22 =	vld [tilespmem:s21+$0x460]  }
0x49: {  	v12 =	vmin.u32 v21, $0x7FC;
	v21 =	vor.u32 v1, v15;
	v8 =	vshrl.u32 v8, $0x7;
	v24 =	vld [tilespmem:s21+$0x440]  }
0x4a: {  	v16 =	vmin.u32 v16, $0x7F3;
	v15 =	vor.u32 v1, v17;
	v9 =	vld [tilespmem:s21+$0x0];
	v17 =	vand.u32 $0x7FFFFFFF, v19  }
0x4b: {  	v16 =	vor.u32 v1, v16;
	v18 =	vld [tilespmem:s21+$0x430];
	v19 =	vsub.s32 v17, v3;
	v23 =	vand.u32 $0x7FFFFFFF, v23  }
0x4c: {  	v8 =	vmin.u32 v8, $0x7F0;
	v25 =	vld [tilespmem:s21+$0x470];
	v19 =	vshrl.u32 v19, $0x7;
	v26 =	vsub.s32 v23, v3  }
0x4d: {  	vm12 =	vge.s32 v10, v3;
	vm10 =	vge.s32 v5, v3;
	v27 =	vld [tilespmem:s21+$0x10];
	v10 =	vmin.u32 v19, $0x7F4  }
0x4e: {  	v5 =	vshrl.u32 v26, $0x7;
	v19 =	vld [tilespmem:s21+$0x450];
	v28 =	vor.u32 v1, v10;
	v10 =	vsub.s32 v6, v3  }
0x4f: {  	vm8 =	vge.s32 v23, v3;
	v23 =	vor.u32 v1, v12;
	v5 =	vmin.u32 v5, $0x7F5;
	v26 =	vld [tilespmem:s21+$0x20]  }
0x50: {  	v7 =	vsub.s32 v7, v3;
	v30 =	vor.u32 v1, v5;
	v5 =	vshrl.u32 v10, $0x7;
	v29 =	vld [tilespmem:s21+$0x410]  }
0x51: {  	v4 =	vmin.u32 v4, $0x7F2;
	v31 =	vor.u32 v1, v8;
	v5 =	vmin.u32 v5, $0x7F7;
	v10 =	vld [tilespmem:s21+$0x420]  }
0x52: {  	v8 =	vand.u32 $0x7FFFFFFF, v25;
	v25 =	vor.u32 v1, v5;
	v5 =	vshrl.u32 v13, $0x7;
	v32 =	vld [tilespmem:s21+$0x30]  }
0x53: {  	vm13 =	vge.s32 v17, v3;
	v12 =	vsub.s32 v8, v3;
	v5 =	vmin.u32 v5, $0x7FB;
	v13 =	vld [tilespmem:s21+$0x60]  }
0x54: {  	vm14 =	vge.s32 v6, v3;
	v6 =	vshrl.u32 v7, $0x7;
	v12 =	vshrl.u32 v12, $0x7;
	[tilespmem:v20+s15+$0x0] =	vst.idx.add.s32.msk vm3, v2  }
0x55: {  	v7 =	vand.u32 $0x7FFFFFFF, v26;
	v12 =	vmin.u32 v12, $0x7FF;
	v26 =	vor.u32 v1, v4;
	v20 =	vld [tilespmem:s21+$0x400]  }
0x56: {  	vm3 =	vge.s32 v8, v3;
	vm6 =	vge.s32 v7, v3;
	v8 =	vor.u32 v1, v12;
	v33 =	vld [tilespmem:s21+$0x70]  }
0x57: {  	v4 =	vsub.s32 v7, v3;
	v12 =	vand.u32 $0x7FFFFFFF, v10;
	v10 =	vor.u32 v1, v5;
	[tilespmem:v23+s15+$0x0] =	vst.idx.add.s32.msk vm1, v2  }
0x58: {  	v17 =	vand.u32 $0x7FFFFFFF, v27;
	v4 =	vshrl.u32 v4, $0x7;
	v23 =	vsub.s32 v12, v3;
	[tilespmem:v31+s15+$0x0] =	vst.idx.add.s32.msk vm11, v2  }
0x59: {  	v6 =	vmin.u32 v6, $0x7F8;
	v5 =	vand.u32 $0x7FFFFFFF, v13;
	v13 =	vand.u32 $0x7FFFFFFF, v29;
	[tilespmem:v15+s15+$0x0] =	vst.idx.add.s32.msk vm2, v2  }
0x5a: {  	v27 =	vsub.s32 v5, v3;
	v7 =	vand.u32 $0x7FFFFFFF, v20;
	[tilespmem:v26+s15+$0x0] =	vst.idx.add.s32.msk vm7, v2;
	v20 =	vor.u32 v1, v6  }
0x5b: {  	v23 =	vshrl.u32 v23, $0x7;
	v15 =	vsub.s32 v13, v3;
	v6 =	vand.u32 $0x7FFFFFFF, v33;
	[tilespmem:v25+s15+$0x0] =	vst.idx.add.s32.msk vm14, v2  }
0x5c: {  	vm11 =	vge.s32 v7, v3;
	v25 =	vshrl.u32 v15, $0x7;
	v15 =	vand.u32 $0x7FFFFFFF, v19;
	[tilespmem:v10+s15+$0x0] =	vst.idx.add.s32.msk vm9, v2  }
0x5d: {  	vm7 =	vge.s32 v13, v3;
	v10 =	vand.u32 $0x7FFFFFFF, v32;
	v13 =	vmin.u32 v25, $0x7F9;
	[tilespmem:v28+s15+$0x0] =	vst.idx.add.s32.msk vm13, v2  }
0x5e: {  	v18 =	vand.u32 $0x7FFFFFFF, v18;
	v25 =	vsub.s32 v10, v3;
	v19 =	vor.u32 v1, v13;
	[tilespmem:v16+s15+$0x0] =	vst.idx.add.s32.msk vm12, v2  }
.Ltmp1:
0x5f: {  	v24 =	vand.u32 $0x7FFFFFFF, v24;
	v16 =	vshrl.u32 v25, $0x7;
	v25 =	vsub.s32 v15, v3;
	[tilespmem:v20+s15+$0x0] =	vst.idx.add.s32.msk vm5, v2;
	(pc) =	sbr.rel @p0 .LBB2_5-.Ltmp1, $4  }
0x60: {  	vm1 =	vge.s32 v24, v3;
	v26 =	vand.u32 $0x7FFFFFFF, v22;
	v13 =	vsub.s32 v18, v3;
	[tilespmem:v14+s15+$0x0] =	vst.idx.add.s32.msk vm10, v2  }
0x61: {  	v20 =	vmin.u32 v23, $0x7FA;
	v23 =	vsub.s32 v26, v3;
	v14 =	vshrl.u32 v25, $0x7;
	[tilespmem:v21+s15+$0x0] =	vst.idx.add.s32.msk vm4, v2  }
0x62: {  	v22 =	vshrl.u32 v27, $0x7;
	v23 =	vshrl.u32 v23, $0x7;
	v21 =	vsub.s32 v24, v3;
	[tilespmem:v11+s15+$0x0] =	vst.idx.add.s32.msk vm0, v2  }
0x63: {  	vm2 =	vge.s32 v17, v3;
	vm0 =	vge.s32 v26, v3;
	v11 =	vmin.u32 v23, $0x7FE;
	[tilespmem:v30+s15+$0x0] =	vst.idx.add.s32.msk vm8, v2  }
0x64: {  	_ =	sdelay $0x1  }
0x65: {  	v17 =	vsub.s32 v17, v3;
	v22 =	vmin.u32 v22, $0x7F6;
	vm5 =	vmmov vm6  }
0x66: {  	vm4 =	vmmov vm11;
	v9 =	vand.u32 $0x7FFFFFFF, v9;
	v20 =	vor.u32 v1, v20  }
0x67: {  	v23 =	vld [tilespmem:s21+$0x40];
	v21 =	vshrl.u32 v21, $0x7;
	vm9 =	vge.s32 v12, v3;
	vm6 =	vge.s32 v18, v3  }
0x68: {  	[tilespmem:v8+s15+$0x0] =	vst.idx.add.s32.msk vm3, v2;
	v4 =	vmin.u32 v4, $0x7F2;
	v13 =	vshrl.u32 v13, $0x7;
	vm3 =	vge.s32 v6, v3  }
0x69: {  	v11 =	vor.u32 v1, v11;
	v17 =	vshrl.u32 v17, $0x7;
	vm8 =	vge.s32 v9, v3  }
0x6a: {  	v9 =	vsub.s32 v9, v3;
	v12 =	vmin.u32 v21, $0x7FC;
	v21 =	vsub.s32 v6, v3  }
0x6b: {  	v4 =	vor.u32 v1, v4;
	v6 =	vsub.s32 v7, v3;
	v17 =	vmin.u32 v17, $0x7F1  }
0x6c: {  	v9 =	vshrl.u32 v9, $0x7;
	v12 =	vor.u32 v1, v12;
	v18 =	vand.u32 $0x7FFFFFFF, v23  }
0x6d: {  	[tilespmem:v19+s15+$0x0] =	vst.idx.add.s32.msk vm7, v2;
	v21 =	vshrl.u32 v21, $0x7;
	v17 =	vor.u32 v1, v17;
	v19 =	vsub.s32 v18, v3  }
0x6e: {  	v9 =	vmin.u32 v9, $0x7F0;
	v8 =	vshrl.u32 v19, $0x7;
	v19 =	vmin.u32 v21, $0x7F7;
	v21 =	vld [tilespmem:s21+$0x50]  }
0x6f: {  	v13 =	vmin.u32 v13, $0x7FB;
	v6 =	vshrl.u32 v6, $0x7;
	v9 =	vor.u32 v1, v9;
	[tilespmem:v11+s15+$0x0] =	vst.idx.add.s32.msk vm0, v2  }
0x70: {  	v13 =	vor.u32 v1, v13;
	v6 =	vmin.u32 v6, $0x7F8;
	[tilespmem:v20+s15+$0x0] =	vst.idx.add.s32.msk vm9, v2;
	v7 =	vor.u32 v1, v19  }
0x71: {  	v16 =	vmin.u32 v16, $0x7F3;
	vm7 =	vge.s32 v18, v3;
	[tilespmem:v4+s15+$0x0] =	vst.idx.add.s32.msk vm5, v2;
	v4 =	vor.u32 v1, v6  }
0x72: {  	v6 =	vor.u32 v1, v22;
	[tilespmem:v12+s15+$0x0] =	vst.idx.add.s32.msk vm1, v2;
	vm1 =	vge.s32 v10, v3;
	v8 =	vmin.u32 v8, $0x7F4  }
0x73: {  	[tilespmem:v17+s15+$0x0] =	vst.idx.add.s32.msk vm2, v2;
	vm2 =	vge.s32 v5, v3;
	v8 =	vor.u32 v1, v8;
	v10 =	vand.u32 $0x7FFFFFFF, v21  }
0x74: {  	[tilespmem:v9+s15+$0x0] =	vst.idx.add.s32.msk vm8, v2;
	v9 =	vor.u32 v1, v16;
	v12 =	vsub.s32 v10, v3  }
0x75: {  	v5 =	vmin.u32 v14, $0x7FD;
	vm8 =	vge.s32 v15, v3;
	[tilespmem:v7+s15+$0x0] =	vst.idx.add.s32.msk vm3, v2;
	v7 =	vshrl.u32 v12, $0x7  }
0x76: {  	[tilespmem:v13+s15+$0x0] =	vst.idx.add.s32.msk vm6, v2;
	v5 =	vor.u32 v1, v5;
	vm3 =	vge.s32 v10, v3;
	v7 =	vmin.u32 v7, $0x7F5  }
0x77: {  	[tilespmem:v4+s15+$0x0] =	vst.idx.add.s32.msk vm4, v2;
	v7 =	vor.u32 v1, v7  }
0x78: {  	[tilespmem:v8+s15+$0x0] =	vst.idx.add.s32.msk vm7, v2  }
0x79: {  	s30 =	sshll.u32 s20, $0x5;
	[tilespmem:v9+s15+$0x0] =	vst.idx.add.s32.msk vm1, v2  }
0x7a: {  	p0 =	seq.s32 s20, $0xF;
	s21 =	sadd.s32 s5, s30;
	[tilespmem:v6+s15+$0x0] =	vst.idx.add.s32.msk vm2, v2  }
0x7b: {  	s22 =	sshll.u32 @!p0 s21, $0x8;
	[tilespmem:v5+s15+$0x0] =	vst.idx.add.s32.msk vm8, v2  }
0x7c: {  	s23 =	simm.s32 @!p0 $0x0;
	s22 =	sadd.s32 @!p0 s22, s7;
	[tilespmem:v7+s15+$0x0] =	vst.idx.add.s32.msk vm3, v2  }
0x7d: {  	[tilespmem:s23], [sflag:$0x1] =	stream.linear.gather @!p0 [hbm4b:s22+s23], $0x8000, $0x38;
	[tilespmem:$0x18880] =	vst v63  }
0x7e: {  	s24 =	simm.s32 $0x0;
	s23 =	simm.s32 $0x0  }
0x7f: {  	s31 =	sand.u32 $0x4000, s24;
	_ =	swait.ge [sflag:s16], $0x8000;
	s25 =	sand.u32 $0x3800, s23  }
0x80: {  	s26 =	sand.u32 $0x380, s23;
	[sflag:s16] =	ssyncset.done $0x0;
	s22 =	sor.u32 s25, s31  }
0x81: {  	[sflag:s16] =	ssyncadd.s32 $0xFFFF8000;
	s22 =	sor.u32 s26, s22  }
0x82: {  	v4 =	vld [tilespmem:s22+$0x8470]  }
0x83: {  	v5 =	vld [tilespmem:s22+$0x8010]  }
0x84: {  	v6 =	vld [tilespmem:s22+$0x8020]  }
0x85: {  	v7 =	vld [tilespmem:s22+$0x8410]  }
0x86: {  	v9 =	vld [tilespmem:s22+$0x8420]  }
0x87: {  	v10 =	vld [tilespmem:s22+$0x8060]  }
0x88: {  	v11 =	vld [tilespmem:s22+$0x8400];
	_ =	sdelay $0x1  }
0x89: {  	v12 =	vld [tilespmem:s22+$0x8070]  }
0x8a: {  	v4 =	vand.u32 $0x7FFFFFFF, v4;
	v6 =	vand.u32 $0x7FFFFFFF, v6  }
0x8b: {  	v13 =	vand.u32 $0x7FFFFFFF, v9;
	v17 =	vand.u32 $0x7FFFFFFF, v5;
	v5 =	vand.u32 $0x7FFFFFFF, v10  }
0x8c: {  	v14 =	vld [tilespmem:s22+$0x8450];
	v18 =	vand.u32 $0x7FFFFFFF, v7;
	v7 =	vand.u32 $0x7FFFFFFF, v11;
	v8 =	vsub.s32 v4, v3  }
0x8d: {  	v16 =	vld [tilespmem:s22+$0x8030];
	vm6 =	vge.s32 v6, v3;
	vm3 =	vge.s32 v4, v3;
	v4 =	vsub.s32 v6, v3  }
0x8e: {  	v20 =	vld [tilespmem:s22+$0x8440];
	v15 =	vsub.s32 v13, v3;
	v21 =	vsub.s32 v5, v3;
	v6 =	vand.u32 $0x7FFFFFFF, v12  }
0x8f: {  	v9 =	vld [tilespmem:s22+$0x8430];
	v10 =	vsub.s32 v18, v3;
	vm11 =	vge.s32 v7, v3;
	vm7 =	vge.s32 v18, v3  }
0x90: {  	v11 =	vld [tilespmem:s22+$0x8460];
	vm2 =	vge.s32 v17, v3;
	v8 =	vshrl.u32 v8, $0x7;
	v4 =	vshrl.u32 v4, $0x7  }
0x91: {  	v22 =	vshrl.u32 v15, $0x7;
	v12 =	vshrl.u32 v10, $0x7;
	v15 =	vand.u32 $0x7FFFFFFF, v14  }
0x92: {  	v10 =	vand.u32 $0x7FFFFFFF, v16;
	v8 =	vmin.u32 v8, $0x7FF;
	v12 =	vmin.u32 v12, $0x7F9  }
0x93: {  	v14 =	vsub.s32 v10, v3;
	v8 =	vor.u32 v1, v8;
	v19 =	vor.u32 v1, v12  }
0x94: {  	v16 =	vshrl.u32 v14, $0x7;
	v14 =	vsub.s32 v15, v3;
	v18 =	vand.u32 $0x7FFFFFFF, v9  }
0x95: {  	v9 =	vand.u32 $0x7FFFFFFF, v20;
	v11 =	vand.u32 $0x7FFFFFFF, v11;
	v20 =	vmin.u32 v22, $0x7FA  }
0x96: {  	v14 =	vshrl.u32 v14, $0x7;
	v22 =	vshrl.u32 v21, $0x7;
	v23 =	vsub.s32 v11, v3  }
0x97: {  	vm1 =	vge.s32 v9, v3;
	v21 =	vsub.s32 v9, v3;
	v9 =	vld [tilespmem:s22+$0x8000];
	v23 =	vshrl.u32 v23, $0x7  }
0x98: {  	s25 =	simm.s32 $0x0;
	v12 =	vsub.s32 v18, v3;
	vm0 =	vge.s32 v11, v3;
	v11 =	vmin.u32 v23, $0x7FE  }
.LBB2_7:
0x99: {  	v17 =	vsub.s32 v17, v3;
	v22 =	vmin.u32 v22, $0x7F6  }
0x9a: {  	s24 =	sadd.s32 $0x100, s24;
	[tilespmem:v19+s15+$0x0] =	vst.idx.add.s32.msk vm7, v2;
	v11 =	vor.u32 v1, v11;
	s23 =	sadd.s32 $0x10, s23;
	s25 =	sadd.s32 $0x800, s25;
	vm7 =	vmmov vm6;
	vm5 =	vmmov vm11  }
0x9b: {  	vm4 =	vge.s32 v15, v3;
	v15 =	vmin.u32 v14, $0x7FD;
	s26 =	sand.u32 $0x4000, s24;
	s28 =	sand.u32 $0x3800, s25;
	p1 =	slt.u32 s24, $0x7F00;
	v17 =	vshrl.u32 v17, $0x7;
	v19 =	vld [tilespmem:s22+$0x8040]  }
0x9c: {  	v9 =	vand.u32 $0x7FFFFFFF, v9;
	s29 =	sand.u32 $0x380, s23;
	v14 =	vor.u32 v1, v22;
	s26 =	sor.u32 s28, s26;
	v17 =	vmin.u32 v17, $0x7F1;
	v23 =	vld [tilespmem:s22+$0x8050]  }
0x9d: {  	v20 =	vor.u32 v1, v20;
	v21 =	vshrl.u32 v21, $0x7;
	vm11 =	vge.s32 v9, v3;
	s22 =	sor.u32 s29, s26;
	[tilespmem:v8+s15+$0x0] =	vst.idx.add.s32.msk vm3, v2  }
0x9e: {  	vm9 =	vge.s32 v18, v3;
	v8 =	vsub.s32 v9, v3;
	vm3 =	vge.s32 v13, v3;
	v22 =	vld [tilespmem:s22+$0x8460]  }
0x9f: {  	v13 =	vmin.u32 v21, $0x7FC;
	v21 =	vor.u32 v1, v15;
	v8 =	vshrl.u32 v8, $0x7;
	v24 =	vld [tilespmem:s22+$0x8440]  }
0xa0: {  	v16 =	vmin.u32 v16, $0x7F3;
	v15 =	vor.u32 v1, v17;
	v9 =	vld [tilespmem:s22+$0x8000];
	v17 =	vand.u32 $0x7FFFFFFF, v19  }
0xa1: {  	v16 =	vor.u32 v1, v16;
	v18 =	vld [tilespmem:s22+$0x8430];
	v19 =	vsub.s32 v17, v3;
	v23 =	vand.u32 $0x7FFFFFFF, v23  }
0xa2: {  	v8 =	vmin.u32 v8, $0x7F0;
	v25 =	vld [tilespmem:s22+$0x8470];
	v19 =	vshrl.u32 v19, $0x7;
	v26 =	vsub.s32 v23, v3  }
0xa3: {  	vm12 =	vge.s32 v10, v3;
	vm10 =	vge.s32 v5, v3;
	v27 =	vld [tilespmem:s22+$0x8010];
	v10 =	vmin.u32 v19, $0x7F4  }
0xa4: {  	v5 =	vshrl.u32 v26, $0x7;
	v19 =	vld [tilespmem:s22+$0x8450];
	v28 =	vor.u32 v1, v10;
	v10 =	vsub.s32 v6, v3  }
0xa5: {  	vm8 =	vge.s32 v23, v3;
	v23 =	vor.u32 v1, v13;
	v5 =	vmin.u32 v5, $0x7F5;
	v26 =	vld [tilespmem:s22+$0x8020]  }
0xa6: {  	v7 =	vsub.s32 v7, v3;
	v30 =	vor.u32 v1, v5;
	v5 =	vshrl.u32 v10, $0x7;
	v29 =	vld [tilespmem:s22+$0x8410]  }
0xa7: {  	v4 =	vmin.u32 v4, $0x7F2;
	v31 =	vor.u32 v1, v8;
	v5 =	vmin.u32 v5, $0x7F7;
	v10 =	vld [tilespmem:s22+$0x8420]  }
0xa8: {  	v8 =	vand.u32 $0x7FFFFFFF, v25;
	v25 =	vor.u32 v1, v5;
	v5 =	vshrl.u32 v12, $0x7;
	v32 =	vld [tilespmem:s22+$0x8030]  }
0xa9: {  	vm13 =	vge.s32 v17, v3;
	v13 =	vsub.s32 v8, v3;
	v5 =	vmin.u32 v5, $0x7FB;
	v12 =	vld [tilespmem:s22+$0x8060]  }
0xaa: {  	vm14 =	vge.s32 v6, v3;
	v6 =	vshrl.u32 v7, $0x7;
	v13 =	vshrl.u32 v13, $0x7;
	[tilespmem:v20+s15+$0x0] =	vst.idx.add.s32.msk vm3, v2  }
0xab: {  	v7 =	vand.u32 $0x7FFFFFFF, v26;
	v13 =	vmin.u32 v13, $0x7FF;
	v26 =	vor.u32 v1, v4;
	v20 =	vld [tilespmem:s22+$0x8400]  }
0xac: {  	vm3 =	vge.s32 v8, v3;
	vm6 =	vge.s32 v7, v3;
	v8 =	vor.u32 v1, v13;
	v33 =	vld [tilespmem:s22+$0x8070]  }
0xad: {  	v4 =	vsub.s32 v7, v3;
	v13 =	vand.u32 $0x7FFFFFFF, v10;
	v10 =	vor.u32 v1, v5;
	[tilespmem:v23+s15+$0x0] =	vst.idx.add.s32.msk vm1, v2  }
0xae: {  	v17 =	vand.u32 $0x7FFFFFFF, v27;
	v4 =	vshrl.u32 v4, $0x7;
	v23 =	vsub.s32 v13, v3;
	[tilespmem:v31+s15+$0x0] =	vst.idx.add.s32.msk vm11, v2  }
0xaf: {  	v6 =	vmin.u32 v6, $0x7F8;
	v5 =	vand.u32 $0x7FFFFFFF, v12;
	v12 =	vand.u32 $0x7FFFFFFF, v29;
	[tilespmem:v15+s15+$0x0] =	vst.idx.add.s32.msk vm2, v2  }
0xb0: {  	v27 =	vsub.s32 v5, v3;
	v7 =	vand.u32 $0x7FFFFFFF, v20;
	[tilespmem:v26+s15+$0x0] =	vst.idx.add.s32.msk vm7, v2;
	v20 =	vor.u32 v1, v6  }
0xb1: {  	v23 =	vshrl.u32 v23, $0x7;
	v15 =	vsub.s32 v12, v3;
	v6 =	vand.u32 $0x7FFFFFFF, v33;
	[tilespmem:v25+s15+$0x0] =	vst.idx.add.s32.msk vm14, v2  }
0xb2: {  	vm11 =	vge.s32 v7, v3;
	v25 =	vshrl.u32 v15, $0x7;
	v15 =	vand.u32 $0x7FFFFFFF, v19;
	[tilespmem:v10+s15+$0x0] =	vst.idx.add.s32.msk vm9, v2  }
0xb3: {  	vm7 =	vge.s32 v12, v3;
	v10 =	vand.u32 $0x7FFFFFFF, v32;
	v12 =	vmin.u32 v25, $0x7F9;
	[tilespmem:v28+s15+$0x0] =	vst.idx.add.s32.msk vm13, v2  }
0xb4: {  	v18 =	vand.u32 $0x7FFFFFFF, v18;
	v25 =	vsub.s32 v10, v3;
	v19 =	vor.u32 v1, v12;
	[tilespmem:v16+s15+$0x0] =	vst.idx.add.s32.msk vm12, v2  }
.Ltmp2:
0xb5: {  	v24 =	vand.u32 $0x7FFFFFFF, v24;
	v16 =	vshrl.u32 v25, $0x7;
	v25 =	vsub.s32 v15, v3;
	[tilespmem:v20+s15+$0x0] =	vst.idx.add.s32.msk vm5, v2;
	(pc) =	sbr.rel @p1 .LBB2_7-.Ltmp2, $4  }
0xb6: {  	vm1 =	vge.s32 v24, v3;
	v26 =	vand.u32 $0x7FFFFFFF, v22;
	v12 =	vsub.s32 v18, v3;
	[tilespmem:v14+s15+$0x0] =	vst.idx.add.s32.msk vm10, v2  }
0xb7: {  	v20 =	vmin.u32 v23, $0x7FA;
	v23 =	vsub.s32 v26, v3;
	v14 =	vshrl.u32 v25, $0x7;
	[tilespmem:v21+s15+$0x0] =	vst.idx.add.s32.msk vm4, v2  }
0xb8: {  	v22 =	vshrl.u32 v27, $0x7;
	v23 =	vshrl.u32 v23, $0x7;
	v21 =	vsub.s32 v24, v3;
	[tilespmem:v11+s15+$0x0] =	vst.idx.add.s32.msk vm0, v2  }
0xb9: {  	vm2 =	vge.s32 v17, v3;
	vm0 =	vge.s32 v26, v3;
	v11 =	vmin.u32 v23, $0x7FE;
	[tilespmem:v30+s15+$0x0] =	vst.idx.add.s32.msk vm8, v2  }
0xba: {  	v17 =	vsub.s32 v17, v3;
	v22 =	vmin.u32 v22, $0x7F6  }
0xbb: {  	vm9 =	vge.s32 v13, v3;
	vm5 =	vmmov vm6;
	v9 =	vand.u32 $0x7FFFFFFF, v9  }
0xbc: {  	vm4 =	vmmov vm11;
	v20 =	vor.u32 v1, v20;
	v21 =	vshrl.u32 v21, $0x7  }
0xbd: {  	vm6 =	vge.s32 v18, v3;
	v16 =	vmin.u32 v16, $0x7F3;
	v52 =	vsub.s32 v6, v3  }
0xbe: {  	v4 =	vmin.u32 v4, $0x7F2;
	v12 =	vshrl.u32 v12, $0x7;
	vm15 =	vge.s32 v6, v3  }
0xbf: {  	v57 =	vsub.s32 v7, v3;
	vm12 =	vge.s32 v10, v3;
	v11 =	vor.u32 v1, v11  }
0xc0: {  	v50 =	vld [tilespmem:s22+$0x8040];
	vm13 =	vge.s32 v15, v3;
	vm14 =	vge.s32 v5, v3;
	v5 =	vmin.u32 v14, $0x7FD  }
0xc1: {  	[tilespmem:v19+s15+$0x0] =	vst.idx.add.s32.msk vm7, v2;
	v17 =	vshrl.u32 v17, $0x7;
	vm8 =	vge.s32 v9, v3;
	v4 =	vor.u32 v1, v4  }
0xc2: {  	[tilespmem:v8+s15+$0x0] =	vst.idx.add.s32.msk vm3, v2;
	v9 =	vsub.s32 v9, v3;
	v51 =	vmin.u32 v21, $0x7FC;
	v59 =	vor.u32 v1, v16  }
0xc3: {  	v56 =	vld [tilespmem:s22+$0x8050];
	v21 =	vshrl.u32 v52, $0x7;
	v12 =	vmin.u32 v12, $0x7FB;
	v61 =	vor.u32 v1, v22  }
0xc4: {  	v6 =	vshrl.u32 v57, $0x7;
	v5 =	vor.u32 v1, v5;
	v17 =	vmin.u32 v17, $0x7F1;
	[tilespmem:v11+s15+$0x0] =	vst.idx.add.s32.msk vm0, v2  }
0xc5: {  	v9 =	vshrl.u32 v9, $0x7;
	v18 =	vor.u32 v1, v51;
	v55 =	vmin.u32 v21, $0x7F7;
	[tilespmem:v20+s15+$0x0] =	vst.idx.add.s32.msk vm9, v2  }
0xc6: {  	v12 =	vor.u32 v1, v12;
	v6 =	vmin.u32 v6, $0x7F8;
	v58 =	vor.u32 v1, v55;
	[tilespmem:v4+s15+$0x0] =	vst.idx.add.s32.msk vm5, v2  }
0xc7: {  	v17 =	vor.u32 v1, v17;
	v9 =	vmin.u32 v9, $0x7F0;
	v13 =	vand.u32 $0x7FFFFFFF, v50;
	[tilespmem:v59+s15+$0x0] =	vst.idx.add.s32.msk vm12, v2  }
0xc8: {  	v9 =	vor.u32 v1, v9;
	v60 =	vand.u32 $0x7FFFFFFF, v56;
	v53 =	vsub.s32 v13, v3;
	[tilespmem:v61+s15+$0x0] =	vst.idx.add.s32.msk vm14, v2  }
0xc9: {  	vm7 =	vge.s32 v13, v3;
	v62 =	vsub.s32 v60, v3;
	[tilespmem:v5+s15+$0x0] =	vst.idx.add.s32.msk vm13, v2;
	v54 =	vshrl.u32 v53, $0x7  }
0xca: {  	v4 =	vor.u32 v1, v6;
	[tilespmem:v18+s15+$0x0] =	vst.idx.add.s32.msk vm1, v2;
	v63 =	vshrl.u32 v62, $0x7;
	v8 =	vmin.u32 v54, $0x7F4  }
0xcb: {  	[tilespmem:v58+s15+$0x0] =	vst.idx.add.s32.msk vm15, v2;
	vm15 =	vge.s32 v60, v3;
	v7 =	vmin.u32 v63, $0x7F5;
	v8 =	vor.u32 v1, v8  }
0xcc: {  	[tilespmem:v12+s15+$0x0] =	vst.idx.add.s32.msk vm6, v2;
	v7 =	vor.u32 v1, v7  }
.Ltmp3:
0xcd: {  	[tilespmem:v17+s15+$0x0] =	vst.idx.add.s32.msk vm2, v2;
	(pc) =	sbr.rel @p0 .LBB2_9-.Ltmp3, $4  }
0xce: {  	[tilespmem:v9+s15+$0x0] =	vst.idx.add.s32.msk vm8, v2  }
0xcf: {  	[tilespmem:v4+s15+$0x0] =	vst.idx.add.s32.msk vm4, v2  }
0xd0: {  	[tilespmem:v8+s15+$0x0] =	vst.idx.add.s32.msk vm7, v2  }
0xd1: {  	[tilespmem:v7+s15+$0x0] =	vst.idx.add.s32.msk vm15, v2  }
.Ltmp4:
0xd2: {  	(pc) =	sbr.rel .LBB2_4-.Ltmp4, $4  }
0xd3: {  	_ = 	snop  }
0xd4: {  	s21 =	sshll.u32 s21, $0x8  }
0xd5: {  	s20 =	sadd.s32 $0x1, s20;
	s21 =	sadd.s32 s21, s8  }
0xd6: {  	[tilespmem:s13], [sflag:$0x2] =	stream.linear.gather [hbm4b:s21+s2], $0x8000, $0x38;
	[tilespmem:$0x18880] =	vst v63  }
.LBB2_9:
0xd7: {  	s20 =	simm.s32 $0x10000;
	s21 =	simm.s32 $0x0  }
0xd8: {  	v3 =	vld [tilespmem:s20+$0x0];
	s21 =	sand.u32 $0x7F0, s21  }
0xd9: {  	v4 =	vld [tilespmem:s21+$0x10800]  }
0xda: {  	v5 =	vld [tilespmem:s21+$0x11000]  }
0xdb: {  	v6 =	vld [tilespmem:s21+$0x11800]  }
0xdc: {  	v7 =	vld [tilespmem:s21+$0x12000]  }
0xdd: {  	v8 =	vld [tilespmem:s21+$0x12800]  }
0xde: {  	v9 =	vld [tilespmem:s21+$0x13000]  }
0xdf: {  	v10 =	vld [tilespmem:s21+$0x13800]  }
0xe0: {  	v11 =	vld [tilespmem:s21+$0x14000]  }
0xe1: {  	v12 =	vld [tilespmem:s21+$0x14800]  }
0xe2: {  	v13 =	vld [tilespmem:s21+$0x15000]  }
0xe3: {  	v14 =	vld [tilespmem:s21+$0x15800]  }
0xe4: {  	v15 =	vld [tilespmem:s21+$0x16000]  }
0xe5: {  	v16 =	vld [tilespmem:s21+$0x16800]  }
0xe6: {  	v17 =	vld [tilespmem:s21+$0x17000]  }
0xe7: {  	s20 =	simm.s32 $0x10;
	v18 =	vld [tilespmem:s21+$0x17800];
	s21 =	simm.s32 $0x10010;
	v3 =	vadd.s32 v3, v4  }
0xe8: {  	s22 =	sand.u32 $0x7F0, s20;
	v4 =	vld [tilespmem:s21+$0x0];
	v3 =	vadd.s32 v5, v3  }
0xe9: {  	v5 =	vld [tilespmem:s22+$0x10800];
	v3 =	vadd.s32 v6, v3  }
0xea: {  	v6 =	vld [tilespmem:s22+$0x11000];
	v3 =	vadd.s32 v7, v3  }
0xeb: {  	v7 =	vld [tilespmem:s22+$0x11800];
	v3 =	vadd.s32 v8, v3  }
0xec: {  	v8 =	vld [tilespmem:s22+$0x12000];
	v3 =	vadd.s32 v9, v3  }
0xed: {  	v9 =	vld [tilespmem:s22+$0x12800];
	v3 =	vadd.s32 v10, v3  }
0xee: {  	v4 =	vadd.s32 v4, v5;
	v10 =	vld [tilespmem:s22+$0x13000];
	v3 =	vadd.s32 v11, v3  }
0xef: {  	v4 =	vadd.s32 v6, v4;
	v6 =	vld [tilespmem:s22+$0x13800];
	v3 =	vadd.s32 v12, v3  }
0xf0: {  	v4 =	vadd.s32 v7, v4;
	v7 =	vld [tilespmem:s22+$0x14000];
	v3 =	vadd.s32 v13, v3  }
0xf1: {  	v4 =	vadd.s32 v8, v4;
	v8 =	vld [tilespmem:s22+$0x14800];
	v3 =	vadd.s32 v14, v3  }
0xf2: {  	v5 =	vld [tilespmem:s22+$0x15000];
	v4 =	vadd.s32 v9, v4;
	v3 =	vadd.s32 v15, v3  }
0xf3: {  	v4 =	vadd.s32 v10, v4;
	v9 =	vadd.s32 v16, v3;
	v3 =	vld [tilespmem:s22+$0x15800]  }
0xf4: {  	v6 =	vadd.s32 v6, v4;
	v4 =	vld [tilespmem:s22+$0x16000];
	v9 =	vadd.s32 v17, v9  }
0xf5: {  	s19 =	simm.s32 $0x18000;
	v7 =	vadd.s32 v7, v6;
	v6 =	vld [tilespmem:s22+$0x16800];
	v9 =	vadd.s32 v18, v9  }
0xf6: {  	v8 =	vadd.s32 v8, v7;
	v7 =	vld [tilespmem:s22+$0x17000];
	[tilespmem:s19+$0x0] =	vst v9  }
.LBB2_10:
0xf7: {  	s20 =	sadd.s32 $0x10, s20;
	v5 =	vadd.s32 v5, v8;
	v8 =	vld [tilespmem:s22+$0x17800];
	s21 =	sadd.s32 $0x10, s21  }
0xf8: {  	v9 =	vld [tilespmem:s21+$0x0];
	s22 =	sand.u32 $0x7F0, s20;
	p0 =	slt.u32 s20, $0x7F0;
	v3 =	vadd.s32 v3, v5  }
0xf9: {  	v5 =	vld [tilespmem:s22+$0x10800];
	v3 =	vadd.s32 v4, v3  }
0xfa: {  	v4 =	vld [tilespmem:s22+$0x11000];
	v3 =	vadd.s32 v6, v3  }
0xfb: {  	v6 =	vld [tilespmem:s22+$0x11800];
	v3 =	vadd.s32 v7, v3  }
0xfc: {  	s19 =	sadd.s32 $0x10, s19;
	v7 =	vld [tilespmem:s22+$0x12000];
	v3 =	vadd.s32 v8, v3  }
0xfd: {  	v8 =	vld [tilespmem:s22+$0x12800];
	[tilespmem:s19+$0x0] =	vst v3  }
0xfe: {  	v3 =	vadd.s32 v9, v5;
	v9 =	vld [tilespmem:s22+$0x13000]  }
0xff: {  	v3 =	vadd.s32 v4, v3;
	v4 =	vld [tilespmem:s22+$0x13800]  }
0x100: {  	v3 =	vadd.s32 v6, v3;
	v6 =	vld [tilespmem:s22+$0x14000]  }
0x101: {  	v3 =	vadd.s32 v7, v3;
	v7 =	vld [tilespmem:s22+$0x14800]  }
.Ltmp5:
0x102: {  	v3 =	vadd.s32 v8, v3;
	v5 =	vld [tilespmem:s22+$0x15000];
	(pc) =	sbr.rel @p0 .LBB2_10-.Ltmp5, $4  }
0x103: {  	v8 =	vadd.s32 v9, v3;
	v3 =	vld [tilespmem:s22+$0x15800]  }
0x104: {  	v8 =	vadd.s32 v4, v8;
	v4 =	vld [tilespmem:s22+$0x16000]  }
0x105: {  	v8 =	vadd.s32 v6, v8;
	v6 =	vld [tilespmem:s22+$0x16800]  }
0x106: {  	v8 =	vadd.s32 v7, v8;
	v7 =	vld [tilespmem:s22+$0x17000]  }
0x107: {  	v5 =	vadd.s32 v5, v8;
	v63 =	vld [tilespmem:s22+$0x17800]  }
0x108: {  	v3 =	vadd.s32 v3, v5  }
0x109: {  	v3 =	vadd.s32 v4, v3  }
0x10a: {  	v3 =	vadd.s32 v6, v3  }
0x10b: {  	s18 =	sadd.s32 $0x1, s18;
	v3 =	vadd.s32 v7, v3  }
0x10c: {  	s19 =	sadd.s32 $0x10, s19;
	p0 =	sne.s32 s18, s10;
	v3 =	vadd.s32 v63, v3  }
.Ltmp6:
0x10d: {  	[tilespmem:s19+$0x0] =	vst v3;
	(pc) =	sbr.rel @p0 .LBB2_1-.Ltmp6, $4  }
0x10e: {  	[hbm4b:s9+s2] =	stream.linear.scatter [tilespmem:s17], [sflag:$0x3], $0x800, $0x38;
	[tilespmem:$0x18880] =	vst v63  }
0x10f: {  	_ =	swait.ge [sflag:s12], $0x800  }
0x110: {  	[sflag:s12] =	ssyncset.done $0x0  }
0x111: {  	[sflag:s12] =	ssyncadd.s32 $0xFFFFF800  }
0x112: {  	_ =	sfence.sel $0x180000  }
0x113: {  	[bflag:$0x0] =	sbarrier.arrive $0xFFFF  }
0x114: {  	p0 =	sne.s32 s1, $0x0;
	_ =	strace $0x90000050  }
0x115: {  	s0 =	sadd.s32 @!p0 $0x100000, s0;
	[bflag:$0x2] =	sbarrier.arrive $0xFFFF  }
0x116: {  	[sflag:s0] =	ssyncadd.tile.s32 @!p0 $0x1;
	_ =	shalt  }
.Lfunc_end2:
_tile_overlayer_lowered:
.L_overlay_start_2:
0x117: {  	(tag) =	ssettag $0x2  }
0x118: {  	s0 =	rddreg [dreg:$0x0];
	s2 =	stileid.u32  }
0x119: {  	s1 =	rddreg [dreg:$0x1];
	p0 =	sne.s32 s2, $0x0  }
0x11a: {  	s3 =	rddreg [dreg:$0x2];
	[bflag:$0x3] =	sbarrier.arrive $0xFFFF;
	s2 =	simm.s32 @!p0 $0x1C03  }
0x11b: {  	[timem:s3], [sflag:s2] =	dma.local @!p0 [hbm:s0], s1  }
0x11c: {  	s0 =	simm.s32 @!p0 $0x3  }
0x11d: {  	_ =	swait.ge @!p0 [sflag:s0], s1  }
0x11e: {  	s1 =	ssub.s32 @!p0 $0x0, s1;
	[sflag:s0] =	ssyncset.done @!p0 $0x0  }
0x11f: {  	[sflag:s0] =	ssyncadd.s32 @!p0 s1  }
0x120: {  	[bflag:$0x3] =	sbarrier.arrive $0xFFFF  }
0x121: {  	_ =	shalt  }

</sc_bundles>
